<compile_context>
chip_gen: v7x
topology: tpu7x:2x2x1
jax: 0.10.2.dev20260603
libtpu: 0.0.44.dev20260713+nightly
codegen_flags: <defaults>
</compile_context>

<pallas_src>
import functools

import jax
import jax.numpy as jnp
from jax import lax
from jax.experimental import pallas as pl
from jax.experimental.pallas import tpu as pltpu
from jax.experimental.pallas import tpu_sc as plsc

N = 10000
E = 320000
C = 128
H = 8
D = 16
INV_SQRT_D = 1.0 / (D ** 0.5)

_BN = 1000

_NC = 2
_NS = 16
_NW = _NC * _NS
_EB = 40



def _proj_body(x_ref, wq_ref, wkv_ref, ws_ref, bq_ref, bkv_ref, bs_ref,
               q_ref, kv_ref, s_ref):
    xb = x_ref[...]
    q_ref[...] = jnp.dot(xb, wq_ref[...],
                         preferred_element_type=jnp.float32) + bq_ref[...]
    kv_ref[...] = jnp.dot(xb, wkv_ref[...],
                          preferred_element_type=jnp.float32) + bkv_ref[...]
    s_ref[...] = jnp.dot(xb, ws_ref[...],
                         preferred_element_type=jnp.float32) + bs_ref[...]


def _projections(x, Wq, bq, Wkv, bkv, Ws, bs):
    grid = (N // _BN,)
    full = lambda shape: pl.BlockSpec(shape, lambda i: (0, 0))
    return pl.pallas_call(
        _proj_body,
        grid=grid,
        in_specs=[
            pl.BlockSpec((_BN, C), lambda i: (i, 0)),
            full((C, C)), full((C, 2 * C)), full((C, C)),
            full((1, C)), full((1, 2 * C)), full((1, C)),
        ],
        out_specs=[
            pl.BlockSpec((_BN, C), lambda i: (i, 0)),
            pl.BlockSpec((_BN, 2 * C), lambda i: (i, 0)),
            pl.BlockSpec((_BN, C), lambda i: (i, 0)),
        ],
        out_shape=[
            jax.ShapeDtypeStruct((N, C), jnp.float32),
            jax.ShapeDtypeStruct((N, 2 * C), jnp.float32),
            jax.ShapeDtypeStruct((N, C), jnp.float32),
        ],
    )(x, Wq, Wkv, Ws, bq, bkv, bs)



_NB = N // _EB
_DR = 1280
_DB = _DR // _EB


def _edge_body(q_hbm, kv_hbm, src_hbm, dst_hbm,
               num_out, den_out,
               src_v, dst_v, drow_v, qrows, kvrows, msg, den, semq, semkv,
               num_acc, den_acc):
    c = lax.axis_index("c")
    s = lax.axis_index("s")
    wid = s * _NC + c
    lane = lax.iota(jnp.int32, 16)
    zero16 = jnp.zeros((16,), jnp.float32)

    def zrow(r, carry):
        for h in range(H):
            msg[r, pl.ds(16 * h, 16)] = zero16
        return carry

    lax.fori_loop(0, _EB, zrow, 0, unroll=False)

    def zdrow(r, carry):
        for h in range(H):
            den[r, pl.ds(16 * h, 16)] = zero16
        return carry

    lax.fori_loop(0, _EB + 8, zdrow, 0, unroll=False)
    drow_v[pl.ds(32, 16)] = jnp.zeros((16,), jnp.int32)

    def zblk(j, carry):
        bi = j * _NS + s

        @pl.when(bi < _NB)
        def _():
            pltpu.sync_copy(msg, num_acc.at[pl.ds(bi * _EB, _EB)])

        @pl.when(bi < _DB)
        def _():
            pltpu.sync_copy(msg, den_acc.at[pl.ds(bi * _EB, _EB)])

        return carry

    lax.fori_loop(0, (_NB + _NS - 1) // _NS, zblk, 0, unroll=False)
    plsc.subcore_barrier()

    epw = E // _NW
    base_w = wid * epw
    xm = [jnp.bitwise_xor(lane, m) for m in (8, 4, 2, 1)]
    gdn = lax.GatherDimensionNumbers(offset_dims=(), collapsed_slice_dims=(0,),
                                     start_index_map=(0,))

    def take16(x, ix):
        return lax.gather(x, ix[:, None], gdn, (1,),
                          mode=lax.GatherScatterMode.PROMISE_IN_BOUNDS)

    def chunk_body(ci, carry):
        base = base_w + ci * _EB
        pltpu.sync_copy(src_hbm.at[pl.ds(base, _EB)], src_v)
        pltpu.sync_copy(dst_hbm.at[pl.ds(base, _EB)], dst_v)
        cq = pltpu.async_copy(q_hbm.at[dst_v], qrows, semq)
        ckv = pltpu.async_copy(kv_hbm.at[src_v], kvrows, semkv)
        cq.wait()
        ckv.wait()
        for g in (0, 1):
            dv = dst_v[pl.ds(16 * g, 16)]
            drow_v[pl.ds(16 * g, 16)] = lax.shift_right_logical(dv, 3)
        dv = dst_v[pl.ds(24, 16)]
        drow_v[pl.ds(24, 16)] = lax.shift_right_logical(dv, 3)

        def edge_body(e, carry2):
            wvecs = []
            for h in range(H):
                qh = qrows[e, pl.ds(16 * h, 16)]
                kh = kvrows[e, pl.ds(16 * h, 16)]
                p = qh * kh
                for ix in xm:
                    p = p + take16(p, ix)
                wh = jnp.exp(p * INV_SQRT_D)
                vh = kvrows[e, pl.ds(C + 16 * h, 16)]
                msg[e, pl.ds(16 * h, 16)] = wh * vh
                wvecs.append(wh)
            drow = jnp.zeros((16,), jnp.float32)
            for h in range(H):
                drow = jnp.where(lane == h, wvecs[h], drow)
            dvec = plsc.load_gather(dst_v, [jnp.full((16,), e, jnp.int32)])
            seg = jnp.bitwise_and(dvec, 7)
            for g in range(8):
                den[e, pl.ds(16 * g, 16)] = jnp.where(seg == g, drow, zero16)
            return carry2

        lax.fori_loop(0, _EB, edge_body, 0, unroll=4)
        pltpu.sync_copy(msg, num_acc.at[dst_v], add=True)
        pltpu.sync_copy(den, den_acc.at[drow_v], add=True)
        return carry

    lax.fori_loop(0, epw // _EB, chunk_body, 0, unroll=False)
    plsc.subcore_barrier()

    def dblk(j, carry):
        bi = j * _NS + s

        @pl.when(bi < _NB)
        def _():
            pltpu.sync_copy(num_acc.at[pl.ds(bi * _EB, _EB)], msg)
            pltpu.sync_copy(msg, num_out.at[pl.ds(c * N + bi * _EB, _EB)])

        @pl.when(bi < _DB)
        def _():
            pltpu.sync_copy(den_acc.at[pl.ds(bi * _EB, _EB)], msg)
            pltpu.sync_copy(msg, den_out.at[pl.ds(c * _DR + bi * _EB, _EB)])

        return carry

    lax.fori_loop(0, (_NB + _NS - 1) // _NS, dblk, 0, unroll=False)


def _edge_stage_sc(q, kv, src, dst):
    call = pl.kernel(
        _edge_body,
        out_type=[
            jax.ShapeDtypeStruct((_NC * N, C), jnp.float32),
            jax.ShapeDtypeStruct((_NC * _DR, C), jnp.float32),
        ],
        mesh=plsc.VectorSubcoreMesh(core_axis_name="c", subcore_axis_name="s"),
        scratch_types=[
            pltpu.VMEM((_EB,), jnp.int32),
            pltpu.VMEM((_EB,), jnp.int32),
            pltpu.VMEM((_EB + 8,), jnp.int32),
            pltpu.VMEM((_EB, C), jnp.float32),
            pltpu.VMEM((_EB, 2 * C), jnp.float32),
            pltpu.VMEM((_EB, C), jnp.float32),
            pltpu.VMEM((_EB + 8, C), jnp.float32),
            pltpu.SemaphoreType.DMA,
            pltpu.SemaphoreType.DMA,
            pltpu.VMEM_SHARED((N, C), jnp.float32),
            pltpu.VMEM_SHARED((_DR, C), jnp.float32),
        ],
        compiler_params=pltpu.CompilerParams(needs_layout_passes=False),
    )
    num_flat, den_flat = call(q, kv, src, dst)
    den2 = den_flat.reshape(_NC, _DR * 8, 16)[:, :N, :]
    return num_flat.reshape(_NC, N, C), den2



def _post_body(x_ref, skip_ref, num_ref, den_ref, r_ref, w1_ref, b1_ref,
               w2_ref, b2_ref, g1_ref, be1_ref, g2_ref, be2_ref, out_ref):
    num = num_ref[0] + num_ref[1]
    den = den_ref[0] + den_ref[1]
    den_rep = jnp.dot(den, r_ref[...],
                      preferred_element_type=jnp.float32)
    agg = num / (den_rep + 1e-16)
    h0 = x_ref[...] + agg + skip_ref[...]
    mu = jnp.mean(h0, axis=-1, keepdims=True)
    var = jnp.mean((h0 - mu) ** 2, axis=-1, keepdims=True)
    h = (h0 - mu) / jnp.sqrt(var + 1e-5) * g1_ref[...] + be1_ref[...]
    a1 = jnp.maximum(jnp.dot(h, w1_ref[...],
                             preferred_element_type=jnp.float32)
                     + b1_ref[...], 0.0)
    ffn = jnp.dot(a1, w2_ref[...],
                  preferred_element_type=jnp.float32) + b2_ref[...]
    h2 = h + ffn
    mu2 = jnp.mean(h2, axis=-1, keepdims=True)
    var2 = jnp.mean((h2 - mu2) ** 2, axis=-1, keepdims=True)
    out_ref[...] = ((h2 - mu2) / jnp.sqrt(var2 + 1e-5) * g2_ref[...]
                    + be2_ref[...])


def _post_stage(x, skip, num2, den2, W1, b1, W2, b2, g1, be1, g2, be2):
    R = (jnp.arange(C)[None, :] // D == jnp.arange(16)[:, None]
         ).astype(jnp.float32)
    grid = (N // _BN,)
    full = lambda shape: pl.BlockSpec(shape, lambda i: (0, 0))
    row = lambda w: pl.BlockSpec((_BN, w), lambda i: (i, 0))
    return pl.pallas_call(
        _post_body,
        grid=grid,
        in_specs=[
            row(C), row(C),
            pl.BlockSpec((2, _BN, C), lambda i: (0, i, 0)),
            pl.BlockSpec((2, _BN, 16), lambda i: (0, i, 0)),
            full((16, C)),
            full((C, 4 * C)), full((1, 4 * C)),
            full((4 * C, C)), full((1, C)),
            full((1, C)), full((1, C)), full((1, C)), full((1, C)),
        ],
        out_specs=row(C),
        out_shape=jax.ShapeDtypeStruct((N, C), jnp.float32),
    )(x, skip, num2, den2, R, W1, b1, W2, b2, g1, be1, g2, be2)



def kernel(x, edge_index, Wq, bq, Wk, bk, Wv, bv, Ws, bs,
           ln1_g, ln1_b, W1, b1, W2, b2, ln2_g, ln2_b):
    src = edge_index[0].astype(jnp.int32)
    dst = edge_index[1].astype(jnp.int32)
    Wkv = jnp.concatenate([Wk, Wv], axis=1)
    bkv = jnp.concatenate([bk, bv])
    q, kv, skip = _projections(x, Wq, bq.reshape(1, C), Wkv,
                               bkv.reshape(1, 2 * C), Ws, bs.reshape(1, C))
    num2, den2 = _edge_stage_sc(q, kv, src, dst)
    return _post_stage(x, skip, num2, den2, W1, b1.reshape(1, 4 * C),
                       W2, b2.reshape(1, C), ln1_g.reshape(1, C),
                       ln1_b.reshape(1, C), ln2_g.reshape(1, C),
                       ln2_b.reshape(1, C))

# --- scband reference (transcript-rebuilt; emitter-appended) ---
"""Pipeline reference for scband-transformer-block-1812476199286 (READ-ONLY COPY).

The authoritative reference and input builder live on the scoring server;
editing this copy changes nothing except your own understanding.
"""

import jax, jax.numpy as jnp
import numpy as np

N = 10000
E = 320000
C = 128
H = 8
D = C // H


def _layernorm(x, g, b, eps=1e-5):
    mu = jnp.mean(x, axis=-1, keepdims=True)
    var = jnp.mean((x - mu) ** 2, axis=-1, keepdims=True)
    return (x - mu) / jnp.sqrt(var + eps) * g + b


def setup_inputs(seed: int = 0) -> dict:
    key = jax.random.key(seed)
    ks = [jax.random.fold_in(key, i) for i in range(20)]
    s = 1.0 / np.sqrt(C)
    inp = {}
    inp['x'] = jax.random.normal(ks[0], (N, C), dtype=jnp.float32)
    inp['edge_index'] = jax.random.randint(ks[1], (2, E), 0, N, dtype=jnp.int64)
    inp['Wq'] = jax.random.uniform(ks[2], (C, C), jnp.float32, -s, s)
    inp['bq'] = jax.random.uniform(ks[3], (C,), jnp.float32, -s, s)
    inp['Wk'] = jax.random.uniform(ks[4], (C, C), jnp.float32, -s, s)
    inp['bk'] = jax.random.uniform(ks[5], (C,), jnp.float32, -s, s)
    inp['Wv'] = jax.random.uniform(ks[6], (C, C), jnp.float32, -s, s)
    inp['bv'] = jax.random.uniform(ks[7], (C,), jnp.float32, -s, s)
    inp['Ws'] = jax.random.uniform(ks[8], (C, C), jnp.float32, -s, s)
    inp['bs'] = jax.random.uniform(ks[9], (C,), jnp.float32, -s, s)
    inp['ln1_g'] = jnp.ones((C,), dtype=jnp.float32)
    inp['ln1_b'] = jnp.zeros((C,), dtype=jnp.float32)
    s1 = 1.0 / np.sqrt(C)
    inp['W1'] = jax.random.uniform(ks[10], (C, 4 * C), jnp.float32, -s1, s1)
    inp['b1'] = jax.random.uniform(ks[11], (4 * C,), jnp.float32, -s1, s1)
    s2 = 1.0 / np.sqrt(4 * C)
    inp['W2'] = jax.random.uniform(ks[12], (4 * C, C), jnp.float32, -s2, s2)
    inp['b2'] = jax.random.uniform(ks[13], (C,), jnp.float32, -s2, s2)
    inp['ln2_g'] = jnp.ones((C,), dtype=jnp.float32)
    inp['ln2_b'] = jnp.zeros((C,), dtype=jnp.float32)
    return inp


def reference(x, edge_index, Wq, bq, Wk, bk, Wv, bv, Ws, bs, ln1_g, ln1_b, W1, b1, W2, b2, ln2_g, ln2_b):
    src = edge_index[0]
    dst = edge_index[1]
    n = x.shape[0]
    q = (x @ Wq + bq).reshape(n, H, D)
    k = (x @ Wk + bk).reshape(n, H, D)
    v = (x @ Wv + bv).reshape(n, H, D)
    # per-edge attention logits: query at dst, key/value at src (PyG TransformerConv)
    qe = q[dst]
    ke = k[src]
    ve = v[src]
    logits = jnp.sum(qe * ke, axis=-1) / jnp.sqrt(float(D))  # [E, H]
    # segment softmax over incoming edges of each dst node
    m = jax.ops.segment_max(logits, dst, num_segments=n)
    m = jnp.where(jnp.isfinite(m), m, 0.0)
    ex = jnp.exp(logits - m[dst])
    denom = jax.ops.segment_sum(ex, dst, num_segments=n)
    alpha = ex / (denom[dst] + 1e-16)  # [E, H]
    msg = alpha[:, :, None] * ve  # [E, H, D]
    agg = jax.ops.segment_sum(msg, dst, num_segments=n).reshape(n, C)
    attn_out = agg + x @ Ws + bs  # root/skip weight of TransformerConv
    h = x + attn_out
    h = _layernorm(h, ln1_g, ln1_b)
    ffn = jnp.maximum(h @ W1 + b1, 0.0) @ W2 + b2
    h2 = h + ffn
    out = _layernorm(h2, ln2_g, ln2_b)
    return out

if __name__ == "__main__":
    import jax
    _d = setup_inputs()
    print(jax.jit(kernel)(*tuple(_d.values())))

</pallas_src>

<mosaic_0001>
#map = affine_map<(d0, d1) -> (0, 0)>
#map1 = affine_map<(d0, d1) -> (0)>
module attributes {stable_mosaic.version = 14 : i64} {
  func.func @_edge_body(%arg0: i32, %arg1: i32, %arg2: memref<10000x128xf32, #tpu.memory_space<hbm>>, %arg3: memref<10000x256xf32, #tpu.memory_space<hbm>>, %arg4: memref<320000xi32, #tpu.memory_space<hbm>>, %arg5: memref<320000xi32, #tpu.memory_space<hbm>>, %arg6: memref<20000x128xf32, #tpu.memory_space<hbm>>, %arg7: memref<2560x128xf32, #tpu.memory_space<hbm>>, %arg8: memref<40xi32, #tpu.memory_space<vmem>>, %arg9: memref<40xi32, #tpu.memory_space<vmem>>, %arg10: memref<48xi32, #tpu.memory_space<vmem>>, %arg11: memref<40x128xf32, #tpu.memory_space<vmem>>, %arg12: memref<40x256xf32, #tpu.memory_space<vmem>>, %arg13: memref<40x128xf32, #tpu.memory_space<vmem>>, %arg14: memref<48x128xf32, #tpu.memory_space<vmem>>, %arg15: memref<!tpu.dma_semaphore, #tpu.memory_space<semaphore_mem>>, %arg16: memref<!tpu.dma_semaphore, #tpu.memory_space<semaphore_mem>>, %arg17: memref<10000x128xf32, #tpu.memory_space<vmem_shared>>, %arg18: memref<1280x128xf32, #tpu.memory_space<vmem_shared>>) attributes {dimension_semantics = [#tpu.dimension_semantics<core_parallel>, #tpu.dimension_semantics<subcore_parallel>], iteration_bounds = array<i64: 2, 16>, scalar_prefetch = 0 : i64, scratch_operands = 11 : i64, tpu.core_type = #tpu.core_type<sc_vector_subcore>, window_params = [{transform_indices = #map}, {transform_indices = #map}, {transform_indices = #map1}, {transform_indices = #map1}, {transform_indices = #map}, {transform_indices = #map}]} {
    %mul3A = arith.constant 2 : i32
    %mul3A_0 = arith.muli %arg1, %mul3A : i32
    %add3A = arith.addi %mul3A_0, %arg0 : i32
    %iota3A = tpu.iota {dimensions = array<i32: 0>} : vector<16xi32>
    %broadcast_in_dim3A = arith.constant 0.000000e+00 : f32
    %broadcast_in_dim3A_1 = vector.broadcast %broadcast_in_dim3A : f32 to vector<16xf32>
    %scan3A = arith.constant 0 : i32
    %scan3A_2 = arith.constant 0 : i32
    %scan3A_3 = arith.constant 40 : i32
    %scan3A_4 = arith.addi %scan3A_2, %scan3A_3 : i32
    %scan3A_5 = arith.constant 1 : i32
    scf.for %scan3A_48 = %scan3A_2 to %scan3A_4 step %scan3A_5  : i32 {
      %swap3A_49 = arith.index_cast %scan3A_48 : i32 to index
      %swap3A_50 = arith.constant 0 : index
      %swap3A_51 = tpu.vector_load %arg13[%swap3A_49, %swap3A_50] {strides = array<i32>} : memref<40x128xf32, #tpu.memory_space<vmem>>, vector<16xf32>,
      tpu.vector_store %arg13[%swap3A_49, %swap3A_50], %broadcast_in_dim3A_1 {strides = array<i32>} : memref<40x128xf32, #tpu.memory_space<vmem>>, vector<16xf32>,
      %swap3A_52 = arith.index_cast %scan3A_48 : i32 to index
      %swap3A_53 = arith.constant 16 : index
      %swap3A_54 = tpu.vector_load %arg13[%swap3A_52, %swap3A_53] {strides = array<i32>} : memref<40x128xf32, #tpu.memory_space<vmem>>, vector<16xf32>,
      tpu.vector_store %arg13[%swap3A_52, %swap3A_53], %broadcast_in_dim3A_1 {strides = array<i32>} : memref<40x128xf32, #tpu.memory_space<vmem>>, vector<16xf32>,
      %swap3A_55 = arith.index_cast %scan3A_48 : i32 to index
      %swap3A_56 = arith.constant 32 : index
      %swap3A_57 = tpu.vector_load %arg13[%swap3A_55, %swap3A_56] {strides = array<i32>} : memref<40x128xf32, #tpu.memory_space<vmem>>, vector<16xf32>,
      tpu.vector_store %arg13[%swap3A_55, %swap3A_56], %broadcast_in_dim3A_1 {strides = array<i32>} : memref<40x128xf32, #tpu.memory_space<vmem>>, vector<16xf32>,
      %swap3A_58 = arith.index_cast %scan3A_48 : i32 to index
      %swap3A_59 = arith.constant 48 : index
      %swap3A_60 = tpu.vector_load %arg13[%swap3A_58, %swap3A_59] {strides = array<i32>} : memref<40x128xf32, #tpu.memory_space<vmem>>, vector<16xf32>,
      tpu.vector_store %arg13[%swap3A_58, %swap3A_59], %broadcast_in_dim3A_1 {strides = array<i32>} : memref<40x128xf32, #tpu.memory_space<vmem>>, vector<16xf32>,
      %swap3A_61 = arith.index_cast %scan3A_48 : i32 to index
      %swap3A_62 = arith.constant 64 : index
      %swap3A_63 = tpu.vector_load %arg13[%swap3A_61, %swap3A_62] {strides = array<i32>} : memref<40x128xf32, #tpu.memory_space<vmem>>, vector<16xf32>,
      tpu.vector_store %arg13[%swap3A_61, %swap3A_62], %broadcast_in_dim3A_1 {strides = array<i32>} : memref<40x128xf32, #tpu.memory_space<vmem>>, vector<16xf32>,
      %swap3A_64 = arith.index_cast %scan3A_48 : i32 to index
      %swap3A_65 = arith.constant 80 : index
      %swap3A_66 = tpu.vector_load %arg13[%swap3A_64, %swap3A_65] {strides = array<i32>} : memref<40x128xf32, #tpu.memory_space<vmem>>, vector<16xf32>,
      tpu.vector_store %arg13[%swap3A_64, %swap3A_65], %broadcast_in_dim3A_1 {strides = array<i32>} : memref<40x128xf32, #tpu.memory_space<vmem>>, vector<16xf32>,
      %swap3A_67 = arith.index_cast %scan3A_48 : i32 to index
      %swap3A_68 = arith.constant 96 : index
      %swap3A_69 = tpu.vector_load %arg13[%swap3A_67, %swap3A_68] {strides = array<i32>} : memref<40x128xf32, #tpu.memory_space<vmem>>, vector<16xf32>,
      tpu.vector_store %arg13[%swap3A_67, %swap3A_68], %broadcast_in_dim3A_1 {strides = array<i32>} : memref<40x128xf32, #tpu.memory_space<vmem>>, vector<16xf32>,
      %swap3A_70 = arith.index_cast %scan3A_48 : i32 to index
      %swap3A_71 = arith.constant 112 : index
      %swap3A_72 = tpu.vector_load %arg13[%swap3A_70, %swap3A_71] {strides = array<i32>} : memref<40x128xf32, #tpu.memory_space<vmem>>, vector<16xf32>,
      tpu.vector_store %arg13[%swap3A_70, %swap3A_71], %broadcast_in_dim3A_1 {strides = array<i32>} : memref<40x128xf32, #tpu.memory_space<vmem>>, vector<16xf32>,
    }
    %scan3A_6 = arith.constant 40 : i32
    %scan3A_7 = arith.constant 0 : i32
    %scan3A_8 = arith.constant 0 : i32
    %scan3A_9 = arith.constant 48 : i32
    %scan3A_10 = arith.addi %scan3A_8, %scan3A_9 : i32
    %scan3A_11 = arith.constant 1 : i32
    scf.for %scan3A_48 = %scan3A_8 to %scan3A_10 step %scan3A_11  : i32 {
      %swap3A_49 = arith.index_cast %scan3A_48 : i32 to index
      %swap3A_50 = arith.constant 0 : index
      %swap3A_51 = tpu.vector_load %arg14[%swap3A_49, %swap3A_50] {strides = array<i32>} : memref<48x128xf32, #tpu.memory_space<vmem>>, vector<16xf32>,
      tpu.vector_store %arg14[%swap3A_49, %swap3A_50], %broadcast_in_dim3A_1 {strides = array<i32>} : memref<48x128xf32, #tpu.memory_space<vmem>>, vector<16xf32>,
      %swap3A_52 = arith.index_cast %scan3A_48 : i32 to index
      %swap3A_53 = arith.constant 16 : index
      %swap3A_54 = tpu.vector_load %arg14[%swap3A_52, %swap3A_53] {strides = array<i32>} : memref<48x128xf32, #tpu.memory_space<vmem>>, vector<16xf32>,
      tpu.vector_store %arg14[%swap3A_52, %swap3A_53], %broadcast_in_dim3A_1 {strides = array<i32>} : memref<48x128xf32, #tpu.memory_space<vmem>>, vector<16xf32>,
      %swap3A_55 = arith.index_cast %scan3A_48 : i32 to index
      %swap3A_56 = arith.constant 32 : index
      %swap3A_57 = tpu.vector_load %arg14[%swap3A_55, %swap3A_56] {strides = array<i32>} : memref<48x128xf32, #tpu.memory_space<vmem>>, vector<16xf32>,
      tpu.vector_store %arg14[%swap3A_55, %swap3A_56], %broadcast_in_dim3A_1 {strides = array<i32>} : memref<48x128xf32, #tpu.memory_space<vmem>>, vector<16xf32>,
      %swap3A_58 = arith.index_cast %scan3A_48 : i32 to index
      %swap3A_59 = arith.constant 48 : index
      %swap3A_60 = tpu.vector_load %arg14[%swap3A_58, %swap3A_59] {strides = array<i32>} : memref<48x128xf32, #tpu.memory_space<vmem>>, vector<16xf32>,
      tpu.vector_store %arg14[%swap3A_58, %swap3A_59], %broadcast_in_dim3A_1 {strides = array<i32>} : memref<48x128xf32, #tpu.memory_space<vmem>>, vector<16xf32>,
      %swap3A_61 = arith.index_cast %scan3A_48 : i32 to index
      %swap3A_62 = arith.constant 64 : index
      %swap3A_63 = tpu.vector_load %arg14[%swap3A_61, %swap3A_62] {strides = array<i32>} : memref<48x128xf32, #tpu.memory_space<vmem>>, vector<16xf32>,
      tpu.vector_store %arg14[%swap3A_61, %swap3A_62], %broadcast_in_dim3A_1 {strides = array<i32>} : memref<48x128xf32, #tpu.memory_space<vmem>>, vector<16xf32>,
      %swap3A_64 = arith.index_cast %scan3A_48 : i32 to index
      %swap3A_65 = arith.constant 80 : index
      %swap3A_66 = tpu.vector_load %arg14[%swap3A_64, %swap3A_65] {strides = array<i32>} : memref<48x128xf32, #tpu.memory_space<vmem>>, vector<16xf32>,
      tpu.vector_store %arg14[%swap3A_64, %swap3A_65], %broadcast_in_dim3A_1 {strides = array<i32>} : memref<48x128xf32, #tpu.memory_space<vmem>>, vector<16xf32>,
      %swap3A_67 = arith.index_cast %scan3A_48 : i32 to index
      %swap3A_68 = arith.constant 96 : index
      %swap3A_69 = tpu.vector_load %arg14[%swap3A_67, %swap3A_68] {strides = array<i32>} : memref<48x128xf32, #tpu.memory_space<vmem>>, vector<16xf32>,
      tpu.vector_store %arg14[%swap3A_67, %swap3A_68], %broadcast_in_dim3A_1 {strides = array<i32>} : memref<48x128xf32, #tpu.memory_space<vmem>>, vector<16xf32>,
      %swap3A_70 = arith.index_cast %scan3A_48 : i32 to index
      %swap3A_71 = arith.constant 112 : index
      %swap3A_72 = tpu.vector_load %arg14[%swap3A_70, %swap3A_71] {strides = array<i32>} : memref<48x128xf32, #tpu.memory_space<vmem>>, vector<16xf32>,
      tpu.vector_store %arg14[%swap3A_70, %swap3A_71], %broadcast_in_dim3A_1 {strides = array<i32>} : memref<48x128xf32, #tpu.memory_space<vmem>>, vector<16xf32>,
    }
    %scan3A_12 = arith.constant 48 : i32
    %broadcast_in_dim3A_13 = arith.constant 0 : i32
    %broadcast_in_dim3A_14 = vector.broadcast %broadcast_in_dim3A_13 : i32 to vector<16xi32>
    %swap3A = arith.constant 32 : index
    %swap3A_15 = tpu.vector_load %arg10[%swap3A] {strides = array<i32>} : memref<48xi32, #tpu.memory_space<vmem>>, vector<16xi32>,
    tpu.vector_store %arg10[%swap3A], %broadcast_in_dim3A_14 {strides = array<i32>} : memref<48xi32, #tpu.memory_space<vmem>>, vector<16xi32>,
    %scan3A_16 = arith.constant 0 : i32
    %scan3A_17 = arith.constant 0 : i32
    %scan3A_18 = arith.constant 16 : i32
    %scan3A_19 = arith.addi %scan3A_17, %scan3A_18 : i32
    %scan3A_20 = arith.constant 1 : i32
    scf.for %scan3A_48 = %scan3A_17 to %scan3A_19 step %scan3A_20  : i32 {
      %mul3A_49 = arith.constant 16 : i32
      %mul3A_50 = arith.muli %scan3A_48, %mul3A_49 : i32
      %add3A_51 = arith.addi %mul3A_50, %arg1 : i32
      %lt3A = arith.constant 250 : i32
      %lt3A_52 = arith.cmpi slt, %add3A_51, %lt3A : i32
      %convert_element_type3A = arith.extui %lt3A_52 : i1 to i32
      %cond3A = arith.constant 0 : i32
      %cond3A_53 = arith.cmpi ne, %convert_element_type3A, %cond3A : i32
      scf.if %cond3A_53 {
        %mul3A_59 = arith.constant 40 : i32
        %mul3A_60 = arith.muli %add3A_51, %mul3A_59 : i32
        "tpu.region"() ({
          %run_scoped3A = tpu.sem_alloc : memref<!tpu.dma_semaphore, #tpu.memory_space<semaphore_mem>>
          %dma_start3A = arith.constant 0 : i32
          %dma_start3A_61 = tpu.memref_slice %arg17[%mul3A_60, %dma_start3A] : memref<10000x128xf32, #tpu.memory_space<vmem_shared>> -> memref<40x128xf32, #tpu.memory_space<vmem_shared>>
          %dma_start3A_62 = arith.constant 0 : i32
          %dma_start3A_63 = tpu.memref_slice %arg17[%mul3A_60, %dma_start3A_62] : memref<10000x128xf32, #tpu.memory_space<vmem_shared>> -> memref<40x128xf32, #tpu.memory_space<vmem_shared>>
          tpu.enqueue_dma source(%arg13 : memref<40x128xf32, #tpu.memory_space<vmem>>) target(%dma_start3A_63 : memref<40x128xf32, #tpu.memory_space<vmem_shared>>) target_semaphore(%run_scoped3A : memref<!tpu.dma_semaphore, #tpu.memory_space<semaphore_mem>>)
          %dma_wait3A = arith.constant 0 : i32
          %dma_wait3A_64 = tpu.memref_slice %arg17[%mul3A_60, %dma_wait3A] : memref<10000x128xf32, #tpu.memory_space<vmem_shared>> -> memref<40x128xf32, #tpu.memory_space<vmem_shared>>
          %dma_wait3A_65 = arith.constant 0 : i32
          %dma_wait3A_66 = tpu.memref_slice %arg17[%mul3A_60, %dma_wait3A_65] : memref<10000x128xf32, #tpu.memory_space<vmem_shared>> -> memref<40x128xf32, #tpu.memory_space<vmem_shared>>
          tpu.wait_dma2 semaphore(%run_scoped3A : memref<!tpu.dma_semaphore, #tpu.memory_space<semaphore_mem>>) src(%arg13 : memref<40x128xf32, #tpu.memory_space<vmem>>) dst(%dma_wait3A_66 : memref<40x128xf32, #tpu.memory_space<vmem_shared>>)
          tpu.yield
        }) : () -> ()
      } else {
      }
      %lt3A_54 = arith.constant 32 : i32
      %lt3A_55 = arith.cmpi slt, %add3A_51, %lt3A_54 : i32
      %convert_element_type3A_56 = arith.extui %lt3A_55 : i1 to i32
      %cond3A_57 = arith.constant 0 : i32
      %cond3A_58 = arith.cmpi ne, %convert_element_type3A_56, %cond3A_57 : i32
      scf.if %cond3A_58 {
        %mul3A_59 = arith.constant 40 : i32
        %mul3A_60 = arith.muli %add3A_51, %mul3A_59 : i32
        "tpu.region"() ({
          %run_scoped3A = tpu.sem_alloc : memref<!tpu.dma_semaphore, #tpu.memory_space<semaphore_mem>>
          %dma_start3A = arith.constant 0 : i32
          %dma_start3A_61 = tpu.memref_slice %arg18[%mul3A_60, %dma_start3A] : memref<1280x128xf32, #tpu.memory_space<vmem_shared>> -> memref<40x128xf32, #tpu.memory_space<vmem_shared>>
          %dma_start3A_62 = arith.constant 0 : i32
          %dma_start3A_63 = tpu.memref_slice %arg18[%mul3A_60, %dma_start3A_62] : memref<1280x128xf32, #tpu.memory_space<vmem_shared>> -> memref<40x128xf32, #tpu.memory_space<vmem_shared>>
          tpu.enqueue_dma source(%arg13 : memref<40x128xf32, #tpu.memory_space<vmem>>) target(%dma_start3A_63 : memref<40x128xf32, #tpu.memory_space<vmem_shared>>) target_semaphore(%run_scoped3A : memref<!tpu.dma_semaphore, #tpu.memory_space<semaphore_mem>>)
          %dma_wait3A = arith.constant 0 : i32
          %dma_wait3A_64 = tpu.memref_slice %arg18[%mul3A_60, %dma_wait3A] : memref<1280x128xf32, #tpu.memory_space<vmem_shared>> -> memref<40x128xf32, #tpu.memory_space<vmem_shared>>
          %dma_wait3A_65 = arith.constant 0 : i32
          %dma_wait3A_66 = tpu.memref_slice %arg18[%mul3A_60, %dma_wait3A_65] : memref<1280x128xf32, #tpu.memory_space<vmem_shared>> -> memref<40x128xf32, #tpu.memory_space<vmem_shared>>
          tpu.wait_dma2 semaphore(%run_scoped3A : memref<!tpu.dma_semaphore, #tpu.memory_space<semaphore_mem>>) src(%arg13 : memref<40x128xf32, #tpu.memory_space<vmem>>) dst(%dma_wait3A_66 : memref<40x128xf32, #tpu.memory_space<vmem_shared>>)
          tpu.yield
        }) : () -> ()
      } else {
      }
    }
    %scan3A_21 = arith.constant 16 : i32
    %barrier3A = arith.constant 0 : index
    tpu.barrier barrier_id(%barrier3A)
    %mul3A_22 = arith.constant 10000 : i32
    %mul3A_23 = arith.muli %add3A, %mul3A_22 : i32
    %xor3A = arith.constant 8 : i32
    %xor3A_24 = vector.broadcast %xor3A : i32 to vector<16xi32>
    %xor3A_25 = arith.xori %iota3A, %xor3A_24 : vector<16xi32>
    %xor3A_26 = arith.constant 4 : i32
    %xor3A_27 = vector.broadcast %xor3A_26 : i32 to vector<16xi32>
    %xor3A_28 = arith.xori %iota3A, %xor3A_27 : vector<16xi32>
    %xor3A_29 = arith.constant 2 : i32
    %xor3A_30 = vector.broadcast %xor3A_29 : i32 to vector<16xi32>
    %xor3A_31 = arith.xori %iota3A, %xor3A_30 : vector<16xi32>
    %xor3A_32 = arith.constant 1 : i32
    %xor3A_33 = vector.broadcast %xor3A_32 : i32 to vector<16xi32>
    %xor3A_34 = arith.xori %iota3A, %xor3A_33 : vector<16xi32>
    %scan3A_35 = arith.constant 0 : i32
    %scan3A_36 = arith.constant 0 : i32
    %scan3A_37 = arith.constant 250 : i32
    %scan3A_38 = arith.addi %scan3A_36, %scan3A_37 : i32
    %scan3A_39 = arith.constant 1 : i32
    scf.for %scan3A_48 = %scan3A_36 to %scan3A_38 step %scan3A_39  : i32 {
      %mul3A_49 = arith.constant 40 : i32
      %mul3A_50 = arith.muli %scan3A_48, %mul3A_49 : i32
      %add3A_51 = arith.addi %mul3A_23, %mul3A_50 : i32
      "tpu.region"() ({
        %run_scoped3A = tpu.sem_alloc : memref<!tpu.dma_semaphore, #tpu.memory_space<semaphore_mem>>
        %dma_start3A_87 = tpu.memref_slice %arg4[%add3A_51] : memref<320000xi32, #tpu.memory_space<hbm>> -> memref<40xi32, #tpu.memory_space<hbm>>
        %dma_start3A_88 = tpu.memref_slice %arg4[%add3A_51] : memref<320000xi32, #tpu.memory_space<hbm>> -> memref<40xi32, #tpu.memory_space<hbm>>
        tpu.enqueue_dma source(%dma_start3A_88 : memref<40xi32, #tpu.memory_space<hbm>>) target(%arg8 : memref<40xi32, #tpu.memory_space<vmem>>) target_semaphore(%run_scoped3A : memref<!tpu.dma_semaphore, #tpu.memory_space<semaphore_mem>>)
        %dma_wait3A_89 = tpu.memref_slice %arg4[%add3A_51] : memref<320000xi32, #tpu.memory_space<hbm>> -> memref<40xi32, #tpu.memory_space<hbm>>
        %dma_wait3A_90 = tpu.memref_slice %arg4[%add3A_51] : memref<320000xi32, #tpu.memory_space<hbm>> -> memref<40xi32, #tpu.memory_space<hbm>>
        tpu.wait_dma2 semaphore(%run_scoped3A : memref<!tpu.dma_semaphore, #tpu.memory_space<semaphore_mem>>) src(%dma_wait3A_90 : memref<40xi32, #tpu.memory_space<hbm>>) dst(%arg8 : memref<40xi32, #tpu.memory_space<vmem>>)
        tpu.yield
      }) : () -> ()
      "tpu.region"() ({
        %run_scoped3A = tpu.sem_alloc : memref<!tpu.dma_semaphore, #tpu.memory_space<semaphore_mem>>
        %dma_start3A_87 = tpu.memref_slice %arg5[%add3A_51] : memref<320000xi32, #tpu.memory_space<hbm>> -> memref<40xi32, #tpu.memory_space<hbm>>
        %dma_start3A_88 = tpu.memref_slice %arg5[%add3A_51] : memref<320000xi32, #tpu.memory_space<hbm>> -> memref<40xi32, #tpu.memory_space<hbm>>
        tpu.enqueue_dma source(%dma_start3A_88 : memref<40xi32, #tpu.memory_space<hbm>>) target(%arg9 : memref<40xi32, #tpu.memory_space<vmem>>) target_semaphore(%run_scoped3A : memref<!tpu.dma_semaphore, #tpu.memory_space<semaphore_mem>>)
        %dma_wait3A_89 = tpu.memref_slice %arg5[%add3A_51] : memref<320000xi32, #tpu.memory_space<hbm>> -> memref<40xi32, #tpu.memory_space<hbm>>
        %dma_wait3A_90 = tpu.memref_slice %arg5[%add3A_51] : memref<320000xi32, #tpu.memory_space<hbm>> -> memref<40xi32, #tpu.memory_space<hbm>>
        tpu.wait_dma2 semaphore(%run_scoped3A : memref<!tpu.dma_semaphore, #tpu.memory_space<semaphore_mem>>) src(%dma_wait3A_90 : memref<40xi32, #tpu.memory_space<hbm>>) dst(%arg9 : memref<40xi32, #tpu.memory_space<vmem>>)
        tpu.yield
      }) : () -> ()
      %dma_start3A = arith.constant 0 : i32
      %dma_start3A_52 = arith.constant 0 : i32
      %dma_start3A_53 = tpu.memref_slice %arg2[%dma_start3A, %dma_start3A_52] : memref<10000x128xf32, #tpu.memory_space<hbm>> -> memref<10000x128xf32, #tpu.memory_space<hbm>>
      tpu.enqueue_indirect_dma source(%dma_start3A_53 : memref<10000x128xf32, #tpu.memory_space<hbm>>) target(%arg11 : memref<40x128xf32, #tpu.memory_space<vmem>>) offsets(%arg9 : memref<40xi32, #tpu.memory_space<vmem>>) semaphore(%arg15 : memref<!tpu.dma_semaphore, #tpu.memory_space<semaphore_mem>>)
      %dma_start3A_54 = arith.constant 0 : i32
      %dma_start3A_55 = arith.constant 0 : i32
      %dma_start3A_56 = tpu.memref_slice %arg3[%dma_start3A_54, %dma_start3A_55] : memref<10000x256xf32, #tpu.memory_space<hbm>> -> memref<10000x256xf32, #tpu.memory_space<hbm>>
      tpu.enqueue_indirect_dma source(%dma_start3A_56 : memref<10000x256xf32, #tpu.memory_space<hbm>>) target(%arg12 : memref<40x256xf32, #tpu.memory_space<vmem>>) offsets(%arg8 : memref<40xi32, #tpu.memory_space<vmem>>) semaphore(%arg16 : memref<!tpu.dma_semaphore, #tpu.memory_space<semaphore_mem>>)
      %dma_wait3A = arith.constant 0 : i32
      %dma_wait3A_57 = arith.constant 0 : i32
      %dma_wait3A_58 = tpu.memref_slice %arg2[%dma_wait3A, %dma_wait3A_57] : memref<10000x128xf32, #tpu.memory_space<hbm>> -> memref<10000x128xf32, #tpu.memory_space<hbm>>
      tpu.wait_indirect_dma semaphore(%arg15 : memref<!tpu.dma_semaphore, #tpu.memory_space<semaphore_mem>>) src(%dma_wait3A_58 : memref<10000x128xf32, #tpu.memory_space<hbm>>) dst(%arg11 : memref<40x128xf32, #tpu.memory_space<vmem>>)
      %dma_wait3A_59 = arith.constant 0 : i32
      %dma_wait3A_60 = arith.constant 0 : i32
      %dma_wait3A_61 = tpu.memref_slice %arg3[%dma_wait3A_59, %dma_wait3A_60] : memref<10000x256xf32, #tpu.memory_space<hbm>> -> memref<10000x256xf32, #tpu.memory_space<hbm>>
      tpu.wait_indirect_dma semaphore(%arg16 : memref<!tpu.dma_semaphore, #tpu.memory_space<semaphore_mem>>) src(%dma_wait3A_61 : memref<10000x256xf32, #tpu.memory_space<hbm>>) dst(%arg12 : memref<40x256xf32, #tpu.memory_space<vmem>>)
      %get3A = arith.constant 0 : index
      %get3A_62 = tpu.vector_load %arg9[%get3A] {strides = array<i32>} : memref<40xi32, #tpu.memory_space<vmem>>, vector<16xi32>,
      %shift_right_logical3A = arith.constant 3 : i32
      %shift_right_logical3A_63 = vector.broadcast %shift_right_logical3A : i32 to vector<16xi32>
      %shift_right_logical3A_64 = arith.shrui %get3A_62, %shift_right_logical3A_63 : vector<16xi32>
      %swap3A_65 = arith.constant 0 : index
      %swap3A_66 = tpu.vector_load %arg10[%swap3A_65] {strides = array<i32>} : memref<48xi32, #tpu.memory_space<vmem>>, vector<16xi32>,
      tpu.vector_store %arg10[%swap3A_65], %shift_right_logical3A_64 {strides = array<i32>} : memref<48xi32, #tpu.memory_space<vmem>>, vector<16xi32>,
      %get3A_67 = arith.constant 16 : index
      %get3A_68 = tpu.vector_load %arg9[%get3A_67] {strides = array<i32>} : memref<40xi32, #tpu.memory_space<vmem>>, vector<16xi32>,
      %shift_right_logical3A_69 = arith.constant 3 : i32
      %shift_right_logical3A_70 = vector.broadcast %shift_right_logical3A_69 : i32 to vector<16xi32>
      %shift_right_logical3A_71 = arith.shrui %get3A_68, %shift_right_logical3A_70 : vector<16xi32>
      %swap3A_72 = arith.constant 16 : index
      %swap3A_73 = tpu.vector_load %arg10[%swap3A_72] {strides = array<i32>} : memref<48xi32, #tpu.memory_space<vmem>>, vector<16xi32>,
      tpu.vector_store %arg10[%swap3A_72], %shift_right_logical3A_71 {strides = array<i32>} : memref<48xi32, #tpu.memory_space<vmem>>, vector<16xi32>,
      %get3A_74 = arith.constant 24 : index
      %get3A_75 = tpu.vector_load %arg9[%get3A_74] {strides = array<i32>} : memref<40xi32, #tpu.memory_space<vmem>>, vector<16xi32>,
      %shift_right_logical3A_76 = arith.constant 3 : i32
      %shift_right_logical3A_77 = vector.broadcast %shift_right_logical3A_76 : i32 to vector<16xi32>
      %shift_right_logical3A_78 = arith.shrui %get3A_75, %shift_right_logical3A_77 : vector<16xi32>
      %swap3A_79 = arith.constant 24 : index
      %swap3A_80 = tpu.vector_load %arg10[%swap3A_79] {strides = array<i32>} : memref<48xi32, #tpu.memory_space<vmem>>, vector<16xi32>,
      tpu.vector_store %arg10[%swap3A_79], %shift_right_logical3A_78 {strides = array<i32>} : memref<48xi32, #tpu.memory_space<vmem>>, vector<16xi32>,
      %scan3A_81 = arith.constant 0 : i32
      %scan3A_82 = arith.constant 0 : i32
      %scan3A_83 = arith.constant 40 : i32
      %scan3A_84 = arith.addi %scan3A_82, %scan3A_83 : i32
      %scan3A_85 = arith.constant 4 : i32
      scf.for %scan3A_87 = %scan3A_82 to %scan3A_84 step %scan3A_85  : i32 {
        %get3A_88 = arith.index_cast %scan3A_87 : i32 to index
        %get3A_89 = arith.constant 0 : index
        %get3A_90 = tpu.vector_load %arg11[%get3A_88, %get3A_89] {strides = array<i32>} : memref<40x128xf32, #tpu.memory_space<vmem>>, vector<16xf32>,
        %get3A_91 = arith.index_cast %scan3A_87 : i32 to index
        %get3A_92 = arith.constant 0 : index
        %get3A_93 = tpu.vector_load %arg12[%get3A_91, %get3A_92] {strides = array<i32>} : memref<40x256xf32, #tpu.memory_space<vmem>>, vector<16xf32>,
        %mul3A_94 = arith.mulf %get3A_90, %get3A_93 : vector<16xf32>
        %broadcast_in_dim3A_95 = vector.shape_cast %xor3A_25 : vector<16xi32> to vector<16x1xi32>
        %gather3A = vector.shape_cast %broadcast_in_dim3A_95 : vector<16x1xi32> to vector<16xi32>
        %gather3A_96 = tpu.dynamic_gather %mul3A_94[%gather3A] in [0] : vector<16xf32>, vector<16xi32> -> vector<16xf32>
        %add3A_97 = arith.addf %mul3A_94, %gather3A_96 : vector<16xf32>
        %broadcast_in_dim3A_98 = vector.shape_cast %xor3A_28 : vector<16xi32> to vector<16x1xi32>
        %gather3A_99 = vector.shape_cast %broadcast_in_dim3A_98 : vector<16x1xi32> to vector<16xi32>
        %gather3A_100 = tpu.dynamic_gather %add3A_97[%gather3A_99] in [0] : vector<16xf32>, vector<16xi32> -> vector<16xf32>
        %add3A_101 = arith.addf %add3A_97, %gather3A_100 : vector<16xf32>
        %broadcast_in_dim3A_102 = vector.shape_cast %xor3A_31 : vector<16xi32> to vector<16x1xi32>
        %gather3A_103 = vector.shape_cast %broadcast_in_dim3A_102 : vector<16x1xi32> to vector<16xi32>
        %gather3A_104 = tpu.dynamic_gather %add3A_101[%gather3A_103] in [0] : vector<16xf32>, vector<16xi32> -> vector<16xf32>
        %add3A_105 = arith.addf %add3A_101, %gather3A_104 : vector<16xf32>
        %broadcast_in_dim3A_106 = vector.shape_cast %xor3A_34 : vector<16xi32> to vector<16x1xi32>
        %gather3A_107 = vector.shape_cast %broadcast_in_dim3A_106 : vector<16x1xi32> to vector<16xi32>
        %gather3A_108 = tpu.dynamic_gather %add3A_105[%gather3A_107] in [0] : vector<16xf32>, vector<16xi32> -> vector<16xf32>
        %add3A_109 = arith.addf %add3A_105, %gather3A_108 : vector<16xf32>
        %mul3A_110 = arith.constant 2.500000e-01 : f32
        %mul3A_111 = vector.broadcast %mul3A_110 : f32 to vector<16xf32>
        %mul3A_112 = arith.mulf %add3A_109, %mul3A_111 : vector<16xf32>
        %exp3A = math.exp %mul3A_112 : vector<16xf32>
        %get3A_113 = arith.index_cast %scan3A_87 : i32 to index
        %get3A_114 = arith.constant 128 : index
        %get3A_115 = tpu.vector_load %arg12[%get3A_113, %get3A_114] {strides = array<i32>} : memref<40x256xf32, #tpu.memory_space<vmem>>, vector<16xf32>,
        %mul3A_116 = arith.mulf %exp3A, %get3A_115 : vector<16xf32>
        %swap3A_117 = arith.index_cast %scan3A_87 : i32 to index
        %swap3A_118 = arith.constant 0 : index
        %swap3A_119 = tpu.vector_load %arg13[%swap3A_117, %swap3A_118] {strides = array<i32>} : memref<40x128xf32, #tpu.memory_space<vmem>>, vector<16xf32>,
        tpu.vector_store %arg13[%swap3A_117, %swap3A_118], %mul3A_116 {strides = array<i32>} : memref<40x128xf32, #tpu.memory_space<vmem>>, vector<16xf32>,
        %get3A_120 = arith.index_cast %scan3A_87 : i32 to index
        %get3A_121 = arith.constant 16 : index
        %get3A_122 = tpu.vector_load %arg11[%get3A_120, %get3A_121] {strides = array<i32>} : memref<40x128xf32, #tpu.memory_space<vmem>>, vector<16xf32>,
        %get3A_123 = arith.index_cast %scan3A_87 : i32 to index
        %get3A_124 = arith.constant 16 : index
        %get3A_125 = tpu.vector_load %arg12[%get3A_123, %get3A_124] {strides = array<i32>} : memref<40x256xf32, #tpu.memory_space<vmem>>, vector<16xf32>,
        %mul3A_126 = arith.mulf %get3A_122, %get3A_125 : vector<16xf32>
        %broadcast_in_dim3A_127 = vector.shape_cast %xor3A_25 : vector<16xi32> to vector<16x1xi32>
        %gather3A_128 = vector.shape_cast %broadcast_in_dim3A_127 : vector<16x1xi32> to vector<16xi32>
        %gather3A_129 = tpu.dynamic_gather %mul3A_126[%gather3A_128] in [0] : vector<16xf32>, vector<16xi32> -> vector<16xf32>
        %add3A_130 = arith.addf %mul3A_126, %gather3A_129 : vector<16xf32>
        %broadcast_in_dim3A_131 = vector.shape_cast %xor3A_28 : vector<16xi32> to vector<16x1xi32>
        %gather3A_132 = vector.shape_cast %broadcast_in_dim3A_131 : vector<16x1xi32> to vector<16xi32>
        %gather3A_133 = tpu.dynamic_gather %add3A_130[%gather3A_132] in [0] : vector<16xf32>, vector<16xi32> -> vector<16xf32>
        %add3A_134 = arith.addf %add3A_130, %gather3A_133 : vector<16xf32>
        %broadcast_in_dim3A_135 = vector.shape_cast %xor3A_31 : vector<16xi32> to vector<16x1xi32>
        %gather3A_136 = vector.shape_cast %broadcast_in_dim3A_135 : vector<16x1xi32> to vector<16xi32>
        %gather3A_137 = tpu.dynamic_gather %add3A_134[%gather3A_136] in [0] : vector<16xf32>, vector<16xi32> -> vector<16xf32>
        %add3A_138 = arith.addf %add3A_134, %gather3A_137 : vector<16xf32>
        %broadcast_in_dim3A_139 = vector.shape_cast %xor3A_34 : vector<16xi32> to vector<16x1xi32>
        %gather3A_140 = vector.shape_cast %broadcast_in_dim3A_139 : vector<16x1xi32> to vector<16xi32>
        %gather3A_141 = tpu.dynamic_gather %add3A_138[%gather3A_140] in [0] : vector<16xf32>, vector<16xi32> -> vector<16xf32>
        %add3A_142 = arith.addf %add3A_138, %gather3A_141 : vector<16xf32>
        %mul3A_143 = arith.constant 2.500000e-01 : f32
        %mul3A_144 = vector.broadcast %mul3A_143 : f32 to vector<16xf32>
        %mul3A_145 = arith.mulf %add3A_142, %mul3A_144 : vector<16xf32>
        %exp3A_146 = math.exp %mul3A_145 : vector<16xf32>
        %get3A_147 = arith.index_cast %scan3A_87 : i32 to index
        %get3A_148 = arith.constant 144 : index
        %get3A_149 = tpu.vector_load %arg12[%get3A_147, %get3A_148] {strides = array<i32>} : memref<40x256xf32, #tpu.memory_space<vmem>>, vector<16xf32>,
        %mul3A_150 = arith.mulf %exp3A_146, %get3A_149 : vector<16xf32>
        %swap3A_151 = arith.index_cast %scan3A_87 : i32 to index
        %swap3A_152 = arith.constant 16 : index
        %swap3A_153 = tpu.vector_load %arg13[%swap3A_151, %swap3A_152] {strides = array<i32>} : memref<40x128xf32, #tpu.memory_space<vmem>>, vector<16xf32>,
        tpu.vector_store %arg13[%swap3A_151, %swap3A_152], %mul3A_150 {strides = array<i32>} : memref<40x128xf32, #tpu.memory_space<vmem>>, vector<16xf32>,
        %get3A_154 = arith.index_cast %scan3A_87 : i32 to index
        %get3A_155 = arith.constant 32 : index
        %get3A_156 = tpu.vector_load %arg11[%get3A_154, %get3A_155] {strides = array<i32>} : memref<40x128xf32, #tpu.memory_space<vmem>>, vector<16xf32>,
        %get3A_157 = arith.index_cast %scan3A_87 : i32 to index
        %get3A_158 = arith.constant 32 : index
        %get3A_159 = tpu.vector_load %arg12[%get3A_157, %get3A_158] {strides = array<i32>} : memref<40x256xf32, #tpu.memory_space<vmem>>, vector<16xf32>,
        %mul3A_160 = arith.mulf %get3A_156, %get3A_159 : vector<16xf32>
        %broadcast_in_dim3A_161 = vector.shape_cast %xor3A_25 : vector<16xi32> to vector<16x1xi32>
        %gather3A_162 = vector.shape_cast %broadcast_in_dim3A_161 : vector<16x1xi32> to vector<16xi32>
        %gather3A_163 = tpu.dynamic_gather %mul3A_160[%gather3A_162] in [0] : vector<16xf32>, vector<16xi32> -> vector<16xf32>
        %add3A_164 = arith.addf %mul3A_160, %gather3A_163 : vector<16xf32>
        %broadcast_in_dim3A_165 = vector.shape_cast %xor3A_28 : vector<16xi32> to vector<16x1xi32>
        %gather3A_166 = vector.shape_cast %broadcast_in_dim3A_165 : vector<16x1xi32> to vector<16xi32>
        %gather3A_167 = tpu.dynamic_gather %add3A_164[%gather3A_166] in [0] : vector<16xf32>, vector<16xi32> -> vector<16xf32>
        %add3A_168 = arith.addf %add3A_164, %gather3A_167 : vector<16xf32>
        %broadcast_in_dim3A_169 = vector.shape_cast %xor3A_31 : vector<16xi32> to vector<16x1xi32>
        %gather3A_170 = vector.shape_cast %broadcast_in_dim3A_169 : vector<16x1xi32> to vector<16xi32>
        %gather3A_171 = tpu.dynamic_gather %add3A_168[%gather3A_170] in [0] : vector<16xf32>, vector<16xi32> -> vector<16xf32>
        %add3A_172 = arith.addf %add3A_168, %gather3A_171 : vector<16xf32>
        %broadcast_in_dim3A_173 = vector.shape_cast %xor3A_34 : vector<16xi32> to vector<16x1xi32>
        %gather3A_174 = vector.shape_cast %broadcast_in_dim3A_173 : vector<16x1xi32> to vector<16xi32>
        %gather3A_175 = tpu.dynamic_gather %add3A_172[%gather3A_174] in [0] : vector<16xf32>, vector<16xi32> -> vector<16xf32>
        %add3A_176 = arith.addf %add3A_172, %gather3A_175 : vector<16xf32>
        %mul3A_177 = arith.constant 2.500000e-01 : f32
        %mul3A_178 = vector.broadcast %mul3A_177 : f32 to vector<16xf32>
        %mul3A_179 = arith.mulf %add3A_176, %mul3A_178 : vector<16xf32>
        %exp3A_180 = math.exp %mul3A_179 : vector<16xf32>
        %get3A_181 = arith.index_cast %scan3A_87 : i32 to index
        %get3A_182 = arith.constant 160 : index
        %get3A_183 = tpu.vector_load %arg12[%get3A_181, %get3A_182] {strides = array<i32>} : memref<40x256xf32, #tpu.memory_space<vmem>>, vector<16xf32>,
        %mul3A_184 = arith.mulf %exp3A_180, %get3A_183 : vector<16xf32>
        %swap3A_185 = arith.index_cast %scan3A_87 : i32 to index
        %swap3A_186 = arith.constant 32 : index
        %swap3A_187 = tpu.vector_load %arg13[%swap3A_185, %swap3A_186] {strides = array<i32>} : memref<40x128xf32, #tpu.memory_space<vmem>>, vector<16xf32>,
        tpu.vector_store %arg13[%swap3A_185, %swap3A_186], %mul3A_184 {strides = array<i32>} : memref<40x128xf32, #tpu.memory_space<vmem>>, vector<16xf32>,
        %get3A_188 = arith.index_cast %scan3A_87 : i32 to index
        %get3A_189 = arith.constant 48 : index
        %get3A_190 = tpu.vector_load %arg11[%get3A_188, %get3A_189] {strides = array<i32>} : memref<40x128xf32, #tpu.memory_space<vmem>>, vector<16xf32>,
        %get3A_191 = arith.index_cast %scan3A_87 : i32 to index
        %get3A_192 = arith.constant 48 : index
        %get3A_193 = tpu.vector_load %arg12[%get3A_191, %get3A_192] {strides = array<i32>} : memref<40x256xf32, #tpu.memory_space<vmem>>, vector<16xf32>,
        %mul3A_194 = arith.mulf %get3A_190, %get3A_193 : vector<16xf32>
        %broadcast_in_dim3A_195 = vector.shape_cast %xor3A_25 : vector<16xi32> to vector<16x1xi32>
        %gather3A_196 = vector.shape_cast %broadcast_in_dim3A_195 : vector<16x1xi32> to vector<16xi32>
        %gather3A_197 = tpu.dynamic_gather %mul3A_194[%gather3A_196] in [0] : vector<16xf32>, vector<16xi32> -> vector<16xf32>
        %add3A_198 = arith.addf %mul3A_194, %gather3A_197 : vector<16xf32>
        %broadcast_in_dim3A_199 = vector.shape_cast %xor3A_28 : vector<16xi32> to vector<16x1xi32>
        %gather3A_200 = vector.shape_cast %broadcast_in_dim3A_199 : vector<16x1xi32> to vector<16xi32>
        %gather3A_201 = tpu.dynamic_gather %add3A_198[%gather3A_200] in [0] : vector<16xf32>, vector<16xi32> -> vector<16xf32>
        %add3A_202 = arith.addf %add3A_198, %gather3A_201 : vector<16xf32>
        %broadcast_in_dim3A_203 = vector.shape_cast %xor3A_31 : vector<16xi32> to vector<16x1xi32>
        %gather3A_204 = vector.shape_cast %broadcast_in_dim3A_203 : vector<16x1xi32> to vector<16xi32>
        %gather3A_205 = tpu.dynamic_gather %add3A_202[%gather3A_204] in [0] : vector<16xf32>, vector<16xi32> -> vector<16xf32>
        %add3A_206 = arith.addf %add3A_202, %gather3A_205 : vector<16xf32>
        %broadcast_in_dim3A_207 = vector.shape_cast %xor3A_34 : vector<16xi32> to vector<16x1xi32>
        %gather3A_208 = vector.shape_cast %broadcast_in_dim3A_207 : vector<16x1xi32> to vector<16xi32>
        %gather3A_209 = tpu.dynamic_gather %add3A_206[%gather3A_208] in [0] : vector<16xf32>, vector<16xi32> -> vector<16xf32>
        %add3A_210 = arith.addf %add3A_206, %gather3A_209 : vector<16xf32>
        %mul3A_211 = arith.constant 2.500000e-01 : f32
        %mul3A_212 = vector.broadcast %mul3A_211 : f32 to vector<16xf32>
        %mul3A_213 = arith.mulf %add3A_210, %mul3A_212 : vector<16xf32>
        %exp3A_214 = math.exp %mul3A_213 : vector<16xf32>
        %get3A_215 = arith.index_cast %scan3A_87 : i32 to index
        %get3A_216 = arith.constant 176 : index
        %get3A_217 = tpu.vector_load %arg12[%get3A_215, %get3A_216] {strides = array<i32>} : memref<40x256xf32, #tpu.memory_space<vmem>>, vector<16xf32>,
        %mul3A_218 = arith.mulf %exp3A_214, %get3A_217 : vector<16xf32>
        %swap3A_219 = arith.index_cast %scan3A_87 : i32 to index
        %swap3A_220 = arith.constant 48 : index
        %swap3A_221 = tpu.vector_load %arg13[%swap3A_219, %swap3A_220] {strides = array<i32>} : memref<40x128xf32, #tpu.memory_space<vmem>>, vector<16xf32>,
        tpu.vector_store %arg13[%swap3A_219, %swap3A_220], %mul3A_218 {strides = array<i32>} : memref<40x128xf32, #tpu.memory_space<vmem>>, vector<16xf32>,
        %get3A_222 = arith.index_cast %scan3A_87 : i32 to index
        %get3A_223 = arith.constant 64 : index
        %get3A_224 = tpu.vector_load %arg11[%get3A_222, %get3A_223] {strides = array<i32>} : memref<40x128xf32, #tpu.memory_space<vmem>>, vector<16xf32>,
        %get3A_225 = arith.index_cast %scan3A_87 : i32 to index
        %get3A_226 = arith.constant 64 : index
        %get3A_227 = tpu.vector_load %arg12[%get3A_225, %get3A_226] {strides = array<i32>} : memref<40x256xf32, #tpu.memory_space<vmem>>, vector<16xf32>,
        %mul3A_228 = arith.mulf %get3A_224, %get3A_227 : vector<16xf32>
        %broadcast_in_dim3A_229 = vector.shape_cast %xor3A_25 : vector<16xi32> to vector<16x1xi32>
        %gather3A_230 = vector.shape_cast %broadcast_in_dim3A_229 : vector<16x1xi32> to vector<16xi32>
        %gather3A_231 = tpu.dynamic_gather %mul3A_228[%gather3A_230] in [0] : vector<16xf32>, vector<16xi32> -> vector<16xf32>
        %add3A_232 = arith.addf %mul3A_228, %gather3A_231 : vector<16xf32>
        %broadcast_in_dim3A_233 = vector.shape_cast %xor3A_28 : vector<16xi32> to vector<16x1xi32>
        %gather3A_234 = vector.shape_cast %broadcast_in_dim3A_233 : vector<16x1xi32> to vector<16xi32>
        %gather3A_235 = tpu.dynamic_gather %add3A_232[%gather3A_234] in [0] : vector<16xf32>, vector<16xi32> -> vector<16xf32>
        %add3A_236 = arith.addf %add3A_232, %gather3A_235 : vector<16xf32>
        %broadcast_in_dim3A_237 = vector.shape_cast %xor3A_31 : vector<16xi32> to vector<16x1xi32>
        %gather3A_238 = vector.shape_cast %broadcast_in_dim3A_237 : vector<16x1xi32> to vector<16xi32>
        %gather3A_239 = tpu.dynamic_gather %add3A_236[%gather3A_238] in [0] : vector<16xf32>, vector<16xi32> -> vector<16xf32>
        %add3A_240 = arith.addf %add3A_236, %gather3A_239 : vector<16xf32>
        %broadcast_in_dim3A_241 = vector.shape_cast %xor3A_34 : vector<16xi32> to vector<16x1xi32>
        %gather3A_242 = vector.shape_cast %broadcast_in_dim3A_241 : vector<16x1xi32> to vector<16xi32>
        %gather3A_243 = tpu.dynamic_gather %add3A_240[%gather3A_242] in [0] : vector<16xf32>, vector<16xi32> -> vector<16xf32>
        %add3A_244 = arith.addf %add3A_240, %gather3A_243 : vector<16xf32>
        %mul3A_245 = arith.constant 2.500000e-01 : f32
        %mul3A_246 = vector.broadcast %mul3A_245 : f32 to vector<16xf32>
        %mul3A_247 = arith.mulf %add3A_244, %mul3A_246 : vector<16xf32>
        %exp3A_248 = math.exp %mul3A_247 : vector<16xf32>
        %get3A_249 = arith.index_cast %scan3A_87 : i32 to index
        %get3A_250 = arith.constant 192 : index
        %get3A_251 = tpu.vector_load %arg12[%get3A_249, %get3A_250] {strides = array<i32>} : memref<40x256xf32, #tpu.memory_space<vmem>>, vector<16xf32>,
        %mul3A_252 = arith.mulf %exp3A_248, %get3A_251 : vector<16xf32>
        %swap3A_253 = arith.index_cast %scan3A_87 : i32 to index
        %swap3A_254 = arith.constant 64 : index
        %swap3A_255 = tpu.vector_load %arg13[%swap3A_253, %swap3A_254] {strides = array<i32>} : memref<40x128xf32, #tpu.memory_space<vmem>>, vector<16xf32>,
        tpu.vector_store %arg13[%swap3A_253, %swap3A_254], %mul3A_252 {strides = array<i32>} : memref<40x128xf32, #tpu.memory_space<vmem>>, vector<16xf32>,
        %get3A_256 = arith.index_cast %scan3A_87 : i32 to index
        %get3A_257 = arith.constant 80 : index
        %get3A_258 = tpu.vector_load %arg11[%get3A_256, %get3A_257] {strides = array<i32>} : memref<40x128xf32, #tpu.memory_space<vmem>>, vector<16xf32>,
        %get3A_259 = arith.index_cast %scan3A_87 : i32 to index
        %get3A_260 = arith.constant 80 : index
        %get3A_261 = tpu.vector_load %arg12[%get3A_259, %get3A_260] {strides = array<i32>} : memref<40x256xf32, #tpu.memory_space<vmem>>, vector<16xf32>,
        %mul3A_262 = arith.mulf %get3A_258, %get3A_261 : vector<16xf32>
        %broadcast_in_dim3A_263 = vector.shape_cast %xor3A_25 : vector<16xi32> to vector<16x1xi32>
        %gather3A_264 = vector.shape_cast %broadcast_in_dim3A_263 : vector<16x1xi32> to vector<16xi32>
        %gather3A_265 = tpu.dynamic_gather %mul3A_262[%gather3A_264] in [0] : vector<16xf32>, vector<16xi32> -> vector<16xf32>
        %add3A_266 = arith.addf %mul3A_262, %gather3A_265 : vector<16xf32>
        %broadcast_in_dim3A_267 = vector.shape_cast %xor3A_28 : vector<16xi32> to vector<16x1xi32>
        %gather3A_268 = vector.shape_cast %broadcast_in_dim3A_267 : vector<16x1xi32> to vector<16xi32>
        %gather3A_269 = tpu.dynamic_gather %add3A_266[%gather3A_268] in [0] : vector<16xf32>, vector<16xi32> -> vector<16xf32>
        %add3A_270 = arith.addf %add3A_266, %gather3A_269 : vector<16xf32>
        %broadcast_in_dim3A_271 = vector.shape_cast %xor3A_31 : vector<16xi32> to vector<16x1xi32>
        %gather3A_272 = vector.shape_cast %broadcast_in_dim3A_271 : vector<16x1xi32> to vector<16xi32>
        %gather3A_273 = tpu.dynamic_gather %add3A_270[%gather3A_272] in [0] : vector<16xf32>, vector<16xi32> -> vector<16xf32>
        %add3A_274 = arith.addf %add3A_270, %gather3A_273 : vector<16xf32>
        %broadcast_in_dim3A_275 = vector.shape_cast %xor3A_34 : vector<16xi32> to vector<16x1xi32>
        %gather3A_276 = vector.shape_cast %broadcast_in_dim3A_275 : vector<16x1xi32> to vector<16xi32>
        %gather3A_277 = tpu.dynamic_gather %add3A_274[%gather3A_276] in [0] : vector<16xf32>, vector<16xi32> -> vector<16xf32>
        %add3A_278 = arith.addf %add3A_274, %gather3A_277 : vector<16xf32>
        %mul3A_279 = arith.constant 2.500000e-01 : f32
        %mul3A_280 = vector.broadcast %mul3A_279 : f32 to vector<16xf32>
        %mul3A_281 = arith.mulf %add3A_278, %mul3A_280 : vector<16xf32>
        %exp3A_282 = math.exp %mul3A_281 : vector<16xf32>
        %get3A_283 = arith.index_cast %scan3A_87 : i32 to index
        %get3A_284 = arith.constant 208 : index
        %get3A_285 = tpu.vector_load %arg12[%get3A_283, %get3A_284] {strides = array<i32>} : memref<40x256xf32, #tpu.memory_space<vmem>>, vector<16xf32>,
        %mul3A_286 = arith.mulf %exp3A_282, %get3A_285 : vector<16xf32>
        %swap3A_287 = arith.index_cast %scan3A_87 : i32 to index
        %swap3A_288 = arith.constant 80 : index
        %swap3A_289 = tpu.vector_load %arg13[%swap3A_287, %swap3A_288] {strides = array<i32>} : memref<40x128xf32, #tpu.memory_space<vmem>>, vector<16xf32>,
        tpu.vector_store %arg13[%swap3A_287, %swap3A_288], %mul3A_286 {strides = array<i32>} : memref<40x128xf32, #tpu.memory_space<vmem>>, vector<16xf32>,
        %get3A_290 = arith.index_cast %scan3A_87 : i32 to index
        %get3A_291 = arith.constant 96 : index
        %get3A_292 = tpu.vector_load %arg11[%get3A_290, %get3A_291] {strides = array<i32>} : memref<40x128xf32, #tpu.memory_space<vmem>>, vector<16xf32>,
        %get3A_293 = arith.index_cast %scan3A_87 : i32 to index
        %get3A_294 = arith.constant 96 : index
        %get3A_295 = tpu.vector_load %arg12[%get3A_293, %get3A_294] {strides = array<i32>} : memref<40x256xf32, #tpu.memory_space<vmem>>, vector<16xf32>,
        %mul3A_296 = arith.mulf %get3A_292, %get3A_295 : vector<16xf32>
        %broadcast_in_dim3A_297 = vector.shape_cast %xor3A_25 : vector<16xi32> to vector<16x1xi32>
        %gather3A_298 = vector.shape_cast %broadcast_in_dim3A_297 : vector<16x1xi32> to vector<16xi32>
        %gather3A_299 = tpu.dynamic_gather %mul3A_296[%gather3A_298] in [0] : vector<16xf32>, vector<16xi32> -> vector<16xf32>
        %add3A_300 = arith.addf %mul3A_296, %gather3A_299 : vector<16xf32>
        %broadcast_in_dim3A_301 = vector.shape_cast %xor3A_28 : vector<16xi32> to vector<16x1xi32>
        %gather3A_302 = vector.shape_cast %broadcast_in_dim3A_301 : vector<16x1xi32> to vector<16xi32>
        %gather3A_303 = tpu.dynamic_gather %add3A_300[%gather3A_302] in [0] : vector<16xf32>, vector<16xi32> -> vector<16xf32>
        %add3A_304 = arith.addf %add3A_300, %gather3A_303 : vector<16xf32>
        %broadcast_in_dim3A_305 = vector.shape_cast %xor3A_31 : vector<16xi32> to vector<16x1xi32>
        %gather3A_306 = vector.shape_cast %broadcast_in_dim3A_305 : vector<16x1xi32> to vector<16xi32>
        %gather3A_307 = tpu.dynamic_gather %add3A_304[%gather3A_306] in [0] : vector<16xf32>, vector<16xi32> -> vector<16xf32>
        %add3A_308 = arith.addf %add3A_304, %gather3A_307 : vector<16xf32>
        %broadcast_in_dim3A_309 = vector.shape_cast %xor3A_34 : vector<16xi32> to vector<16x1xi32>
        %gather3A_310 = vector.shape_cast %broadcast_in_dim3A_309 : vector<16x1xi32> to vector<16xi32>
        %gather3A_311 = tpu.dynamic_gather %add3A_308[%gather3A_310] in [0] : vector<16xf32>, vector<16xi32> -> vector<16xf32>
        %add3A_312 = arith.addf %add3A_308, %gather3A_311 : vector<16xf32>
        %mul3A_313 = arith.constant 2.500000e-01 : f32
        %mul3A_314 = vector.broadcast %mul3A_313 : f32 to vector<16xf32>
        %mul3A_315 = arith.mulf %add3A_312, %mul3A_314 : vector<16xf32>
        %exp3A_316 = math.exp %mul3A_315 : vector<16xf32>
        %get3A_317 = arith.index_cast %scan3A_87 : i32 to index
        %get3A_318 = arith.constant 224 : index
        %get3A_319 = tpu.vector_load %arg12[%get3A_317, %get3A_318] {strides = array<i32>} : memref<40x256xf32, #tpu.memory_space<vmem>>, vector<16xf32>,
        %mul3A_320 = arith.mulf %exp3A_316, %get3A_319 : vector<16xf32>
        %swap3A_321 = arith.index_cast %scan3A_87 : i32 to index
        %swap3A_322 = arith.constant 96 : index
        %swap3A_323 = tpu.vector_load %arg13[%swap3A_321, %swap3A_322] {strides = array<i32>} : memref<40x128xf32, #tpu.memory_space<vmem>>, vector<16xf32>,
        tpu.vector_store %arg13[%swap3A_321, %swap3A_322], %mul3A_320 {strides = array<i32>} : memref<40x128xf32, #tpu.memory_space<vmem>>, vector<16xf32>,
        %get3A_324 = arith.index_cast %scan3A_87 : i32 to index
        %get3A_325 = arith.constant 112 : index
        %get3A_326 = tpu.vector_load %arg11[%get3A_324, %get3A_325] {strides = array<i32>} : memref<40x128xf32, #tpu.memory_space<vmem>>, vector<16xf32>,
        %get3A_327 = arith.index_cast %scan3A_87 : i32 to index
        %get3A_328 = arith.constant 112 : index
        %get3A_329 = tpu.vector_load %arg12[%get3A_327, %get3A_328] {strides = array<i32>} : memref<40x256xf32, #tpu.memory_space<vmem>>, vector<16xf32>,
        %mul3A_330 = arith.mulf %get3A_326, %get3A_329 : vector<16xf32>
        %broadcast_in_dim3A_331 = vector.shape_cast %xor3A_25 : vector<16xi32> to vector<16x1xi32>
        %gather3A_332 = vector.shape_cast %broadcast_in_dim3A_331 : vector<16x1xi32> to vector<16xi32>
        %gather3A_333 = tpu.dynamic_gather %mul3A_330[%gather3A_332] in [0] : vector<16xf32>, vector<16xi32> -> vector<16xf32>
        %add3A_334 = arith.addf %mul3A_330, %gather3A_333 : vector<16xf32>
        %broadcast_in_dim3A_335 = vector.shape_cast %xor3A_28 : vector<16xi32> to vector<16x1xi32>
        %gather3A_336 = vector.shape_cast %broadcast_in_dim3A_335 : vector<16x1xi32> to vector<16xi32>
        %gather3A_337 = tpu.dynamic_gather %add3A_334[%gather3A_336] in [0] : vector<16xf32>, vector<16xi32> -> vector<16xf32>
        %add3A_338 = arith.addf %add3A_334, %gather3A_337 : vector<16xf32>
        %broadcast_in_dim3A_339 = vector.shape_cast %xor3A_31 : vector<16xi32> to vector<16x1xi32>
        %gather3A_340 = vector.shape_cast %broadcast_in_dim3A_339 : vector<16x1xi32> to vector<16xi32>
        %gather3A_341 = tpu.dynamic_gather %add3A_338[%gather3A_340] in [0] : vector<16xf32>, vector<16xi32> -> vector<16xf32>
        %add3A_342 = arith.addf %add3A_338, %gather3A_341 : vector<16xf32>
        %broadcast_in_dim3A_343 = vector.shape_cast %xor3A_34 : vector<16xi32> to vector<16x1xi32>
        %gather3A_344 = vector.shape_cast %broadcast_in_dim3A_343 : vector<16x1xi32> to vector<16xi32>
        %gather3A_345 = tpu.dynamic_gather %add3A_342[%gather3A_344] in [0] : vector<16xf32>, vector<16xi32> -> vector<16xf32>
        %add3A_346 = arith.addf %add3A_342, %gather3A_345 : vector<16xf32>
        %mul3A_347 = arith.constant 2.500000e-01 : f32
        %mul3A_348 = vector.broadcast %mul3A_347 : f32 to vector<16xf32>
        %mul3A_349 = arith.mulf %add3A_346, %mul3A_348 : vector<16xf32>
        %exp3A_350 = math.exp %mul3A_349 : vector<16xf32>
        %get3A_351 = arith.index_cast %scan3A_87 : i32 to index
        %get3A_352 = arith.constant 240 : index
        %get3A_353 = tpu.vector_load %arg12[%get3A_351, %get3A_352] {strides = array<i32>} : memref<40x256xf32, #tpu.memory_space<vmem>>, vector<16xf32>,
        %mul3A_354 = arith.mulf %exp3A_350, %get3A_353 : vector<16xf32>
        %swap3A_355 = arith.index_cast %scan3A_87 : i32 to index
        %swap3A_356 = arith.constant 112 : index
        %swap3A_357 = tpu.vector_load %arg13[%swap3A_355, %swap3A_356] {strides = array<i32>} : memref<40x128xf32, #tpu.memory_space<vmem>>, vector<16xf32>,
        tpu.vector_store %arg13[%swap3A_355, %swap3A_356], %mul3A_354 {strides = array<i32>} : memref<40x128xf32, #tpu.memory_space<vmem>>, vector<16xf32>,
        %broadcast_in_dim3A_358 = arith.constant 0.000000e+00 : f32
        %broadcast_in_dim3A_359 = vector.broadcast %broadcast_in_dim3A_358 : f32 to vector<16xf32>
        %eq3A = arith.constant 0 : i32
        %eq3A_360 = vector.broadcast %eq3A : i32 to vector<16xi32>
        %eq3A_361 = arith.cmpi eq, %iota3A, %eq3A_360 : vector<16xi32>
        %select_n3A = arith.select %eq3A_361, %exp3A, %broadcast_in_dim3A_359 : vector<16xi1>, vector<16xf32>
        %eq3A_362 = arith.constant 1 : i32
        %eq3A_363 = vector.broadcast %eq3A_362 : i32 to vector<16xi32>
        %eq3A_364 = arith.cmpi eq, %iota3A, %eq3A_363 : vector<16xi32>
        %select_n3A_365 = arith.select %eq3A_364, %exp3A_146, %select_n3A : vector<16xi1>, vector<16xf32>
        %eq3A_366 = arith.constant 2 : i32
        %eq3A_367 = vector.broadcast %eq3A_366 : i32 to vector<16xi32>
        %eq3A_368 = arith.cmpi eq, %iota3A, %eq3A_367 : vector<16xi32>
        %select_n3A_369 = arith.select %eq3A_368, %exp3A_180, %select_n3A_365 : vector<16xi1>, vector<16xf32>
        %eq3A_370 = arith.constant 3 : i32
        %eq3A_371 = vector.broadcast %eq3A_370 : i32 to vector<16xi32>
        %eq3A_372 = arith.cmpi eq, %iota3A, %eq3A_371 : vector<16xi32>
        %select_n3A_373 = arith.select %eq3A_372, %exp3A_214, %select_n3A_369 : vector<16xi1>, vector<16xf32>
        %eq3A_374 = arith.constant 4 : i32
        %eq3A_375 = vector.broadcast %eq3A_374 : i32 to vector<16xi32>
        %eq3A_376 = arith.cmpi eq, %iota3A, %eq3A_375 : vector<16xi32>
        %select_n3A_377 = arith.select %eq3A_376, %exp3A_248, %select_n3A_373 : vector<16xi1>, vector<16xf32>
        %eq3A_378 = arith.constant 5 : i32
        %eq3A_379 = vector.broadcast %eq3A_378 : i32 to vector<16xi32>
        %eq3A_380 = arith.cmpi eq, %iota3A, %eq3A_379 : vector<16xi32>
        %select_n3A_381 = arith.select %eq3A_380, %exp3A_282, %select_n3A_377 : vector<16xi1>, vector<16xf32>
        %eq3A_382 = arith.constant 6 : i32
        %eq3A_383 = vector.broadcast %eq3A_382 : i32 to vector<16xi32>
        %eq3A_384 = arith.cmpi eq, %iota3A, %eq3A_383 : vector<16xi32>
        %select_n3A_385 = arith.select %eq3A_384, %exp3A_316, %select_n3A_381 : vector<16xi1>, vector<16xf32>
        %eq3A_386 = arith.constant 7 : i32
        %eq3A_387 = vector.broadcast %eq3A_386 : i32 to vector<16xi32>
        %eq3A_388 = arith.cmpi eq, %iota3A, %eq3A_387 : vector<16xi32>
        %select_n3A_389 = arith.select %eq3A_388, %exp3A_350, %select_n3A_385 : vector<16xi1>, vector<16xf32>
        %broadcast_in_dim3A_390 = vector.broadcast %scan3A_87 : i32 to vector<16xi32>
        %gather3A_391 = tpu.vector_load_idx %arg9[%broadcast_in_dim3A_390] : memref<40xi32, #tpu.memory_space<vmem>>[vector<16xi32>], vector<16xi32>,
        %and3A = arith.constant 7 : i32
        %and3A_392 = vector.broadcast %and3A : i32 to vector<16xi32>
        %and3A_393 = arith.andi %gather3A_391, %and3A_392 : vector<16xi32>
        %eq3A_394 = arith.constant 0 : i32
        %eq3A_395 = vector.broadcast %eq3A_394 : i32 to vector<16xi32>
        %eq3A_396 = arith.cmpi eq, %and3A_393, %eq3A_395 : vector<16xi32>
        %select_n3A_397 = arith.select %eq3A_396, %select_n3A_389, %broadcast_in_dim3A_1 : vector<16xi1>, vector<16xf32>
        %swap3A_398 = arith.index_cast %scan3A_87 : i32 to index
        %swap3A_399 = arith.constant 0 : index
        %swap3A_400 = tpu.vector_load %arg14[%swap3A_398, %swap3A_399] {strides = array<i32>} : memref<48x128xf32, #tpu.memory_space<vmem>>, vector<16xf32>,
        tpu.vector_store %arg14[%swap3A_398, %swap3A_399], %select_n3A_397 {strides = array<i32>} : memref<48x128xf32, #tpu.memory_space<vmem>>, vector<16xf32>,
        %eq3A_401 = arith.constant 1 : i32
        %eq3A_402 = vector.broadcast %eq3A_401 : i32 to vector<16xi32>
        %eq3A_403 = arith.cmpi eq, %and3A_393, %eq3A_402 : vector<16xi32>
        %select_n3A_404 = arith.select %eq3A_403, %select_n3A_389, %broadcast_in_dim3A_1 : vector<16xi1>, vector<16xf32>
        %swap3A_405 = arith.index_cast %scan3A_87 : i32 to index
        %swap3A_406 = arith.constant 16 : index
        %swap3A_407 = tpu.vector_load %arg14[%swap3A_405, %swap3A_406] {strides = array<i32>} : memref<48x128xf32, #tpu.memory_space<vmem>>, vector<16xf32>,
        tpu.vector_store %arg14[%swap3A_405, %swap3A_406], %select_n3A_404 {strides = array<i32>} : memref<48x128xf32, #tpu.memory_space<vmem>>, vector<16xf32>,
        %eq3A_408 = arith.constant 2 : i32
        %eq3A_409 = vector.broadcast %eq3A_408 : i32 to vector<16xi32>
        %eq3A_410 = arith.cmpi eq, %and3A_393, %eq3A_409 : vector<16xi32>
        %select_n3A_411 = arith.select %eq3A_410, %select_n3A_389, %broadcast_in_dim3A_1 : vector<16xi1>, vector<16xf32>
        %swap3A_412 = arith.index_cast %scan3A_87 : i32 to index
        %swap3A_413 = arith.constant 32 : index
        %swap3A_414 = tpu.vector_load %arg14[%swap3A_412, %swap3A_413] {strides = array<i32>} : memref<48x128xf32, #tpu.memory_space<vmem>>, vector<16xf32>,
        tpu.vector_store %arg14[%swap3A_412, %swap3A_413], %select_n3A_411 {strides = array<i32>} : memref<48x128xf32, #tpu.memory_space<vmem>>, vector<16xf32>,
        %eq3A_415 = arith.constant 3 : i32
        %eq3A_416 = vector.broadcast %eq3A_415 : i32 to vector<16xi32>
        %eq3A_417 = arith.cmpi eq, %and3A_393, %eq3A_416 : vector<16xi32>
        %select_n3A_418 = arith.select %eq3A_417, %select_n3A_389, %broadcast_in_dim3A_1 : vector<16xi1>, vector<16xf32>
        %swap3A_419 = arith.index_cast %scan3A_87 : i32 to index
        %swap3A_420 = arith.constant 48 : index
        %swap3A_421 = tpu.vector_load %arg14[%swap3A_419, %swap3A_420] {strides = array<i32>} : memref<48x128xf32, #tpu.memory_space<vmem>>, vector<16xf32>,
        tpu.vector_store %arg14[%swap3A_419, %swap3A_420], %select_n3A_418 {strides = array<i32>} : memref<48x128xf32, #tpu.memory_space<vmem>>, vector<16xf32>,
        %eq3A_422 = arith.constant 4 : i32
        %eq3A_423 = vector.broadcast %eq3A_422 : i32 to vector<16xi32>
        %eq3A_424 = arith.cmpi eq, %and3A_393, %eq3A_423 : vector<16xi32>
        %select_n3A_425 = arith.select %eq3A_424, %select_n3A_389, %broadcast_in_dim3A_1 : vector<16xi1>, vector<16xf32>
        %swap3A_426 = arith.index_cast %scan3A_87 : i32 to index
        %swap3A_427 = arith.constant 64 : index
        %swap3A_428 = tpu.vector_load %arg14[%swap3A_426, %swap3A_427] {strides = array<i32>} : memref<48x128xf32, #tpu.memory_space<vmem>>, vector<16xf32>,
        tpu.vector_store %arg14[%swap3A_426, %swap3A_427], %select_n3A_425 {strides = array<i32>} : memref<48x128xf32, #tpu.memory_space<vmem>>, vector<16xf32>,
        %eq3A_429 = arith.constant 5 : i32
        %eq3A_430 = vector.broadcast %eq3A_429 : i32 to vector<16xi32>
        %eq3A_431 = arith.cmpi eq, %and3A_393, %eq3A_430 : vector<16xi32>
        %select_n3A_432 = arith.select %eq3A_431, %select_n3A_389, %broadcast_in_dim3A_1 : vector<16xi1>, vector<16xf32>
        %swap3A_433 = arith.index_cast %scan3A_87 : i32 to index
        %swap3A_434 = arith.constant 80 : index
        %swap3A_435 = tpu.vector_load %arg14[%swap3A_433, %swap3A_434] {strides = array<i32>} : memref<48x128xf32, #tpu.memory_space<vmem>>, vector<16xf32>,
        tpu.vector_store %arg14[%swap3A_433, %swap3A_434], %select_n3A_432 {strides = array<i32>} : memref<48x128xf32, #tpu.memory_space<vmem>>, vector<16xf32>,
        %eq3A_436 = arith.constant 6 : i32
        %eq3A_437 = vector.broadcast %eq3A_436 : i32 to vector<16xi32>
        %eq3A_438 = arith.cmpi eq, %and3A_393, %eq3A_437 : vector<16xi32>
        %select_n3A_439 = arith.select %eq3A_438, %select_n3A_389, %broadcast_in_dim3A_1 : vector<16xi1>, vector<16xf32>
        %swap3A_440 = arith.index_cast %scan3A_87 : i32 to index
        %swap3A_441 = arith.constant 96 : index
        %swap3A_442 = tpu.vector_load %arg14[%swap3A_440, %swap3A_441] {strides = array<i32>} : memref<48x128xf32, #tpu.memory_space<vmem>>, vector<16xf32>,
        tpu.vector_store %arg14[%swap3A_440, %swap3A_441], %select_n3A_439 {strides = array<i32>} : memref<48x128xf32, #tpu.memory_space<vmem>>, vector<16xf32>,
        %eq3A_443 = arith.constant 7 : i32
        %eq3A_444 = vector.broadcast %eq3A_443 : i32 to vector<16xi32>
        %eq3A_445 = arith.cmpi eq, %and3A_393, %eq3A_444 : vector<16xi32>
        %select_n3A_446 = arith.select %eq3A_445, %select_n3A_389, %broadcast_in_dim3A_1 : vector<16xi1>, vector<16xf32>
        %swap3A_447 = arith.index_cast %scan3A_87 : i32 to index
        %swap3A_448 = arith.constant 112 : index
        %swap3A_449 = tpu.vector_load %arg14[%swap3A_447, %swap3A_448] {strides = array<i32>} : memref<48x128xf32, #tpu.memory_space<vmem>>, vector<16xf32>,
        tpu.vector_store %arg14[%swap3A_447, %swap3A_448], %select_n3A_446 {strides = array<i32>} : memref<48x128xf32, #tpu.memory_space<vmem>>, vector<16xf32>,
        %scan3A_450 = arith.constant 1 : i32
        %scan3A_451 = arith.addi %scan3A_87, %scan3A_450 : i32
        %get3A_452 = arith.index_cast %scan3A_451 : i32 to index
        %get3A_453 = arith.constant 0 : index
        %get3A_454 = tpu.vector_load %arg11[%get3A_452, %get3A_453] {strides = array<i32>} : memref<40x128xf32, #tpu.memory_space<vmem>>, vector<16xf32>,
        %get3A_455 = arith.index_cast %scan3A_451 : i32 to index
        %get3A_456 = arith.constant 0 : index
        %get3A_457 = tpu.vector_load %arg12[%get3A_455, %get3A_456] {strides = array<i32>} : memref<40x256xf32, #tpu.memory_space<vmem>>, vector<16xf32>,
        %mul3A_458 = arith.mulf %get3A_454, %get3A_457 : vector<16xf32>
        %broadcast_in_dim3A_459 = vector.shape_cast %xor3A_25 : vector<16xi32> to vector<16x1xi32>
        %gather3A_460 = vector.shape_cast %broadcast_in_dim3A_459 : vector<16x1xi32> to vector<16xi32>
        %gather3A_461 = tpu.dynamic_gather %mul3A_458[%gather3A_460] in [0] : vector<16xf32>, vector<16xi32> -> vector<16xf32>
        %add3A_462 = arith.addf %mul3A_458, %gather3A_461 : vector<16xf32>
        %broadcast_in_dim3A_463 = vector.shape_cast %xor3A_28 : vector<16xi32> to vector<16x1xi32>
        %gather3A_464 = vector.shape_cast %broadcast_in_dim3A_463 : vector<16x1xi32> to vector<16xi32>
        %gather3A_465 = tpu.dynamic_gather %add3A_462[%gather3A_464] in [0] : vector<16xf32>, vector<16xi32> -> vector<16xf32>
        %add3A_466 = arith.addf %add3A_462, %gather3A_465 : vector<16xf32>
        %broadcast_in_dim3A_467 = vector.shape_cast %xor3A_31 : vector<16xi32> to vector<16x1xi32>
        %gather3A_468 = vector.shape_cast %broadcast_in_dim3A_467 : vector<16x1xi32> to vector<16xi32>
        %gather3A_469 = tpu.dynamic_gather %add3A_466[%gather3A_468] in [0] : vector<16xf32>, vector<16xi32> -> vector<16xf32>
        %add3A_470 = arith.addf %add3A_466, %gather3A_469 : vector<16xf32>
        %broadcast_in_dim3A_471 = vector.shape_cast %xor3A_34 : vector<16xi32> to vector<16x1xi32>
        %gather3A_472 = vector.shape_cast %broadcast_in_dim3A_471 : vector<16x1xi32> to vector<16xi32>
        %gather3A_473 = tpu.dynamic_gather %add3A_470[%gather3A_472] in [0] : vector<16xf32>, vector<16xi32> -> vector<16xf32>
        %add3A_474 = arith.addf %add3A_470, %gather3A_473 : vector<16xf32>
        %mul3A_475 = arith.constant 2.500000e-01 : f32
        %mul3A_476 = vector.broadcast %mul3A_475 : f32 to vector<16xf32>
        %mul3A_477 = arith.mulf %add3A_474, %mul3A_476 : vector<16xf32>
        %exp3A_478 = math.exp %mul3A_477 : vector<16xf32>
        %get3A_479 = arith.index_cast %scan3A_451 : i32 to index
        %get3A_480 = arith.constant 128 : index
        %get3A_481 = tpu.vector_load %arg12[%get3A_479, %get3A_480] {strides = array<i32>} : memref<40x256xf32, #tpu.memory_space<vmem>>, vector<16xf32>,
        %mul3A_482 = arith.mulf %exp3A_478, %get3A_481 : vector<16xf32>
        %swap3A_483 = arith.index_cast %scan3A_451 : i32 to index
        %swap3A_484 = arith.constant 0 : index
        %swap3A_485 = tpu.vector_load %arg13[%swap3A_483, %swap3A_484] {strides = array<i32>} : memref<40x128xf32, #tpu.memory_space<vmem>>, vector<16xf32>,
        tpu.vector_store %arg13[%swap3A_483, %swap3A_484], %mul3A_482 {strides = array<i32>} : memref<40x128xf32, #tpu.memory_space<vmem>>, vector<16xf32>,
        %get3A_486 = arith.index_cast %scan3A_451 : i32 to index
        %get3A_487 = arith.constant 16 : index
        %get3A_488 = tpu.vector_load %arg11[%get3A_486, %get3A_487] {strides = array<i32>} : memref<40x128xf32, #tpu.memory_space<vmem>>, vector<16xf32>,
        %get3A_489 = arith.index_cast %scan3A_451 : i32 to index
        %get3A_490 = arith.constant 16 : index
        %get3A_491 = tpu.vector_load %arg12[%get3A_489, %get3A_490] {strides = array<i32>} : memref<40x256xf32, #tpu.memory_space<vmem>>, vector<16xf32>,
        %mul3A_492 = arith.mulf %get3A_488, %get3A_491 : vector<16xf32>
        %broadcast_in_dim3A_493 = vector.shape_cast %xor3A_25 : vector<16xi32> to vector<16x1xi32>
        %gather3A_494 = vector.shape_cast %broadcast_in_dim3A_493 : vector<16x1xi32> to vector<16xi32>
        %gather3A_495 = tpu.dynamic_gather %mul3A_492[%gather3A_494] in [0] : vector<16xf32>, vector<16xi32> -> vector<16xf32>
        %add3A_496 = arith.addf %mul3A_492, %gather3A_495 : vector<16xf32>
        %broadcast_in_dim3A_497 = vector.shape_cast %xor3A_28 : vector<16xi32> to vector<16x1xi32>
        %gather3A_498 = vector.shape_cast %broadcast_in_dim3A_497 : vector<16x1xi32> to vector<16xi32>
        %gather3A_499 = tpu.dynamic_gather %add3A_496[%gather3A_498] in [0] : vector<16xf32>, vector<16xi32> -> vector<16xf32>
        %add3A_500 = arith.addf %add3A_496, %gather3A_499 : vector<16xf32>
        %broadcast_in_dim3A_501 = vector.shape_cast %xor3A_31 : vector<16xi32> to vector<16x1xi32>
        %gather3A_502 = vector.shape_cast %broadcast_in_dim3A_501 : vector<16x1xi32> to vector<16xi32>
        %gather3A_503 = tpu.dynamic_gather %add3A_500[%gather3A_502] in [0] : vector<16xf32>, vector<16xi32> -> vector<16xf32>
        %add3A_504 = arith.addf %add3A_500, %gather3A_503 : vector<16xf32>
        %broadcast_in_dim3A_505 = vector.shape_cast %xor3A_34 : vector<16xi32> to vector<16x1xi32>
        %gather3A_506 = vector.shape_cast %broadcast_in_dim3A_505 : vector<16x1xi32> to vector<16xi32>
        %gather3A_507 = tpu.dynamic_gather %add3A_504[%gather3A_506] in [0] : vector<16xf32>, vector<16xi32> -> vector<16xf32>
        %add3A_508 = arith.addf %add3A_504, %gather3A_507 : vector<16xf32>
        %mul3A_509 = arith.constant 2.500000e-01 : f32
        %mul3A_510 = vector.broadcast %mul3A_509 : f32 to vector<16xf32>
        %mul3A_511 = arith.mulf %add3A_508, %mul3A_510 : vector<16xf32>
        %exp3A_512 = math.exp %mul3A_511 : vector<16xf32>
        %get3A_513 = arith.index_cast %scan3A_451 : i32 to index
        %get3A_514 = arith.constant 144 : index
        %get3A_515 = tpu.vector_load %arg12[%get3A_513, %get3A_514] {strides = array<i32>} : memref<40x256xf32, #tpu.memory_space<vmem>>, vector<16xf32>,
        %mul3A_516 = arith.mulf %exp3A_512, %get3A_515 : vector<16xf32>
        %swap3A_517 = arith.index_cast %scan3A_451 : i32 to index
        %swap3A_518 = arith.constant 16 : index
        %swap3A_519 = tpu.vector_load %arg13[%swap3A_517, %swap3A_518] {strides = array<i32>} : memref<40x128xf32, #tpu.memory_space<vmem>>, vector<16xf32>,
        tpu.vector_store %arg13[%swap3A_517, %swap3A_518], %mul3A_516 {strides = array<i32>} : memref<40x128xf32, #tpu.memory_space<vmem>>, vector<16xf32>,
        %get3A_520 = arith.index_cast %scan3A_451 : i32 to index
        %get3A_521 = arith.constant 32 : index
        %get3A_522 = tpu.vector_load %arg11[%get3A_520, %get3A_521] {strides = array<i32>} : memref<40x128xf32, #tpu.memory_space<vmem>>, vector<16xf32>,
        %get3A_523 = arith.index_cast %scan3A_451 : i32 to index
        %get3A_524 = arith.constant 32 : index
        %get3A_525 = tpu.vector_load %arg12[%get3A_523, %get3A_524] {strides = array<i32>} : memref<40x256xf32, #tpu.memory_space<vmem>>, vector<16xf32>,
        %mul3A_526 = arith.mulf %get3A_522, %get3A_525 : vector<16xf32>
        %broadcast_in_dim3A_527 = vector.shape_cast %xor3A_25 : vector<16xi32> to vector<16x1xi32>
        %gather3A_528 = vector.shape_cast %broadcast_in_dim3A_527 : vector<16x1xi32> to vector<16xi32>
        %gather3A_529 = tpu.dynamic_gather %mul3A_526[%gather3A_528] in [0] : vector<16xf32>, vector<16xi32> -> vector<16xf32>
        %add3A_530 = arith.addf %mul3A_526, %gather3A_529 : vector<16xf32>
        %broadcast_in_dim3A_531 = vector.shape_cast %xor3A_28 : vector<16xi32> to vector<16x1xi32>
        %gather3A_532 = vector.shape_cast %broadcast_in_dim3A_531 : vector<16x1xi32> to vector<16xi32>
        %gather3A_533 = tpu.dynamic_gather %add3A_530[%gather3A_532] in [0] : vector<16xf32>, vector<16xi32> -> vector<16xf32>
        %add3A_534 = arith.addf %add3A_530, %gather3A_533 : vector<16xf32>
        %broadcast_in_dim3A_535 = vector.shape_cast %xor3A_31 : vector<16xi32> to vector<16x1xi32>
        %gather3A_536 = vector.shape_cast %broadcast_in_dim3A_535 : vector<16x1xi32> to vector<16xi32>
        %gather3A_537 = tpu.dynamic_gather %add3A_534[%gather3A_536] in [0] : vector<16xf32>, vector<16xi32> -> vector<16xf32>
        %add3A_538 = arith.addf %add3A_534, %gather3A_537 : vector<16xf32>
        %broadcast_in_dim3A_539 = vector.shape_cast %xor3A_34 : vector<16xi32> to vector<16x1xi32>
        %gather3A_540 = vector.shape_cast %broadcast_in_dim3A_539 : vector<16x1xi32> to vector<16xi32>
        %gather3A_541 = tpu.dynamic_gather %add3A_538[%gather3A_540] in [0] : vector<16xf32>, vector<16xi32> -> vector<16xf32>
        %add3A_542 = arith.addf %add3A_538, %gather3A_541 : vector<16xf32>
        %mul3A_543 = arith.constant 2.500000e-01 : f32
        %mul3A_544 = vector.broadcast %mul3A_543 : f32 to vector<16xf32>
        %mul3A_545 = arith.mulf %add3A_542, %mul3A_544 : vector<16xf32>
        %exp3A_546 = math.exp %mul3A_545 : vector<16xf32>
        %get3A_547 = arith.index_cast %scan3A_451 : i32 to index
        %get3A_548 = arith.constant 160 : index
        %get3A_549 = tpu.vector_load %arg12[%get3A_547, %get3A_548] {strides = array<i32>} : memref<40x256xf32, #tpu.memory_space<vmem>>, vector<16xf32>,
        %mul3A_550 = arith.mulf %exp3A_546, %get3A_549 : vector<16xf32>
        %swap3A_551 = arith.index_cast %scan3A_451 : i32 to index
        %swap3A_552 = arith.constant 32 : index
        %swap3A_553 = tpu.vector_load %arg13[%swap3A_551, %swap3A_552] {strides = array<i32>} : memref<40x128xf32, #tpu.memory_space<vmem>>, vector<16xf32>,
        tpu.vector_store %arg13[%swap3A_551, %swap3A_552], %mul3A_550 {strides = array<i32>} : memref<40x128xf32, #tpu.memory_space<vmem>>, vector<16xf32>,
        %get3A_554 = arith.index_cast %scan3A_451 : i32 to index
        %get3A_555 = arith.constant 48 : index
        %get3A_556 = tpu.vector_load %arg11[%get3A_554, %get3A_555] {strides = array<i32>} : memref<40x128xf32, #tpu.memory_space<vmem>>, vector<16xf32>,
        %get3A_557 = arith.index_cast %scan3A_451 : i32 to index
        %get3A_558 = arith.constant 48 : index
        %get3A_559 = tpu.vector_load %arg12[%get3A_557, %get3A_558] {strides = array<i32>} : memref<40x256xf32, #tpu.memory_space<vmem>>, vector<16xf32>,
        %mul3A_560 = arith.mulf %get3A_556, %get3A_559 : vector<16xf32>
        %broadcast_in_dim3A_561 = vector.shape_cast %xor3A_25 : vector<16xi32> to vector<16x1xi32>
        %gather3A_562 = vector.shape_cast %broadcast_in_dim3A_561 : vector<16x1xi32> to vector<16xi32>
        %gather3A_563 = tpu.dynamic_gather %mul3A_560[%gather3A_562] in [0] : vector<16xf32>, vector<16xi32> -> vector<16xf32>
        %add3A_564 = arith.addf %mul3A_560, %gather3A_563 : vector<16xf32>
        %broadcast_in_dim3A_565 = vector.shape_cast %xor3A_28 : vector<16xi32> to vector<16x1xi32>
        %gather3A_566 = vector.shape_cast %broadcast_in_dim3A_565 : vector<16x1xi32> to vector<16xi32>
        %gather3A_567 = tpu.dynamic_gather %add3A_564[%gather3A_566] in [0] : vector<16xf32>, vector<16xi32> -> vector<16xf32>
        %add3A_568 = arith.addf %add3A_564, %gather3A_567 : vector<16xf32>
        %broadcast_in_dim3A_569 = vector.shape_cast %xor3A_31 : vector<16xi32> to vector<16x1xi32>
        %gather3A_570 = vector.shape_cast %broadcast_in_dim3A_569 : vector<16x1xi32> to vector<16xi32>
        %gather3A_571 = tpu.dynamic_gather %add3A_568[%gather3A_570] in [0] : vector<16xf32>, vector<16xi32> -> vector<16xf32>
        %add3A_572 = arith.addf %add3A_568, %gather3A_571 : vector<16xf32>
        %broadcast_in_dim3A_573 = vector.shape_cast %xor3A_34 : vector<16xi32> to vector<16x1xi32>
        %gather3A_574 = vector.shape_cast %broadcast_in_dim3A_573 : vector<16x1xi32> to vector<16xi32>
        %gather3A_575 = tpu.dynamic_gather %add3A_572[%gather3A_574] in [0] : vector<16xf32>, vector<16xi32> -> vector<16xf32>
        %add3A_576 = arith.addf %add3A_572, %gather3A_575 : vector<16xf32>
        %mul3A_577 = arith.constant 2.500000e-01 : f32
        %mul3A_578 = vector.broadcast %mul3A_577 : f32 to vector<16xf32>
        %mul3A_579 = arith.mulf %add3A_576, %mul3A_578 : vector<16xf32>
        %exp3A_580 = math.exp %mul3A_579 : vector<16xf32>
        %get3A_581 = arith.index_cast %scan3A_451 : i32 to index
        %get3A_582 = arith.constant 176 : index
        %get3A_583 = tpu.vector_load %arg12[%get3A_581, %get3A_582] {strides = array<i32>} : memref<40x256xf32, #tpu.memory_space<vmem>>, vector<16xf32>,
        %mul3A_584 = arith.mulf %exp3A_580, %get3A_583 : vector<16xf32>
        %swap3A_585 = arith.index_cast %scan3A_451 : i32 to index
        %swap3A_586 = arith.constant 48 : index
        %swap3A_587 = tpu.vector_load %arg13[%swap3A_585, %swap3A_586] {strides = array<i32>} : memref<40x128xf32, #tpu.memory_space<vmem>>, vector<16xf32>,
        tpu.vector_store %arg13[%swap3A_585, %swap3A_586], %mul3A_584 {strides = array<i32>} : memref<40x128xf32, #tpu.memory_space<vmem>>, vector<16xf32>,
        %get3A_588 = arith.index_cast %scan3A_451 : i32 to index
        %get3A_589 = arith.constant 64 : index
        %get3A_590 = tpu.vector_load %arg11[%get3A_588, %get3A_589] {strides = array<i32>} : memref<40x128xf32, #tpu.memory_space<vmem>>, vector<16xf32>,
        %get3A_591 = arith.index_cast %scan3A_451 : i32 to index
        %get3A_592 = arith.constant 64 : index
        %get3A_593 = tpu.vector_load %arg12[%get3A_591, %get3A_592] {strides = array<i32>} : memref<40x256xf32, #tpu.memory_space<vmem>>, vector<16xf32>,
        %mul3A_594 = arith.mulf %get3A_590, %get3A_593 : vector<16xf32>
        %broadcast_in_dim3A_595 = vector.shape_cast %xor3A_25 : vector<16xi32> to vector<16x1xi32>
        %gather3A_596 = vector.shape_cast %broadcast_in_dim3A_595 : vector<16x1xi32> to vector<16xi32>
        %gather3A_597 = tpu.dynamic_gather %mul3A_594[%gather3A_596] in [0] : vector<16xf32>, vector<16xi32> -> vector<16xf32>
        %add3A_598 = arith.addf %mul3A_594, %gather3A_597 : vector<16xf32>
        %broadcast_in_dim3A_599 = vector.shape_cast %xor3A_28 : vector<16xi32> to vector<16x1xi32>
        %gather3A_600 = vector.shape_cast %broadcast_in_dim3A_599 : vector<16x1xi32> to vector<16xi32>
        %gather3A_601 = tpu.dynamic_gather %add3A_598[%gather3A_600] in [0] : vector<16xf32>, vector<16xi32> -> vector<16xf32>
        %add3A_602 = arith.addf %add3A_598, %gather3A_601 : vector<16xf32>
        %broadcast_in_dim3A_603 = vector.shape_cast %xor3A_31 : vector<16xi32> to vector<16x1xi32>
        %gather3A_604 = vector.shape_cast %broadcast_in_dim3A_603 : vector<16x1xi32> to vector<16xi32>
        %gather3A_605 = tpu.dynamic_gather %add3A_602[%gather3A_604] in [0] : vector<16xf32>, vector<16xi32> -> vector<16xf32>
        %add3A_606 = arith.addf %add3A_602, %gather3A_605 : vector<16xf32>
        %broadcast_in_dim3A_607 = vector.shape_cast %xor3A_34 : vector<16xi32> to vector<16x1xi32>
        %gather3A_608 = vector.shape_cast %broadcast_in_dim3A_607 : vector<16x1xi32> to vector<16xi32>
        %gather3A_609 = tpu.dynamic_gather %add3A_606[%gather3A_608] in [0] : vector<16xf32>, vector<16xi32> -> vector<16xf32>
        %add3A_610 = arith.addf %add3A_606, %gather3A_609 : vector<16xf32>
        %mul3A_611 = arith.constant 2.500000e-01 : f32
        %mul3A_612 = vector.broadcast %mul3A_611 : f32 to vector<16xf32>
        %mul3A_613 = arith.mulf %add3A_610, %mul3A_612 : vector<16xf32>
        %exp3A_614 = math.exp %mul3A_613 : vector<16xf32>
        %get3A_615 = arith.index_cast %scan3A_451 : i32 to index
        %get3A_616 = arith.constant 192 : index
        %get3A_617 = tpu.vector_load %arg12[%get3A_615, %get3A_616] {strides = array<i32>} : memref<40x256xf32, #tpu.memory_space<vmem>>, vector<16xf32>,
        %mul3A_618 = arith.mulf %exp3A_614, %get3A_617 : vector<16xf32>
        %swap3A_619 = arith.index_cast %scan3A_451 : i32 to index
        %swap3A_620 = arith.constant 64 : index
        %swap3A_621 = tpu.vector_load %arg13[%swap3A_619, %swap3A_620] {strides = array<i32>} : memref<40x128xf32, #tpu.memory_space<vmem>>, vector<16xf32>,
        tpu.vector_store %arg13[%swap3A_619, %swap3A_620], %mul3A_618 {strides = array<i32>} : memref<40x128xf32, #tpu.memory_space<vmem>>, vector<16xf32>,
        %get3A_622 = arith.index_cast %scan3A_451 : i32 to index
        %get3A_623 = arith.constant 80 : index
        %get3A_624 = tpu.vector_load %arg11[%get3A_622, %get3A_623] {strides = array<i32>} : memref<40x128xf32, #tpu.memory_space<vmem>>, vector<16xf32>,
        %get3A_625 = arith.index_cast %scan3A_451 : i32 to index
        %get3A_626 = arith.constant 80 : index
        %get3A_627 = tpu.vector_load %arg12[%get3A_625, %get3A_626] {strides = array<i32>} : memref<40x256xf32, #tpu.memory_space<vmem>>, vector<16xf32>,
        %mul3A_628 = arith.mulf %get3A_624, %get3A_627 : vector<16xf32>
        %broadcast_in_dim3A_629 = vector.shape_cast %xor3A_25 : vector<16xi32> to vector<16x1xi32>
        %gather3A_630 = vector.shape_cast %broadcast_in_dim3A_629 : vector<16x1xi32> to vector<16xi32>
        %gather3A_631 = tpu.dynamic_gather %mul3A_628[%gather3A_630] in [0] : vector<16xf32>, vector<16xi32> -> vector<16xf32>
        %add3A_632 = arith.addf %mul3A_628, %gather3A_631 : vector<16xf32>
        %broadcast_in_dim3A_633 = vector.shape_cast %xor3A_28 : vector<16xi32> to vector<16x1xi32>
        %gather3A_634 = vector.shape_cast %broadcast_in_dim3A_633 : vector<16x1xi32> to vector<16xi32>
        %gather3A_635 = tpu.dynamic_gather %add3A_632[%gather3A_634] in [0] : vector<16xf32>, vector<16xi32> -> vector<16xf32>
        %add3A_636 = arith.addf %add3A_632, %gather3A_635 : vector<16xf32>
        %broadcast_in_dim3A_637 = vector.shape_cast %xor3A_31 : vector<16xi32> to vector<16x1xi32>
        %gather3A_638 = vector.shape_cast %broadcast_in_dim3A_637 : vector<16x1xi32> to vector<16xi32>
        %gather3A_639 = tpu.dynamic_gather %add3A_636[%gather3A_638] in [0] : vector<16xf32>, vector<16xi32> -> vector<16xf32>
        %add3A_640 = arith.addf %add3A_636, %gather3A_639 : vector<16xf32>
        %broadcast_in_dim3A_641 = vector.shape_cast %xor3A_34 : vector<16xi32> to vector<16x1xi32>
        %gather3A_642 = vector.shape_cast %broadcast_in_dim3A_641 : vector<16x1xi32> to vector<16xi32>
        %gather3A_643 = tpu.dynamic_gather %add3A_640[%gather3A_642] in [0] : vector<16xf32>, vector<16xi32> -> vector<16xf32>
        %add3A_644 = arith.addf %add3A_640, %gather3A_643 : vector<16xf32>
        %mul3A_645 = arith.constant 2.500000e-01 : f32
        %mul3A_646 = vector.broadcast %mul3A_645 : f32 to vector<16xf32>
        %mul3A_647 = arith.mulf %add3A_644, %mul3A_646 : vector<16xf32>
        %exp3A_648 = math.exp %mul3A_647 : vector<16xf32>
        %get3A_649 = arith.index_cast %scan3A_451 : i32 to index
        %get3A_650 = arith.constant 208 : index
        %get3A_651 = tpu.vector_load %arg12[%get3A_649, %get3A_650] {strides = array<i32>} : memref<40x256xf32, #tpu.memory_space<vmem>>, vector<16xf32>,
        %mul3A_652 = arith.mulf %exp3A_648, %get3A_651 : vector<16xf32>
        %swap3A_653 = arith.index_cast %scan3A_451 : i32 to index
        %swap3A_654 = arith.constant 80 : index
        %swap3A_655 = tpu.vector_load %arg13[%swap3A_653, %swap3A_654] {strides = array<i32>} : memref<40x128xf32, #tpu.memory_space<vmem>>, vector<16xf32>,
        tpu.vector_store %arg13[%swap3A_653, %swap3A_654], %mul3A_652 {strides = array<i32>} : memref<40x128xf32, #tpu.memory_space<vmem>>, vector<16xf32>,
        %get3A_656 = arith.index_cast %scan3A_451 : i32 to index
        %get3A_657 = arith.constant 96 : index
        %get3A_658 = tpu.vector_load %arg11[%get3A_656, %get3A_657] {strides = array<i32>} : memref<40x128xf32, #tpu.memory_space<vmem>>, vector<16xf32>,
        %get3A_659 = arith.index_cast %scan3A_451 : i32 to index
        %get3A_660 = arith.constant 96 : index
        %get3A_661 = tpu.vector_load %arg12[%get3A_659, %get3A_660] {strides = array<i32>} : memref<40x256xf32, #tpu.memory_space<vmem>>, vector<16xf32>,
        %mul3A_662 = arith.mulf %get3A_658, %get3A_661 : vector<16xf32>
        %broadcast_in_dim3A_663 = vector.shape_cast %xor3A_25 : vector<16xi32> to vector<16x1xi32>
        %gather3A_664 = vector.shape_cast %broadcast_in_dim3A_663 : vector<16x1xi32> to vector<16xi32>
        %gather3A_665 = tpu.dynamic_gather %mul3A_662[%gather3A_664] in [0] : vector<16xf32>, vector<16xi32> -> vector<16xf32>
        %add3A_666 = arith.addf %mul3A_662, %gather3A_665 : vector<16xf32>
        %broadcast_in_dim3A_667 = vector.shape_cast %xor3A_28 : vector<16xi32> to vector<16x1xi32>
        %gather3A_668 = vector.shape_cast %broadcast_in_dim3A_667 : vector<16x1xi32> to vector<16xi32>
        %gather3A_669 = tpu.dynamic_gather %add3A_666[%gather3A_668] in [0] : vector<16xf32>, vector<16xi32> -> vector<16xf32>
        %add3A_670 = arith.addf %add3A_666, %gather3A_669 : vector<16xf32>
        %broadcast_in_dim3A_671 = vector.shape_cast %xor3A_31 : vector<16xi32> to vector<16x1xi32>
        %gather3A_672 = vector.shape_cast %broadcast_in_dim3A_671 : vector<16x1xi32> to vector<16xi32>
        %gather3A_673 = tpu.dynamic_gather %add3A_670[%gather3A_672] in [0] : vector<16xf32>, vector<16xi32> -> vector<16xf32>
        %add3A_674 = arith.addf %add3A_670, %gather3A_673 : vector<16xf32>
        %broadcast_in_dim3A_675 = vector.shape_cast %xor3A_34 : vector<16xi32> to vector<16x1xi32>
        %gather3A_676 = vector.shape_cast %broadcast_in_dim3A_675 : vector<16x1xi32> to vector<16xi32>
        %gather3A_677 = tpu.dynamic_gather %add3A_674[%gather3A_676] in [0] : vector<16xf32>, vector<16xi32> -> vector<16xf32>
        %add3A_678 = arith.addf %add3A_674, %gather3A_677 : vector<16xf32>
        %mul3A_679 = arith.constant 2.500000e-01 : f32
        %mul3A_680 = vector.broadcast %mul3A_679 : f32 to vector<16xf32>
        %mul3A_681 = arith.mulf %add3A_678, %mul3A_680 : vector<16xf32>
        %exp3A_682 = math.exp %mul3A_681 : vector<16xf32>
        %get3A_683 = arith.index_cast %scan3A_451 : i32 to index
        %get3A_684 = arith.constant 224 : index
        %get3A_685 = tpu.vector_load %arg12[%get3A_683, %get3A_684] {strides = array<i32>} : memref<40x256xf32, #tpu.memory_space<vmem>>, vector<16xf32>,
        %mul3A_686 = arith.mulf %exp3A_682, %get3A_685 : vector<16xf32>
        %swap3A_687 = arith.index_cast %scan3A_451 : i32 to index
        %swap3A_688 = arith.constant 96 : index
        %swap3A_689 = tpu.vector_load %arg13[%swap3A_687, %swap3A_688] {strides = array<i32>} : memref<40x128xf32, #tpu.memory_space<vmem>>, vector<16xf32>,
        tpu.vector_store %arg13[%swap3A_687, %swap3A_688], %mul3A_686 {strides = array<i32>} : memref<40x128xf32, #tpu.memory_space<vmem>>, vector<16xf32>,
        %get3A_690 = arith.index_cast %scan3A_451 : i32 to index
        %get3A_691 = arith.constant 112 : index
        %get3A_692 = tpu.vector_load %arg11[%get3A_690, %get3A_691] {strides = array<i32>} : memref<40x128xf32, #tpu.memory_space<vmem>>, vector<16xf32>,
        %get3A_693 = arith.index_cast %scan3A_451 : i32 to index
        %get3A_694 = arith.constant 112 : index
        %get3A_695 = tpu.vector_load %arg12[%get3A_693, %get3A_694] {strides = array<i32>} : memref<40x256xf32, #tpu.memory_space<vmem>>, vector<16xf32>,
        %mul3A_696 = arith.mulf %get3A_692, %get3A_695 : vector<16xf32>
        %broadcast_in_dim3A_697 = vector.shape_cast %xor3A_25 : vector<16xi32> to vector<16x1xi32>
        %gather3A_698 = vector.shape_cast %broadcast_in_dim3A_697 : vector<16x1xi32> to vector<16xi32>
        %gather3A_699 = tpu.dynamic_gather %mul3A_696[%gather3A_698] in [0] : vector<16xf32>, vector<16xi32> -> vector<16xf32>
        %add3A_700 = arith.addf %mul3A_696, %gather3A_699 : vector<16xf32>
        %broadcast_in_dim3A_701 = vector.shape_cast %xor3A_28 : vector<16xi32> to vector<16x1xi32>
        %gather3A_702 = vector.shape_cast %broadcast_in_dim3A_701 : vector<16x1xi32> to vector<16xi32>
        %gather3A_703 = tpu.dynamic_gather %add3A_700[%gather3A_702] in [0] : vector<16xf32>, vector<16xi32> -> vector<16xf32>
        %add3A_704 = arith.addf %add3A_700, %gather3A_703 : vector<16xf32>
        %broadcast_in_dim3A_705 = vector.shape_cast %xor3A_31 : vector<16xi32> to vector<16x1xi32>
        %gather3A_706 = vector.shape_cast %broadcast_in_dim3A_705 : vector<16x1xi32> to vector<16xi32>
        %gather3A_707 = tpu.dynamic_gather %add3A_704[%gather3A_706] in [0] : vector<16xf32>, vector<16xi32> -> vector<16xf32>
        %add3A_708 = arith.addf %add3A_704, %gather3A_707 : vector<16xf32>
        %broadcast_in_dim3A_709 = vector.shape_cast %xor3A_34 : vector<16xi32> to vector<16x1xi32>
        %gather3A_710 = vector.shape_cast %broadcast_in_dim3A_709 : vector<16x1xi32> to vector<16xi32>
        %gather3A_711 = tpu.dynamic_gather %add3A_708[%gather3A_710] in [0] : vector<16xf32>, vector<16xi32> -> vector<16xf32>
        %add3A_712 = arith.addf %add3A_708, %gather3A_711 : vector<16xf32>
        %mul3A_713 = arith.constant 2.500000e-01 : f32
        %mul3A_714 = vector.broadcast %mul3A_713 : f32 to vector<16xf32>
        %mul3A_715 = arith.mulf %add3A_712, %mul3A_714 : vector<16xf32>
        %exp3A_716 = math.exp %mul3A_715 : vector<16xf32>
        %get3A_717 = arith.index_cast %scan3A_451 : i32 to index
        %get3A_718 = arith.constant 240 : index
        %get3A_719 = tpu.vector_load %arg12[%get3A_717, %get3A_718] {strides = array<i32>} : memref<40x256xf32, #tpu.memory_space<vmem>>, vector<16xf32>,
        %mul3A_720 = arith.mulf %exp3A_716, %get3A_719 : vector<16xf32>
        %swap3A_721 = arith.index_cast %scan3A_451 : i32 to index
        %swap3A_722 = arith.constant 112 : index
        %swap3A_723 = tpu.vector_load %arg13[%swap3A_721, %swap3A_722] {strides = array<i32>} : memref<40x128xf32, #tpu.memory_space<vmem>>, vector<16xf32>,
        tpu.vector_store %arg13[%swap3A_721, %swap3A_722], %mul3A_720 {strides = array<i32>} : memref<40x128xf32, #tpu.memory_space<vmem>>, vector<16xf32>,
        %broadcast_in_dim3A_724 = arith.constant 0.000000e+00 : f32
        %broadcast_in_dim3A_725 = vector.broadcast %broadcast_in_dim3A_724 : f32 to vector<16xf32>
        %eq3A_726 = arith.constant 0 : i32
        %eq3A_727 = vector.broadcast %eq3A_726 : i32 to vector<16xi32>
        %eq3A_728 = arith.cmpi eq, %iota3A, %eq3A_727 : vector<16xi32>
        %select_n3A_729 = arith.select %eq3A_728, %exp3A_478, %broadcast_in_dim3A_725 : vector<16xi1>, vector<16xf32>
        %eq3A_730 = arith.constant 1 : i32
        %eq3A_731 = vector.broadcast %eq3A_730 : i32 to vector<16xi32>
        %eq3A_732 = arith.cmpi eq, %iota3A, %eq3A_731 : vector<16xi32>
        %select_n3A_733 = arith.select %eq3A_732, %exp3A_512, %select_n3A_729 : vector<16xi1>, vector<16xf32>
        %eq3A_734 = arith.constant 2 : i32
        %eq3A_735 = vector.broadcast %eq3A_734 : i32 to vector<16xi32>
        %eq3A_736 = arith.cmpi eq, %iota3A, %eq3A_735 : vector<16xi32>
        %select_n3A_737 = arith.select %eq3A_736, %exp3A_546, %select_n3A_733 : vector<16xi1>, vector<16xf32>
        %eq3A_738 = arith.constant 3 : i32
        %eq3A_739 = vector.broadcast %eq3A_738 : i32 to vector<16xi32>
        %eq3A_740 = arith.cmpi eq, %iota3A, %eq3A_739 : vector<16xi32>
        %select_n3A_741 = arith.select %eq3A_740, %exp3A_580, %select_n3A_737 : vector<16xi1>, vector<16xf32>
        %eq3A_742 = arith.constant 4 : i32
        %eq3A_743 = vector.broadcast %eq3A_742 : i32 to vector<16xi32>
        %eq3A_744 = arith.cmpi eq, %iota3A, %eq3A_743 : vector<16xi32>
        %select_n3A_745 = arith.select %eq3A_744, %exp3A_614, %select_n3A_741 : vector<16xi1>, vector<16xf32>
        %eq3A_746 = arith.constant 5 : i32
        %eq3A_747 = vector.broadcast %eq3A_746 : i32 to vector<16xi32>
        %eq3A_748 = arith.cmpi eq, %iota3A, %eq3A_747 : vector<16xi32>
        %select_n3A_749 = arith.select %eq3A_748, %exp3A_648, %select_n3A_745 : vector<16xi1>, vector<16xf32>
        %eq3A_750 = arith.constant 6 : i32
        %eq3A_751 = vector.broadcast %eq3A_750 : i32 to vector<16xi32>
        %eq3A_752 = arith.cmpi eq, %iota3A, %eq3A_751 : vector<16xi32>
        %select_n3A_753 = arith.select %eq3A_752, %exp3A_682, %select_n3A_749 : vector<16xi1>, vector<16xf32>
        %eq3A_754 = arith.constant 7 : i32
        %eq3A_755 = vector.broadcast %eq3A_754 : i32 to vector<16xi32>
        %eq3A_756 = arith.cmpi eq, %iota3A, %eq3A_755 : vector<16xi32>
        %select_n3A_757 = arith.select %eq3A_756, %exp3A_716, %select_n3A_753 : vector<16xi1>, vector<16xf32>
        %broadcast_in_dim3A_758 = vector.broadcast %scan3A_451 : i32 to vector<16xi32>
        %gather3A_759 = tpu.vector_load_idx %arg9[%broadcast_in_dim3A_758] : memref<40xi32, #tpu.memory_space<vmem>>[vector<16xi32>], vector<16xi32>,
        %and3A_760 = arith.constant 7 : i32
        %and3A_761 = vector.broadcast %and3A_760 : i32 to vector<16xi32>
        %and3A_762 = arith.andi %gather3A_759, %and3A_761 : vector<16xi32>
        %eq3A_763 = arith.constant 0 : i32
        %eq3A_764 = vector.broadcast %eq3A_763 : i32 to vector<16xi32>
        %eq3A_765 = arith.cmpi eq, %and3A_762, %eq3A_764 : vector<16xi32>
        %select_n3A_766 = arith.select %eq3A_765, %select_n3A_757, %broadcast_in_dim3A_1 : vector<16xi1>, vector<16xf32>
        %swap3A_767 = arith.index_cast %scan3A_451 : i32 to index
        %swap3A_768 = arith.constant 0 : index
        %swap3A_769 = tpu.vector_load %arg14[%swap3A_767, %swap3A_768] {strides = array<i32>} : memref<48x128xf32, #tpu.memory_space<vmem>>, vector<16xf32>,
        tpu.vector_store %arg14[%swap3A_767, %swap3A_768], %select_n3A_766 {strides = array<i32>} : memref<48x128xf32, #tpu.memory_space<vmem>>, vector<16xf32>,
        %eq3A_770 = arith.constant 1 : i32
        %eq3A_771 = vector.broadcast %eq3A_770 : i32 to vector<16xi32>
        %eq3A_772 = arith.cmpi eq, %and3A_762, %eq3A_771 : vector<16xi32>
        %select_n3A_773 = arith.select %eq3A_772, %select_n3A_757, %broadcast_in_dim3A_1 : vector<16xi1>, vector<16xf32>
        %swap3A_774 = arith.index_cast %scan3A_451 : i32 to index
        %swap3A_775 = arith.constant 16 : index
        %swap3A_776 = tpu.vector_load %arg14[%swap3A_774, %swap3A_775] {strides = array<i32>} : memref<48x128xf32, #tpu.memory_space<vmem>>, vector<16xf32>,
        tpu.vector_store %arg14[%swap3A_774, %swap3A_775], %select_n3A_773 {strides = array<i32>} : memref<48x128xf32, #tpu.memory_space<vmem>>, vector<16xf32>,
        %eq3A_777 = arith.constant 2 : i32
        %eq3A_778 = vector.broadcast %eq3A_777 : i32 to vector<16xi32>
        %eq3A_779 = arith.cmpi eq, %and3A_762, %eq3A_778 : vector<16xi32>
        %select_n3A_780 = arith.select %eq3A_779, %select_n3A_757, %broadcast_in_dim3A_1 : vector<16xi1>, vector<16xf32>
        %swap3A_781 = arith.index_cast %scan3A_451 : i32 to index
        %swap3A_782 = arith.constant 32 : index
        %swap3A_783 = tpu.vector_load %arg14[%swap3A_781, %swap3A_782] {strides = array<i32>} : memref<48x128xf32, #tpu.memory_space<vmem>>, vector<16xf32>,
        tpu.vector_store %arg14[%swap3A_781, %swap3A_782], %select_n3A_780 {strides = array<i32>} : memref<48x128xf32, #tpu.memory_space<vmem>>, vector<16xf32>,
        %eq3A_784 = arith.constant 3 : i32
        %eq3A_785 = vector.broadcast %eq3A_784 : i32 to vector<16xi32>
        %eq3A_786 = arith.cmpi eq, %and3A_762, %eq3A_785 : vector<16xi32>
        %select_n3A_787 = arith.select %eq3A_786, %select_n3A_757, %broadcast_in_dim3A_1 : vector<16xi1>, vector<16xf32>
        %swap3A_788 = arith.index_cast %scan3A_451 : i32 to index
        %swap3A_789 = arith.constant 48 : index
        %swap3A_790 = tpu.vector_load %arg14[%swap3A_788, %swap3A_789] {strides = array<i32>} : memref<48x128xf32, #tpu.memory_space<vmem>>, vector<16xf32>,
        tpu.vector_store %arg14[%swap3A_788, %swap3A_789], %select_n3A_787 {strides = array<i32>} : memref<48x128xf32, #tpu.memory_space<vmem>>, vector<16xf32>,
        %eq3A_791 = arith.constant 4 : i32
        %eq3A_792 = vector.broadcast %eq3A_791 : i32 to vector<16xi32>
        %eq3A_793 = arith.cmpi eq, %and3A_762, %eq3A_792 : vector<16xi32>
        %select_n3A_794 = arith.select %eq3A_793, %select_n3A_757, %broadcast_in_dim3A_1 : vector<16xi1>, vector<16xf32>
        %swap3A_795 = arith.index_cast %scan3A_451 : i32 to index
        %swap3A_796 = arith.constant 64 : index
        %swap3A_797 = tpu.vector_load %arg14[%swap3A_795, %swap3A_796] {strides = array<i32>} : memref<48x128xf32, #tpu.memory_space<vmem>>, vector<16xf32>,
        tpu.vector_store %arg14[%swap3A_795, %swap3A_796], %select_n3A_794 {strides = array<i32>} : memref<48x128xf32, #tpu.memory_space<vmem>>, vector<16xf32>,
        %eq3A_798 = arith.constant 5 : i32
        %eq3A_799 = vector.broadcast %eq3A_798 : i32 to vector<16xi32>
        %eq3A_800 = arith.cmpi eq, %and3A_762, %eq3A_799 : vector<16xi32>
        %select_n3A_801 = arith.select %eq3A_800, %select_n3A_757, %broadcast_in_dim3A_1 : vector<16xi1>, vector<16xf32>
        %swap3A_802 = arith.index_cast %scan3A_451 : i32 to index
        %swap3A_803 = arith.constant 80 : index
        %swap3A_804 = tpu.vector_load %arg14[%swap3A_802, %swap3A_803] {strides = array<i32>} : memref<48x128xf32, #tpu.memory_space<vmem>>, vector<16xf32>,
        tpu.vector_store %arg14[%swap3A_802, %swap3A_803], %select_n3A_801 {strides = array<i32>} : memref<48x128xf32, #tpu.memory_space<vmem>>, vector<16xf32>,
        %eq3A_805 = arith.constant 6 : i32
        %eq3A_806 = vector.broadcast %eq3A_805 : i32 to vector<16xi32>
        %eq3A_807 = arith.cmpi eq, %and3A_762, %eq3A_806 : vector<16xi32>
        %select_n3A_808 = arith.select %eq3A_807, %select_n3A_757, %broadcast_in_dim3A_1 : vector<16xi1>, vector<16xf32>
        %swap3A_809 = arith.index_cast %scan3A_451 : i32 to index
        %swap3A_810 = arith.constant 96 : index
        %swap3A_811 = tpu.vector_load %arg14[%swap3A_809, %swap3A_810] {strides = array<i32>} : memref<48x128xf32, #tpu.memory_space<vmem>>, vector<16xf32>,
        tpu.vector_store %arg14[%swap3A_809, %swap3A_810], %select_n3A_808 {strides = array<i32>} : memref<48x128xf32, #tpu.memory_space<vmem>>, vector<16xf32>,
        %eq3A_812 = arith.constant 7 : i32
        %eq3A_813 = vector.broadcast %eq3A_812 : i32 to vector<16xi32>
        %eq3A_814 = arith.cmpi eq, %and3A_762, %eq3A_813 : vector<16xi32>
        %select_n3A_815 = arith.select %eq3A_814, %select_n3A_757, %broadcast_in_dim3A_1 : vector<16xi1>, vector<16xf32>
        %swap3A_816 = arith.index_cast %scan3A_451 : i32 to index
        %swap3A_817 = arith.constant 112 : index
        %swap3A_818 = tpu.vector_load %arg14[%swap3A_816, %swap3A_817] {strides = array<i32>} : memref<48x128xf32, #tpu.memory_space<vmem>>, vector<16xf32>,
        tpu.vector_store %arg14[%swap3A_816, %swap3A_817], %select_n3A_815 {strides = array<i32>} : memref<48x128xf32, #tpu.memory_space<vmem>>, vector<16xf32>,
        %scan3A_819 = arith.constant 2 : i32
        %scan3A_820 = arith.addi %scan3A_87, %scan3A_819 : i32
        %get3A_821 = arith.index_cast %scan3A_820 : i32 to index
        %get3A_822 = arith.constant 0 : index
        %get3A_823 = tpu.vector_load %arg11[%get3A_821, %get3A_822] {strides = array<i32>} : memref<40x128xf32, #tpu.memory_space<vmem>>, vector<16xf32>,
        %get3A_824 = arith.index_cast %scan3A_820 : i32 to index
        %get3A_825 = arith.constant 0 : index
        %get3A_826 = tpu.vector_load %arg12[%get3A_824, %get3A_825] {strides = array<i32>} : memref<40x256xf32, #tpu.memory_space<vmem>>, vector<16xf32>,
        %mul3A_827 = arith.mulf %get3A_823, %get3A_826 : vector<16xf32>
        %broadcast_in_dim3A_828 = vector.shape_cast %xor3A_25 : vector<16xi32> to vector<16x1xi32>
        %gather3A_829 = vector.shape_cast %broadcast_in_dim3A_828 : vector<16x1xi32> to vector<16xi32>
        %gather3A_830 = tpu.dynamic_gather %mul3A_827[%gather3A_829] in [0] : vector<16xf32>, vector<16xi32> -> vector<16xf32>
        %add3A_831 = arith.addf %mul3A_827, %gather3A_830 : vector<16xf32>
        %broadcast_in_dim3A_832 = vector.shape_cast %xor3A_28 : vector<16xi32> to vector<16x1xi32>
        %gather3A_833 = vector.shape_cast %broadcast_in_dim3A_832 : vector<16x1xi32> to vector<16xi32>
        %gather3A_834 = tpu.dynamic_gather %add3A_831[%gather3A_833] in [0] : vector<16xf32>, vector<16xi32> -> vector<16xf32>
        %add3A_835 = arith.addf %add3A_831, %gather3A_834 : vector<16xf32>
        %broadcast_in_dim3A_836 = vector.shape_cast %xor3A_31 : vector<16xi32> to vector<16x1xi32>
        %gather3A_837 = vector.shape_cast %broadcast_in_dim3A_836 : vector<16x1xi32> to vector<16xi32>
        %gather3A_838 = tpu.dynamic_gather %add3A_835[%gather3A_837] in [0] : vector<16xf32>, vector<16xi32> -> vector<16xf32>
        %add3A_839 = arith.addf %add3A_835, %gather3A_838 : vector<16xf32>
        %broadcast_in_dim3A_840 = vector.shape_cast %xor3A_34 : vector<16xi32> to vector<16x1xi32>
        %gather3A_841 = vector.shape_cast %broadcast_in_dim3A_840 : vector<16x1xi32> to vector<16xi32>
        %gather3A_842 = tpu.dynamic_gather %add3A_839[%gather3A_841] in [0] : vector<16xf32>, vector<16xi32> -> vector<16xf32>
        %add3A_843 = arith.addf %add3A_839, %gather3A_842 : vector<16xf32>
        %mul3A_844 = arith.constant 2.500000e-01 : f32
        %mul3A_845 = vector.broadcast %mul3A_844 : f32 to vector<16xf32>
        %mul3A_846 = arith.mulf %add3A_843, %mul3A_845 : vector<16xf32>
        %exp3A_847 = math.exp %mul3A_846 : vector<16xf32>
        %get3A_848 = arith.index_cast %scan3A_820 : i32 to index
        %get3A_849 = arith.constant 128 : index
        %get3A_850 = tpu.vector_load %arg12[%get3A_848, %get3A_849] {strides = array<i32>} : memref<40x256xf32, #tpu.memory_space<vmem>>, vector<16xf32>,
        %mul3A_851 = arith.mulf %exp3A_847, %get3A_850 : vector<16xf32>
        %swap3A_852 = arith.index_cast %scan3A_820 : i32 to index
        %swap3A_853 = arith.constant 0 : index
        %swap3A_854 = tpu.vector_load %arg13[%swap3A_852, %swap3A_853] {strides = array<i32>} : memref<40x128xf32, #tpu.memory_space<vmem>>, vector<16xf32>,
        tpu.vector_store %arg13[%swap3A_852, %swap3A_853], %mul3A_851 {strides = array<i32>} : memref<40x128xf32, #tpu.memory_space<vmem>>, vector<16xf32>,
        %get3A_855 = arith.index_cast %scan3A_820 : i32 to index
        %get3A_856 = arith.constant 16 : index
        %get3A_857 = tpu.vector_load %arg11[%get3A_855, %get3A_856] {strides = array<i32>} : memref<40x128xf32, #tpu.memory_space<vmem>>, vector<16xf32>,
        %get3A_858 = arith.index_cast %scan3A_820 : i32 to index
        %get3A_859 = arith.constant 16 : index
        %get3A_860 = tpu.vector_load %arg12[%get3A_858, %get3A_859] {strides = array<i32>} : memref<40x256xf32, #tpu.memory_space<vmem>>, vector<16xf32>,
        %mul3A_861 = arith.mulf %get3A_857, %get3A_860 : vector<16xf32>
        %broadcast_in_dim3A_862 = vector.shape_cast %xor3A_25 : vector<16xi32> to vector<16x1xi32>
        %gather3A_863 = vector.shape_cast %broadcast_in_dim3A_862 : vector<16x1xi32> to vector<16xi32>
        %gather3A_864 = tpu.dynamic_gather %mul3A_861[%gather3A_863] in [0] : vector<16xf32>, vector<16xi32> -> vector<16xf32>
        %add3A_865 = arith.addf %mul3A_861, %gather3A_864 : vector<16xf32>
        %broadcast_in_dim3A_866 = vector.shape_cast %xor3A_28 : vector<16xi32> to vector<16x1xi32>
        %gather3A_867 = vector.shape_cast %broadcast_in_dim3A_866 : vector<16x1xi32> to vector<16xi32>
        %gather3A_868 = tpu.dynamic_gather %add3A_865[%gather3A_867] in [0] : vector<16xf32>, vector<16xi32> -> vector<16xf32>
        %add3A_869 = arith.addf %add3A_865, %gather3A_868 : vector<16xf32>
        %broadcast_in_dim3A_870 = vector.shape_cast %xor3A_31 : vector<16xi32> to vector<16x1xi32>
        %gather3A_871 = vector.shape_cast %broadcast_in_dim3A_870 : vector<16x1xi32> to vector<16xi32>
        %gather3A_872 = tpu.dynamic_gather %add3A_869[%gather3A_871] in [0] : vector<16xf32>, vector<16xi32> -> vector<16xf32>
        %add3A_873 = arith.addf %add3A_869, %gather3A_872 : vector<16xf32>
        %broadcast_in_dim3A_874 = vector.shape_cast %xor3A_34 : vector<16xi32> to vector<16x1xi32>
        %gather3A_875 = vector.shape_cast %broadcast_in_dim3A_874 : vector<16x1xi32> to vector<16xi32>
        %gather3A_876 = tpu.dynamic_gather %add3A_873[%gather3A_875] in [0] : vector<16xf32>, vector<16xi32> -> vector<16xf32>
        %add3A_877 = arith.addf %add3A_873, %gather3A_876 : vector<16xf32>
        %mul3A_878 = arith.constant 2.500000e-01 : f32
        %mul3A_879 = vector.broadcast %mul3A_878 : f32 to vector<16xf32>
        %mul3A_880 = arith.mulf %add3A_877, %mul3A_879 : vector<16xf32>
        %exp3A_881 = math.exp %mul3A_880 : vector<16xf32>
        %get3A_882 = arith.index_cast %scan3A_820 : i32 to index
        %get3A_883 = arith.constant 144 : index
        %get3A_884 = tpu.vector_load %arg12[%get3A_882, %get3A_883] {strides = array<i32>} : memref<40x256xf32, #tpu.memory_space<vmem>>, vector<16xf32>,
        %mul3A_885 = arith.mulf %exp3A_881, %get3A_884 : vector<16xf32>
        %swap3A_886 = arith.index_cast %scan3A_820 : i32 to index
        %swap3A_887 = arith.constant 16 : index
        %swap3A_888 = tpu.vector_load %arg13[%swap3A_886, %swap3A_887] {strides = array<i32>} : memref<40x128xf32, #tpu.memory_space<vmem>>, vector<16xf32>,
        tpu.vector_store %arg13[%swap3A_886, %swap3A_887], %mul3A_885 {strides = array<i32>} : memref<40x128xf32, #tpu.memory_space<vmem>>, vector<16xf32>,
        %get3A_889 = arith.index_cast %scan3A_820 : i32 to index
        %get3A_890 = arith.constant 32 : index
        %get3A_891 = tpu.vector_load %arg11[%get3A_889, %get3A_890] {strides = array<i32>} : memref<40x128xf32, #tpu.memory_space<vmem>>, vector<16xf32>,
        %get3A_892 = arith.index_cast %scan3A_820 : i32 to index
        %get3A_893 = arith.constant 32 : index
        %get3A_894 = tpu.vector_load %arg12[%get3A_892, %get3A_893] {strides = array<i32>} : memref<40x256xf32, #tpu.memory_space<vmem>>, vector<16xf32>,
        %mul3A_895 = arith.mulf %get3A_891, %get3A_894 : vector<16xf32>
        %broadcast_in_dim3A_896 = vector.shape_cast %xor3A_25 : vector<16xi32> to vector<16x1xi32>
        %gather3A_897 = vector.shape_cast %broadcast_in_dim3A_896 : vector<16x1xi32> to vector<16xi32>
        %gather3A_898 = tpu.dynamic_gather %mul3A_895[%gather3A_897] in [0] : vector<16xf32>, vector<16xi32> -> vector<16xf32>
        %add3A_899 = arith.addf %mul3A_895, %gather3A_898 : vector<16xf32>
        %broadcast_in_dim3A_900 = vector.shape_cast %xor3A_28 : vector<16xi32> to vector<16x1xi32>
        %gather3A_901 = vector.shape_cast %broadcast_in_dim3A_900 : vector<16x1xi32> to vector<16xi32>
        %gather3A_902 = tpu.dynamic_gather %add3A_899[%gather3A_901] in [0] : vector<16xf32>, vector<16xi32> -> vector<16xf32>
        %add3A_903 = arith.addf %add3A_899, %gather3A_902 : vector<16xf32>
        %broadcast_in_dim3A_904 = vector.shape_cast %xor3A_31 : vector<16xi32> to vector<16x1xi32>
        %gather3A_905 = vector.shape_cast %broadcast_in_dim3A_904 : vector<16x1xi32> to vector<16xi32>
        %gather3A_906 = tpu.dynamic_gather %add3A_903[%gather3A_905] in [0] : vector<16xf32>, vector<16xi32> -> vector<16xf32>
        %add3A_907 = arith.addf %add3A_903, %gather3A_906 : vector<16xf32>
        %broadcast_in_dim3A_908 = vector.shape_cast %xor3A_34 : vector<16xi32> to vector<16x1xi32>
        %gather3A_909 = vector.shape_cast %broadcast_in_dim3A_908 : vector<16x1xi32> to vector<16xi32>
        %gather3A_910 = tpu.dynamic_gather %add3A_907[%gather3A_909] in [0] : vector<16xf32>, vector<16xi32> -> vector<16xf32>
        %add3A_911 = arith.addf %add3A_907, %gather3A_910 : vector<16xf32>
        %mul3A_912 = arith.constant 2.500000e-01 : f32
        %mul3A_913 = vector.broadcast %mul3A_912 : f32 to vector<16xf32>
        %mul3A_914 = arith.mulf %add3A_911, %mul3A_913 : vector<16xf32>
        %exp3A_915 = math.exp %mul3A_914 : vector<16xf32>
        %get3A_916 = arith.index_cast %scan3A_820 : i32 to index
        %get3A_917 = arith.constant 160 : index
        %get3A_918 = tpu.vector_load %arg12[%get3A_916, %get3A_917] {strides = array<i32>} : memref<40x256xf32, #tpu.memory_space<vmem>>, vector<16xf32>,
        %mul3A_919 = arith.mulf %exp3A_915, %get3A_918 : vector<16xf32>
        %swap3A_920 = arith.index_cast %scan3A_820 : i32 to index
        %swap3A_921 = arith.constant 32 : index
        %swap3A_922 = tpu.vector_load %arg13[%swap3A_920, %swap3A_921] {strides = array<i32>} : memref<40x128xf32, #tpu.memory_space<vmem>>, vector<16xf32>,
        tpu.vector_store %arg13[%swap3A_920, %swap3A_921], %mul3A_919 {strides = array<i32>} : memref<40x128xf32, #tpu.memory_space<vmem>>, vector<16xf32>,
        %get3A_923 = arith.index_cast %scan3A_820 : i32 to index
        %get3A_924 = arith.constant 48 : index
        %get3A_925 = tpu.vector_load %arg11[%get3A_923, %get3A_924] {strides = array<i32>} : memref<40x128xf32, #tpu.memory_space<vmem>>, vector<16xf32>,
        %get3A_926 = arith.index_cast %scan3A_820 : i32 to index
        %get3A_927 = arith.constant 48 : index
        %get3A_928 = tpu.vector_load %arg12[%get3A_926, %get3A_927] {strides = array<i32>} : memref<40x256xf32, #tpu.memory_space<vmem>>, vector<16xf32>,
        %mul3A_929 = arith.mulf %get3A_925, %get3A_928 : vector<16xf32>
        %broadcast_in_dim3A_930 = vector.shape_cast %xor3A_25 : vector<16xi32> to vector<16x1xi32>
        %gather3A_931 = vector.shape_cast %broadcast_in_dim3A_930 : vector<16x1xi32> to vector<16xi32>
        %gather3A_932 = tpu.dynamic_gather %mul3A_929[%gather3A_931] in [0] : vector<16xf32>, vector<16xi32> -> vector<16xf32>
        %add3A_933 = arith.addf %mul3A_929, %gather3A_932 : vector<16xf32>
        %broadcast_in_dim3A_934 = vector.shape_cast %xor3A_28 : vector<16xi32> to vector<16x1xi32>
        %gather3A_935 = vector.shape_cast %broadcast_in_dim3A_934 : vector<16x1xi32> to vector<16xi32>
        %gather3A_936 = tpu.dynamic_gather %add3A_933[%gather3A_935] in [0] : vector<16xf32>, vector<16xi32> -> vector<16xf32>
        %add3A_937 = arith.addf %add3A_933, %gather3A_936 : vector<16xf32>
        %broadcast_in_dim3A_938 = vector.shape_cast %xor3A_31 : vector<16xi32> to vector<16x1xi32>
        %gather3A_939 = vector.shape_cast %broadcast_in_dim3A_938 : vector<16x1xi32> to vector<16xi32>
        %gather3A_940 = tpu.dynamic_gather %add3A_937[%gather3A_939] in [0] : vector<16xf32>, vector<16xi32> -> vector<16xf32>
        %add3A_941 = arith.addf %add3A_937, %gather3A_940 : vector<16xf32>
        %broadcast_in_dim3A_942 = vector.shape_cast %xor3A_34 : vector<16xi32> to vector<16x1xi32>
        %gather3A_943 = vector.shape_cast %broadcast_in_dim3A_942 : vector<16x1xi32> to vector<16xi32>
        %gather3A_944 = tpu.dynamic_gather %add3A_941[%gather3A_943] in [0] : vector<16xf32>, vector<16xi32> -> vector<16xf32>
        %add3A_945 = arith.addf %add3A_941, %gather3A_944 : vector<16xf32>
        %mul3A_946 = arith.constant 2.500000e-01 : f32
        %mul3A_947 = vector.broadcast %mul3A_946 : f32 to vector<16xf32>
        %mul3A_948 = arith.mulf %add3A_945, %mul3A_947 : vector<16xf32>
        %exp3A_949 = math.exp %mul3A_948 : vector<16xf32>
        %get3A_950 = arith.index_cast %scan3A_820 : i32 to index
        %get3A_951 = arith.constant 176 : index
        %get3A_952 = tpu.vector_load %arg12[%get3A_950, %get3A_951] {strides = array<i32>} : memref<40x256xf32, #tpu.memory_space<vmem>>, vector<16xf32>,
        %mul3A_953 = arith.mulf %exp3A_949, %get3A_952 : vector<16xf32>
        %swap3A_954 = arith.index_cast %scan3A_820 : i32 to index
        %swap3A_955 = arith.constant 48 : index
        %swap3A_956 = tpu.vector_load %arg13[%swap3A_954, %swap3A_955] {strides = array<i32>} : memref<40x128xf32, #tpu.memory_space<vmem>>, vector<16xf32>,
        tpu.vector_store %arg13[%swap3A_954, %swap3A_955], %mul3A_953 {strides = array<i32>} : memref<40x128xf32, #tpu.memory_space<vmem>>, vector<16xf32>,
        %get3A_957 = arith.index_cast %scan3A_820 : i32 to index
        %get3A_958 = arith.constant 64 : index
        %get3A_959 = tpu.vector_load %arg11[%get3A_957, %get3A_958] {strides = array<i32>} : memref<40x128xf32, #tpu.memory_space<vmem>>, vector<16xf32>,
        %get3A_960 = arith.index_cast %scan3A_820 : i32 to index
        %get3A_961 = arith.constant 64 : index
        %get3A_962 = tpu.vector_load %arg12[%get3A_960, %get3A_961] {strides = array<i32>} : memref<40x256xf32, #tpu.memory_space<vmem>>, vector<16xf32>,
        %mul3A_963 = arith.mulf %get3A_959, %get3A_962 : vector<16xf32>
        %broadcast_in_dim3A_964 = vector.shape_cast %xor3A_25 : vector<16xi32> to vector<16x1xi32>
        %gather3A_965 = vector.shape_cast %broadcast_in_dim3A_964 : vector<16x1xi32> to vector<16xi32>
        %gather3A_966 = tpu.dynamic_gather %mul3A_963[%gather3A_965] in [0] : vector<16xf32>, vector<16xi32> -> vector<16xf32>
        %add3A_967 = arith.addf %mul3A_963, %gather3A_966 : vector<16xf32>
        %broadcast_in_dim3A_968 = vector.shape_cast %xor3A_28 : vector<16xi32> to vector<16x1xi32>
        %gather3A_969 = vector.shape_cast %broadcast_in_dim3A_968 : vector<16x1xi32> to vector<16xi32>
        %gather3A_970 = tpu.dynamic_gather %add3A_967[%gather3A_969] in [0] : vector<16xf32>, vector<16xi32> -> vector<16xf32>
        %add3A_971 = arith.addf %add3A_967, %gather3A_970 : vector<16xf32>
        %broadcast_in_dim3A_972 = vector.shape_cast %xor3A_31 : vector<16xi32> to vector<16x1xi32>
        %gather3A_973 = vector.shape_cast %broadcast_in_dim3A_972 : vector<16x1xi32> to vector<16xi32>
        %gather3A_974 = tpu.dynamic_gather %add3A_971[%gather3A_973] in [0] : vector<16xf32>, vector<16xi32> -> vector<16xf32>
        %add3A_975 = arith.addf %add3A_971, %gather3A_974 : vector<16xf32>
        %broadcast_in_dim3A_976 = vector.shape_cast %xor3A_34 : vector<16xi32> to vector<16x1xi32>
        %gather3A_977 = vector.shape_cast %broadcast_in_dim3A_976 : vector<16x1xi32> to vector<16xi32>
        %gather3A_978 = tpu.dynamic_gather %add3A_975[%gather3A_977] in [0] : vector<16xf32>, vector<16xi32> -> vector<16xf32>
        %add3A_979 = arith.addf %add3A_975, %gather3A_978 : vector<16xf32>
        %mul3A_980 = arith.constant 2.500000e-01 : f32
        %mul3A_981 = vector.broadcast %mul3A_980 : f32 to vector<16xf32>
        %mul3A_982 = arith.mulf %add3A_979, %mul3A_981 : vector<16xf32>
        %exp3A_983 = math.exp %mul3A_982 : vector<16xf32>
        %get3A_984 = arith.index_cast %scan3A_820 : i32 to index
        %get3A_985 = arith.constant 192 : index
        %get3A_986 = tpu.vector_load %arg12[%get3A_984, %get3A_985] {strides = array<i32>} : memref<40x256xf32, #tpu.memory_space<vmem>>, vector<16xf32>,
        %mul3A_987 = arith.mulf %exp3A_983, %get3A_986 : vector<16xf32>
        %swap3A_988 = arith.index_cast %scan3A_820 : i32 to index
        %swap3A_989 = arith.constant 64 : index
        %swap3A_990 = tpu.vector_load %arg13[%swap3A_988, %swap3A_989] {strides = array<i32>} : memref<40x128xf32, #tpu.memory_space<vmem>>, vector<16xf32>,
        tpu.vector_store %arg13[%swap3A_988, %swap3A_989], %mul3A_987 {strides = array<i32>} : memref<40x128xf32, #tpu.memory_space<vmem>>, vector<16xf32>,
        %get3A_991 = arith.index_cast %scan3A_820 : i32 to index
        %get3A_992 = arith.constant 80 : index
        %get3A_993 = tpu.vector_load %arg11[%get3A_991, %get3A_992] {strides = array<i32>} : memref<40x128xf32, #tpu.memory_space<vmem>>, vector<16xf32>,
        %get3A_994 = arith.index_cast %scan3A_820 : i32 to index
        %get3A_995 = arith.constant 80 : index
        %get3A_996 = tpu.vector_load %arg12[%get3A_994, %get3A_995] {strides = array<i32>} : memref<40x256xf32, #tpu.memory_space<vmem>>, vector<16xf32>,
        %mul3A_997 = arith.mulf %get3A_993, %get3A_996 : vector<16xf32>
        %broadcast_in_dim3A_998 = vector.shape_cast %xor3A_25 : vector<16xi32> to vector<16x1xi32>
        %gather3A_999 = vector.shape_cast %broadcast_in_dim3A_998 : vector<16x1xi32> to vector<16xi32>
        %gather3A_1000 = tpu.dynamic_gather %mul3A_997[%gather3A_999] in [0] : vector<16xf32>, vector<16xi32> -> vector<16xf32>
        %add3A_1001 = arith.addf %mul3A_997, %gather3A_1000 : vector<16xf32>
        %broadcast_in_dim3A_1002 = vector.shape_cast %xor3A_28 : vector<16xi32> to vector<16x1xi32>
        %gather3A_1003 = vector.shape_cast %broadcast_in_dim3A_1002 : vector<16x1xi32> to vector<16xi32>
        %gather3A_1004 = tpu.dynamic_gather %add3A_1001[%gather3A_1003] in [0] : vector<16xf32>, vector<16xi32> -> vector<16xf32>
        %add3A_1005 = arith.addf %add3A_1001, %gather3A_1004 : vector<16xf32>
        %broadcast_in_dim3A_1006 = vector.shape_cast %xor3A_31 : vector<16xi32> to vector<16x1xi32>
        %gather3A_1007 = vector.shape_cast %broadcast_in_dim3A_1006 : vector<16x1xi32> to vector<16xi32>
        %gather3A_1008 = tpu.dynamic_gather %add3A_1005[%gather3A_1007] in [0] : vector<16xf32>, vector<16xi32> -> vector<16xf32>
        %add3A_1009 = arith.addf %add3A_1005, %gather3A_1008 : vector<16xf32>
        %broadcast_in_dim3A_1010 = vector.shape_cast %xor3A_34 : vector<16xi32> to vector<16x1xi32>
        %gather3A_1011 = vector.shape_cast %broadcast_in_dim3A_1010 : vector<16x1xi32> to vector<16xi32>
        %gather3A_1012 = tpu.dynamic_gather %add3A_1009[%gather3A_1011] in [0] : vector<16xf32>, vector<16xi32> -> vector<16xf32>
        %add3A_1013 = arith.addf %add3A_1009, %gather3A_1012 : vector<16xf32>
        %mul3A_1014 = arith.constant 2.500000e-01 : f32
        %mul3A_1015 = vector.broadcast %mul3A_1014 : f32 to vector<16xf32>
        %mul3A_1016 = arith.mulf %add3A_1013, %mul3A_1015 : vector<16xf32>
        %exp3A_1017 = math.exp %mul3A_1016 : vector<16xf32>
        %get3A_1018 = arith.index_cast %scan3A_820 : i32 to index
        %get3A_1019 = arith.constant 208 : index
        %get3A_1020 = tpu.vector_load %arg12[%get3A_1018, %get3A_1019] {strides = array<i32>} : memref<40x256xf32, #tpu.memory_space<vmem>>, vector<16xf32>,
        %mul3A_1021 = arith.mulf %exp3A_1017, %get3A_1020 : vector<16xf32>
        %swap3A_1022 = arith.index_cast %scan3A_820 : i32 to index
        %swap3A_1023 = arith.constant 80 : index
        %swap3A_1024 = tpu.vector_load %arg13[%swap3A_1022, %swap3A_1023] {strides = array<i32>} : memref<40x128xf32, #tpu.memory_space<vmem>>, vector<16xf32>,
        tpu.vector_store %arg13[%swap3A_1022, %swap3A_1023], %mul3A_1021 {strides = array<i32>} : memref<40x128xf32, #tpu.memory_space<vmem>>, vector<16xf32>,
        %get3A_1025 = arith.index_cast %scan3A_820 : i32 to index
        %get3A_1026 = arith.constant 96 : index
        %get3A_1027 = tpu.vector_load %arg11[%get3A_1025, %get3A_1026] {strides = array<i32>} : memref<40x128xf32, #tpu.memory_space<vmem>>, vector<16xf32>,
        %get3A_1028 = arith.index_cast %scan3A_820 : i32 to index
        %get3A_1029 = arith.constant 96 : index
        %get3A_1030 = tpu.vector_load %arg12[%get3A_1028, %get3A_1029] {strides = array<i32>} : memref<40x256xf32, #tpu.memory_space<vmem>>, vector<16xf32>,
        %mul3A_1031 = arith.mulf %get3A_1027, %get3A_1030 : vector<16xf32>
        %broadcast_in_dim3A_1032 = vector.shape_cast %xor3A_25 : vector<16xi32> to vector<16x1xi32>
        %gather3A_1033 = vector.shape_cast %broadcast_in_dim3A_1032 : vector<16x1xi32> to vector<16xi32>
        %gather3A_1034 = tpu.dynamic_gather %mul3A_1031[%gather3A_1033] in [0] : vector<16xf32>, vector<16xi32> -> vector<16xf32>
        %add3A_1035 = arith.addf %mul3A_1031, %gather3A_1034 : vector<16xf32>
        %broadcast_in_dim3A_1036 = vector.shape_cast %xor3A_28 : vector<16xi32> to vector<16x1xi32>
        %gather3A_1037 = vector.shape_cast %broadcast_in_dim3A_1036 : vector<16x1xi32> to vector<16xi32>
        %gather3A_1038 = tpu.dynamic_gather %add3A_1035[%gather3A_1037] in [0] : vector<16xf32>, vector<16xi32> -> vector<16xf32>
        %add3A_1039 = arith.addf %add3A_1035, %gather3A_1038 : vector<16xf32>
        %broadcast_in_dim3A_1040 = vector.shape_cast %xor3A_31 : vector<16xi32> to vector<16x1xi32>
        %gather3A_1041 = vector.shape_cast %broadcast_in_dim3A_1040 : vector<16x1xi32> to vector<16xi32>
        %gather3A_1042 = tpu.dynamic_gather %add3A_1039[%gather3A_1041] in [0] : vector<16xf32>, vector<16xi32> -> vector<16xf32>
        %add3A_1043 = arith.addf %add3A_1039, %gather3A_1042 : vector<16xf32>
        %broadcast_in_dim3A_1044 = vector.shape_cast %xor3A_34 : vector<16xi32> to vector<16x1xi32>
        %gather3A_1045 = vector.shape_cast %broadcast_in_dim3A_1044 : vector<16x1xi32> to vector<16xi32>
        %gather3A_1046 = tpu.dynamic_gather %add3A_1043[%gather3A_1045] in [0] : vector<16xf32>, vector<16xi32> -> vector<16xf32>
        %add3A_1047 = arith.addf %add3A_1043, %gather3A_1046 : vector<16xf32>
        %mul3A_1048 = arith.constant 2.500000e-01 : f32
        %mul3A_1049 = vector.broadcast %mul3A_1048 : f32 to vector<16xf32>
        %mul3A_1050 = arith.mulf %add3A_1047, %mul3A_1049 : vector<16xf32>
        %exp3A_1051 = math.exp %mul3A_1050 : vector<16xf32>
        %get3A_1052 = arith.index_cast %scan3A_820 : i32 to index
        %get3A_1053 = arith.constant 224 : index
        %get3A_1054 = tpu.vector_load %arg12[%get3A_1052, %get3A_1053] {strides = array<i32>} : memref<40x256xf32, #tpu.memory_space<vmem>>, vector<16xf32>,
        %mul3A_1055 = arith.mulf %exp3A_1051, %get3A_1054 : vector<16xf32>
        %swap3A_1056 = arith.index_cast %scan3A_820 : i32 to index
        %swap3A_1057 = arith.constant 96 : index
        %swap3A_1058 = tpu.vector_load %arg13[%swap3A_1056, %swap3A_1057] {strides = array<i32>} : memref<40x128xf32, #tpu.memory_space<vmem>>, vector<16xf32>,
        tpu.vector_store %arg13[%swap3A_1056, %swap3A_1057], %mul3A_1055 {strides = array<i32>} : memref<40x128xf32, #tpu.memory_space<vmem>>, vector<16xf32>,
        %get3A_1059 = arith.index_cast %scan3A_820 : i32 to index
        %get3A_1060 = arith.constant 112 : index
        %get3A_1061 = tpu.vector_load %arg11[%get3A_1059, %get3A_1060] {strides = array<i32>} : memref<40x128xf32, #tpu.memory_space<vmem>>, vector<16xf32>,
        %get3A_1062 = arith.index_cast %scan3A_820 : i32 to index
        %get3A_1063 = arith.constant 112 : index
        %get3A_1064 = tpu.vector_load %arg12[%get3A_1062, %get3A_1063] {strides = array<i32>} : memref<40x256xf32, #tpu.memory_space<vmem>>, vector<16xf32>,
        %mul3A_1065 = arith.mulf %get3A_1061, %get3A_1064 : vector<16xf32>
        %broadcast_in_dim3A_1066 = vector.shape_cast %xor3A_25 : vector<16xi32> to vector<16x1xi32>
        %gather3A_1067 = vector.shape_cast %broadcast_in_dim3A_1066 : vector<16x1xi32> to vector<16xi32>
        %gather3A_1068 = tpu.dynamic_gather %mul3A_1065[%gather3A_1067] in [0] : vector<16xf32>, vector<16xi32> -> vector<16xf32>
        %add3A_1069 = arith.addf %mul3A_1065, %gather3A_1068 : vector<16xf32>
        %broadcast_in_dim3A_1070 = vector.shape_cast %xor3A_28 : vector<16xi32> to vector<16x1xi32>
        %gather3A_1071 = vector.shape_cast %broadcast_in_dim3A_1070 : vector<16x1xi32> to vector<16xi32>
        %gather3A_1072 = tpu.dynamic_gather %add3A_1069[%gather3A_1071] in [0] : vector<16xf32>, vector<16xi32> -> vector<16xf32>
        %add3A_1073 = arith.addf %add3A_1069, %gather3A_1072 : vector<16xf32>
        %broadcast_in_dim3A_1074 = vector.shape_cast %xor3A_31 : vector<16xi32> to vector<16x1xi32>
        %gather3A_1075 = vector.shape_cast %broadcast_in_dim3A_1074 : vector<16x1xi32> to vector<16xi32>
        %gather3A_1076 = tpu.dynamic_gather %add3A_1073[%gather3A_1075] in [0] : vector<16xf32>, vector<16xi32> -> vector<16xf32>
        %add3A_1077 = arith.addf %add3A_1073, %gather3A_1076 : vector<16xf32>
        %broadcast_in_dim3A_1078 = vector.shape_cast %xor3A_34 : vector<16xi32> to vector<16x1xi32>
        %gather3A_1079 = vector.shape_cast %broadcast_in_dim3A_1078 : vector<16x1xi32> to vector<16xi32>
        %gather3A_1080 = tpu.dynamic_gather %add3A_1077[%gather3A_1079] in [0] : vector<16xf32>, vector<16xi32> -> vector<16xf32>
        %add3A_1081 = arith.addf %add3A_1077, %gather3A_1080 : vector<16xf32>
        %mul3A_1082 = arith.constant 2.500000e-01 : f32
        %mul3A_1083 = vector.broadcast %mul3A_1082 : f32 to vector<16xf32>
        %mul3A_1084 = arith.mulf %add3A_1081, %mul3A_1083 : vector<16xf32>
        %exp3A_1085 = math.exp %mul3A_1084 : vector<16xf32>
        %get3A_1086 = arith.index_cast %scan3A_820 : i32 to index
        %get3A_1087 = arith.constant 240 : index
        %get3A_1088 = tpu.vector_load %arg12[%get3A_1086, %get3A_1087] {strides = array<i32>} : memref<40x256xf32, #tpu.memory_space<vmem>>, vector<16xf32>,
        %mul3A_1089 = arith.mulf %exp3A_1085, %get3A_1088 : vector<16xf32>
        %swap3A_1090 = arith.index_cast %scan3A_820 : i32 to index
        %swap3A_1091 = arith.constant 112 : index
        %swap3A_1092 = tpu.vector_load %arg13[%swap3A_1090, %swap3A_1091] {strides = array<i32>} : memref<40x128xf32, #tpu.memory_space<vmem>>, vector<16xf32>,
        tpu.vector_store %arg13[%swap3A_1090, %swap3A_1091], %mul3A_1089 {strides = array<i32>} : memref<40x128xf32, #tpu.memory_space<vmem>>, vector<16xf32>,
        %broadcast_in_dim3A_1093 = arith.constant 0.000000e+00 : f32
        %broadcast_in_dim3A_1094 = vector.broadcast %broadcast_in_dim3A_1093 : f32 to vector<16xf32>
        %eq3A_1095 = arith.constant 0 : i32
        %eq3A_1096 = vector.broadcast %eq3A_1095 : i32 to vector<16xi32>
        %eq3A_1097 = arith.cmpi eq, %iota3A, %eq3A_1096 : vector<16xi32>
        %select_n3A_1098 = arith.select %eq3A_1097, %exp3A_847, %broadcast_in_dim3A_1094 : vector<16xi1>, vector<16xf32>
        %eq3A_1099 = arith.constant 1 : i32
        %eq3A_1100 = vector.broadcast %eq3A_1099 : i32 to vector<16xi32>
        %eq3A_1101 = arith.cmpi eq, %iota3A, %eq3A_1100 : vector<16xi32>
        %select_n3A_1102 = arith.select %eq3A_1101, %exp3A_881, %select_n3A_1098 : vector<16xi1>, vector<16xf32>
        %eq3A_1103 = arith.constant 2 : i32
        %eq3A_1104 = vector.broadcast %eq3A_1103 : i32 to vector<16xi32>
        %eq3A_1105 = arith.cmpi eq, %iota3A, %eq3A_1104 : vector<16xi32>
        %select_n3A_1106 = arith.select %eq3A_1105, %exp3A_915, %select_n3A_1102 : vector<16xi1>, vector<16xf32>
        %eq3A_1107 = arith.constant 3 : i32
        %eq3A_1108 = vector.broadcast %eq3A_1107 : i32 to vector<16xi32>
        %eq3A_1109 = arith.cmpi eq, %iota3A, %eq3A_1108 : vector<16xi32>
        %select_n3A_1110 = arith.select %eq3A_1109, %exp3A_949, %select_n3A_1106 : vector<16xi1>, vector<16xf32>
        %eq3A_1111 = arith.constant 4 : i32
        %eq3A_1112 = vector.broadcast %eq3A_1111 : i32 to vector<16xi32>
        %eq3A_1113 = arith.cmpi eq, %iota3A, %eq3A_1112 : vector<16xi32>
        %select_n3A_1114 = arith.select %eq3A_1113, %exp3A_983, %select_n3A_1110 : vector<16xi1>, vector<16xf32>
        %eq3A_1115 = arith.constant 5 : i32
        %eq3A_1116 = vector.broadcast %eq3A_1115 : i32 to vector<16xi32>
        %eq3A_1117 = arith.cmpi eq, %iota3A, %eq3A_1116 : vector<16xi32>
        %select_n3A_1118 = arith.select %eq3A_1117, %exp3A_1017, %select_n3A_1114 : vector<16xi1>, vector<16xf32>
        %eq3A_1119 = arith.constant 6 : i32
        %eq3A_1120 = vector.broadcast %eq3A_1119 : i32 to vector<16xi32>
        %eq3A_1121 = arith.cmpi eq, %iota3A, %eq3A_1120 : vector<16xi32>
        %select_n3A_1122 = arith.select %eq3A_1121, %exp3A_1051, %select_n3A_1118 : vector<16xi1>, vector<16xf32>
        %eq3A_1123 = arith.constant 7 : i32
        %eq3A_1124 = vector.broadcast %eq3A_1123 : i32 to vector<16xi32>
        %eq3A_1125 = arith.cmpi eq, %iota3A, %eq3A_1124 : vector<16xi32>
        %select_n3A_1126 = arith.select %eq3A_1125, %exp3A_1085, %select_n3A_1122 : vector<16xi1>, vector<16xf32>
        %broadcast_in_dim3A_1127 = vector.broadcast %scan3A_820 : i32 to vector<16xi32>
        %gather3A_1128 = tpu.vector_load_idx %arg9[%broadcast_in_dim3A_1127] : memref<40xi32, #tpu.memory_space<vmem>>[vector<16xi32>], vector<16xi32>,
        %and3A_1129 = arith.constant 7 : i32
        %and3A_1130 = vector.broadcast %and3A_1129 : i32 to vector<16xi32>
        %and3A_1131 = arith.andi %gather3A_1128, %and3A_1130 : vector<16xi32>
        %eq3A_1132 = arith.constant 0 : i32
        %eq3A_1133 = vector.broadcast %eq3A_1132 : i32 to vector<16xi32>
        %eq3A_1134 = arith.cmpi eq, %and3A_1131, %eq3A_1133 : vector<16xi32>
        %select_n3A_1135 = arith.select %eq3A_1134, %select_n3A_1126, %broadcast_in_dim3A_1 : vector<16xi1>, vector<16xf32>
        %swap3A_1136 = arith.index_cast %scan3A_820 : i32 to index
        %swap3A_1137 = arith.constant 0 : index
        %swap3A_1138 = tpu.vector_load %arg14[%swap3A_1136, %swap3A_1137] {strides = array<i32>} : memref<48x128xf32, #tpu.memory_space<vmem>>, vector<16xf32>,
        tpu.vector_store %arg14[%swap3A_1136, %swap3A_1137], %select_n3A_1135 {strides = array<i32>} : memref<48x128xf32, #tpu.memory_space<vmem>>, vector<16xf32>,
        %eq3A_1139 = arith.constant 1 : i32
        %eq3A_1140 = vector.broadcast %eq3A_1139 : i32 to vector<16xi32>
        %eq3A_1141 = arith.cmpi eq, %and3A_1131, %eq3A_1140 : vector<16xi32>
        %select_n3A_1142 = arith.select %eq3A_1141, %select_n3A_1126, %broadcast_in_dim3A_1 : vector<16xi1>, vector<16xf32>
        %swap3A_1143 = arith.index_cast %scan3A_820 : i32 to index
        %swap3A_1144 = arith.constant 16 : index
        %swap3A_1145 = tpu.vector_load %arg14[%swap3A_1143, %swap3A_1144] {strides = array<i32>} : memref<48x128xf32, #tpu.memory_space<vmem>>, vector<16xf32>,
        tpu.vector_store %arg14[%swap3A_1143, %swap3A_1144], %select_n3A_1142 {strides = array<i32>} : memref<48x128xf32, #tpu.memory_space<vmem>>, vector<16xf32>,
        %eq3A_1146 = arith.constant 2 : i32
        %eq3A_1147 = vector.broadcast %eq3A_1146 : i32 to vector<16xi32>
        %eq3A_1148 = arith.cmpi eq, %and3A_1131, %eq3A_1147 : vector<16xi32>
        %select_n3A_1149 = arith.select %eq3A_1148, %select_n3A_1126, %broadcast_in_dim3A_1 : vector<16xi1>, vector<16xf32>
        %swap3A_1150 = arith.index_cast %scan3A_820 : i32 to index
        %swap3A_1151 = arith.constant 32 : index
        %swap3A_1152 = tpu.vector_load %arg14[%swap3A_1150, %swap3A_1151] {strides = array<i32>} : memref<48x128xf32, #tpu.memory_space<vmem>>, vector<16xf32>,
        tpu.vector_store %arg14[%swap3A_1150, %swap3A_1151], %select_n3A_1149 {strides = array<i32>} : memref<48x128xf32, #tpu.memory_space<vmem>>, vector<16xf32>,
        %eq3A_1153 = arith.constant 3 : i32
        %eq3A_1154 = vector.broadcast %eq3A_1153 : i32 to vector<16xi32>
        %eq3A_1155 = arith.cmpi eq, %and3A_1131, %eq3A_1154 : vector<16xi32>
        %select_n3A_1156 = arith.select %eq3A_1155, %select_n3A_1126, %broadcast_in_dim3A_1 : vector<16xi1>, vector<16xf32>
        %swap3A_1157 = arith.index_cast %scan3A_820 : i32 to index
        %swap3A_1158 = arith.constant 48 : index
        %swap3A_1159 = tpu.vector_load %arg14[%swap3A_1157, %swap3A_1158] {strides = array<i32>} : memref<48x128xf32, #tpu.memory_space<vmem>>, vector<16xf32>,
        tpu.vector_store %arg14[%swap3A_1157, %swap3A_1158], %select_n3A_1156 {strides = array<i32>} : memref<48x128xf32, #tpu.memory_space<vmem>>, vector<16xf32>,
        %eq3A_1160 = arith.constant 4 : i32
        %eq3A_1161 = vector.broadcast %eq3A_1160 : i32 to vector<16xi32>
        %eq3A_1162 = arith.cmpi eq, %and3A_1131, %eq3A_1161 : vector<16xi32>
        %select_n3A_1163 = arith.select %eq3A_1162, %select_n3A_1126, %broadcast_in_dim3A_1 : vector<16xi1>, vector<16xf32>
        %swap3A_1164 = arith.index_cast %scan3A_820 : i32 to index
        %swap3A_1165 = arith.constant 64 : index
        %swap3A_1166 = tpu.vector_load %arg14[%swap3A_1164, %swap3A_1165] {strides = array<i32>} : memref<48x128xf32, #tpu.memory_space<vmem>>, vector<16xf32>,
        tpu.vector_store %arg14[%swap3A_1164, %swap3A_1165], %select_n3A_1163 {strides = array<i32>} : memref<48x128xf32, #tpu.memory_space<vmem>>, vector<16xf32>,
        %eq3A_1167 = arith.constant 5 : i32
        %eq3A_1168 = vector.broadcast %eq3A_1167 : i32 to vector<16xi32>
        %eq3A_1169 = arith.cmpi eq, %and3A_1131, %eq3A_1168 : vector<16xi32>
        %select_n3A_1170 = arith.select %eq3A_1169, %select_n3A_1126, %broadcast_in_dim3A_1 : vector<16xi1>, vector<16xf32>
        %swap3A_1171 = arith.index_cast %scan3A_820 : i32 to index
        %swap3A_1172 = arith.constant 80 : index
        %swap3A_1173 = tpu.vector_load %arg14[%swap3A_1171, %swap3A_1172] {strides = array<i32>} : memref<48x128xf32, #tpu.memory_space<vmem>>, vector<16xf32>,
        tpu.vector_store %arg14[%swap3A_1171, %swap3A_1172], %select_n3A_1170 {strides = array<i32>} : memref<48x128xf32, #tpu.memory_space<vmem>>, vector<16xf32>,
        %eq3A_1174 = arith.constant 6 : i32
        %eq3A_1175 = vector.broadcast %eq3A_1174 : i32 to vector<16xi32>
        %eq3A_1176 = arith.cmpi eq, %and3A_1131, %eq3A_1175 : vector<16xi32>
        %select_n3A_1177 = arith.select %eq3A_1176, %select_n3A_1126, %broadcast_in_dim3A_1 : vector<16xi1>, vector<16xf32>
        %swap3A_1178 = arith.index_cast %scan3A_820 : i32 to index
        %swap3A_1179 = arith.constant 96 : index
        %swap3A_1180 = tpu.vector_load %arg14[%swap3A_1178, %swap3A_1179] {strides = array<i32>} : memref<48x128xf32, #tpu.memory_space<vmem>>, vector<16xf32>,
        tpu.vector_store %arg14[%swap3A_1178, %swap3A_1179], %select_n3A_1177 {strides = array<i32>} : memref<48x128xf32, #tpu.memory_space<vmem>>, vector<16xf32>,
        %eq3A_1181 = arith.constant 7 : i32
        %eq3A_1182 = vector.broadcast %eq3A_1181 : i32 to vector<16xi32>
        %eq3A_1183 = arith.cmpi eq, %and3A_1131, %eq3A_1182 : vector<16xi32>
        %select_n3A_1184 = arith.select %eq3A_1183, %select_n3A_1126, %broadcast_in_dim3A_1 : vector<16xi1>, vector<16xf32>
        %swap3A_1185 = arith.index_cast %scan3A_820 : i32 to index
        %swap3A_1186 = arith.constant 112 : index
        %swap3A_1187 = tpu.vector_load %arg14[%swap3A_1185, %swap3A_1186] {strides = array<i32>} : memref<48x128xf32, #tpu.memory_space<vmem>>, vector<16xf32>,
        tpu.vector_store %arg14[%swap3A_1185, %swap3A_1186], %select_n3A_1184 {strides = array<i32>} : memref<48x128xf32, #tpu.memory_space<vmem>>, vector<16xf32>,
        %scan3A_1188 = arith.constant 3 : i32
        %scan3A_1189 = arith.addi %scan3A_87, %scan3A_1188 : i32
        %get3A_1190 = arith.index_cast %scan3A_1189 : i32 to index
        %get3A_1191 = arith.constant 0 : index
        %get3A_1192 = tpu.vector_load %arg11[%get3A_1190, %get3A_1191] {strides = array<i32>} : memref<40x128xf32, #tpu.memory_space<vmem>>, vector<16xf32>,
        %get3A_1193 = arith.index_cast %scan3A_1189 : i32 to index
        %get3A_1194 = arith.constant 0 : index
        %get3A_1195 = tpu.vector_load %arg12[%get3A_1193, %get3A_1194] {strides = array<i32>} : memref<40x256xf32, #tpu.memory_space<vmem>>, vector<16xf32>,
        %mul3A_1196 = arith.mulf %get3A_1192, %get3A_1195 : vector<16xf32>
        %broadcast_in_dim3A_1197 = vector.shape_cast %xor3A_25 : vector<16xi32> to vector<16x1xi32>
        %gather3A_1198 = vector.shape_cast %broadcast_in_dim3A_1197 : vector<16x1xi32> to vector<16xi32>
        %gather3A_1199 = tpu.dynamic_gather %mul3A_1196[%gather3A_1198] in [0] : vector<16xf32>, vector<16xi32> -> vector<16xf32>
        %add3A_1200 = arith.addf %mul3A_1196, %gather3A_1199 : vector<16xf32>
        %broadcast_in_dim3A_1201 = vector.shape_cast %xor3A_28 : vector<16xi32> to vector<16x1xi32>
        %gather3A_1202 = vector.shape_cast %broadcast_in_dim3A_1201 : vector<16x1xi32> to vector<16xi32>
        %gather3A_1203 = tpu.dynamic_gather %add3A_1200[%gather3A_1202] in [0] : vector<16xf32>, vector<16xi32> -> vector<16xf32>
        %add3A_1204 = arith.addf %add3A_1200, %gather3A_1203 : vector<16xf32>
        %broadcast_in_dim3A_1205 = vector.shape_cast %xor3A_31 : vector<16xi32> to vector<16x1xi32>
        %gather3A_1206 = vector.shape_cast %broadcast_in_dim3A_1205 : vector<16x1xi32> to vector<16xi32>
        %gather3A_1207 = tpu.dynamic_gather %add3A_1204[%gather3A_1206] in [0] : vector<16xf32>, vector<16xi32> -> vector<16xf32>
        %add3A_1208 = arith.addf %add3A_1204, %gather3A_1207 : vector<16xf32>
        %broadcast_in_dim3A_1209 = vector.shape_cast %xor3A_34 : vector<16xi32> to vector<16x1xi32>
        %gather3A_1210 = vector.shape_cast %broadcast_in_dim3A_1209 : vector<16x1xi32> to vector<16xi32>
        %gather3A_1211 = tpu.dynamic_gather %add3A_1208[%gather3A_1210] in [0] : vector<16xf32>, vector<16xi32> -> vector<16xf32>
        %add3A_1212 = arith.addf %add3A_1208, %gather3A_1211 : vector<16xf32>
        %mul3A_1213 = arith.constant 2.500000e-01 : f32
        %mul3A_1214 = vector.broadcast %mul3A_1213 : f32 to vector<16xf32>
        %mul3A_1215 = arith.mulf %add3A_1212, %mul3A_1214 : vector<16xf32>
        %exp3A_1216 = math.exp %mul3A_1215 : vector<16xf32>
        %get3A_1217 = arith.index_cast %scan3A_1189 : i32 to index
        %get3A_1218 = arith.constant 128 : index
        %get3A_1219 = tpu.vector_load %arg12[%get3A_1217, %get3A_1218] {strides = array<i32>} : memref<40x256xf32, #tpu.memory_space<vmem>>, vector<16xf32>,
        %mul3A_1220 = arith.mulf %exp3A_1216, %get3A_1219 : vector<16xf32>
        %swap3A_1221 = arith.index_cast %scan3A_1189 : i32 to index
        %swap3A_1222 = arith.constant 0 : index
        %swap3A_1223 = tpu.vector_load %arg13[%swap3A_1221, %swap3A_1222] {strides = array<i32>} : memref<40x128xf32, #tpu.memory_space<vmem>>, vector<16xf32>,
        tpu.vector_store %arg13[%swap3A_1221, %swap3A_1222], %mul3A_1220 {strides = array<i32>} : memref<40x128xf32, #tpu.memory_space<vmem>>, vector<16xf32>,
        %get3A_1224 = arith.index_cast %scan3A_1189 : i32 to index
        %get3A_1225 = arith.constant 16 : index
        %get3A_1226 = tpu.vector_load %arg11[%get3A_1224, %get3A_1225] {strides = array<i32>} : memref<40x128xf32, #tpu.memory_space<vmem>>, vector<16xf32>,
        %get3A_1227 = arith.index_cast %scan3A_1189 : i32 to index
        %get3A_1228 = arith.constant 16 : index
        %get3A_1229 = tpu.vector_load %arg12[%get3A_1227, %get3A_1228] {strides = array<i32>} : memref<40x256xf32, #tpu.memory_space<vmem>>, vector<16xf32>,
        %mul3A_1230 = arith.mulf %get3A_1226, %get3A_1229 : vector<16xf32>
        %broadcast_in_dim3A_1231 = vector.shape_cast %xor3A_25 : vector<16xi32> to vector<16x1xi32>
        %gather3A_1232 = vector.shape_cast %broadcast_in_dim3A_1231 : vector<16x1xi32> to vector<16xi32>
        %gather3A_1233 = tpu.dynamic_gather %mul3A_1230[%gather3A_1232] in [0] : vector<16xf32>, vector<16xi32> -> vector<16xf32>
        %add3A_1234 = arith.addf %mul3A_1230, %gather3A_1233 : vector<16xf32>
        %broadcast_in_dim3A_1235 = vector.shape_cast %xor3A_28 : vector<16xi32> to vector<16x1xi32>
        %gather3A_1236 = vector.shape_cast %broadcast_in_dim3A_1235 : vector<16x1xi32> to vector<16xi32>
        %gather3A_1237 = tpu.dynamic_gather %add3A_1234[%gather3A_1236] in [0] : vector<16xf32>, vector<16xi32> -> vector<16xf32>
        %add3A_1238 = arith.addf %add3A_1234, %gather3A_1237 : vector<16xf32>
        %broadcast_in_dim3A_1239 = vector.shape_cast %xor3A_31 : vector<16xi32> to vector<16x1xi32>
        %gather3A_1240 = vector.shape_cast %broadcast_in_dim3A_1239 : vector<16x1xi32> to vector<16xi32>
        %gather3A_1241 = tpu.dynamic_gather %add3A_1238[%gather3A_1240] in [0] : vector<16xf32>, vector<16xi32> -> vector<16xf32>
        %add3A_1242 = arith.addf %add3A_1238, %gather3A_1241 : vector<16xf32>
        %broadcast_in_dim3A_1243 = vector.shape_cast %xor3A_34 : vector<16xi32> to vector<16x1xi32>
        %gather3A_1244 = vector.shape_cast %broadcast_in_dim3A_1243 : vector<16x1xi32> to vector<16xi32>
        %gather3A_1245 = tpu.dynamic_gather %add3A_1242[%gather3A_1244] in [0] : vector<16xf32>, vector<16xi32> -> vector<16xf32>
        %add3A_1246 = arith.addf %add3A_1242, %gather3A_1245 : vector<16xf32>
        %mul3A_1247 = arith.constant 2.500000e-01 : f32
        %mul3A_1248 = vector.broadcast %mul3A_1247 : f32 to vector<16xf32>
        %mul3A_1249 = arith.mulf %add3A_1246, %mul3A_1248 : vector<16xf32>
        %exp3A_1250 = math.exp %mul3A_1249 : vector<16xf32>
        %get3A_1251 = arith.index_cast %scan3A_1189 : i32 to index
        %get3A_1252 = arith.constant 144 : index
        %get3A_1253 = tpu.vector_load %arg12[%get3A_1251, %get3A_1252] {strides = array<i32>} : memref<40x256xf32, #tpu.memory_space<vmem>>, vector<16xf32>,
        %mul3A_1254 = arith.mulf %exp3A_1250, %get3A_1253 : vector<16xf32>
        %swap3A_1255 = arith.index_cast %scan3A_1189 : i32 to index
        %swap3A_1256 = arith.constant 16 : index
        %swap3A_1257 = tpu.vector_load %arg13[%swap3A_1255, %swap3A_1256] {strides = array<i32>} : memref<40x128xf32, #tpu.memory_space<vmem>>, vector<16xf32>,
        tpu.vector_store %arg13[%swap3A_1255, %swap3A_1256], %mul3A_1254 {strides = array<i32>} : memref<40x128xf32, #tpu.memory_space<vmem>>, vector<16xf32>,
        %get3A_1258 = arith.index_cast %scan3A_1189 : i32 to index
        %get3A_1259 = arith.constant 32 : index
        %get3A_1260 = tpu.vector_load %arg11[%get3A_1258, %get3A_1259] {strides = array<i32>} : memref<40x128xf32, #tpu.memory_space<vmem>>, vector<16xf32>,
        %get3A_1261 = arith.index_cast %scan3A_1189 : i32 to index
        %get3A_1262 = arith.constant 32 : index
        %get3A_1263 = tpu.vector_load %arg12[%get3A_1261, %get3A_1262] {strides = array<i32>} : memref<40x256xf32, #tpu.memory_space<vmem>>, vector<16xf32>,
        %mul3A_1264 = arith.mulf %get3A_1260, %get3A_1263 : vector<16xf32>
        %broadcast_in_dim3A_1265 = vector.shape_cast %xor3A_25 : vector<16xi32> to vector<16x1xi32>
        %gather3A_1266 = vector.shape_cast %broadcast_in_dim3A_1265 : vector<16x1xi32> to vector<16xi32>
        %gather3A_1267 = tpu.dynamic_gather %mul3A_1264[%gather3A_1266] in [0] : vector<16xf32>, vector<16xi32> -> vector<16xf32>
        %add3A_1268 = arith.addf %mul3A_1264, %gather3A_1267 : vector<16xf32>
        %broadcast_in_dim3A_1269 = vector.shape_cast %xor3A_28 : vector<16xi32> to vector<16x1xi32>
        %gather3A_1270 = vector.shape_cast %broadcast_in_dim3A_1269 : vector<16x1xi32> to vector<16xi32>
        %gather3A_1271 = tpu.dynamic_gather %add3A_1268[%gather3A_1270] in [0] : vector<16xf32>, vector<16xi32> -> vector<16xf32>
        %add3A_1272 = arith.addf %add3A_1268, %gather3A_1271 : vector<16xf32>
        %broadcast_in_dim3A_1273 = vector.shape_cast %xor3A_31 : vector<16xi32> to vector<16x1xi32>
        %gather3A_1274 = vector.shape_cast %broadcast_in_dim3A_1273 : vector<16x1xi32> to vector<16xi32>
        %gather3A_1275 = tpu.dynamic_gather %add3A_1272[%gather3A_1274] in [0] : vector<16xf32>, vector<16xi32> -> vector<16xf32>
        %add3A_1276 = arith.addf %add3A_1272, %gather3A_1275 : vector<16xf32>
        %broadcast_in_dim3A_1277 = vector.shape_cast %xor3A_34 : vector<16xi32> to vector<16x1xi32>
        %gather3A_1278 = vector.shape_cast %broadcast_in_dim3A_1277 : vector<16x1xi32> to vector<16xi32>
        %gather3A_1279 = tpu.dynamic_gather %add3A_1276[%gather3A_1278] in [0] : vector<16xf32>, vector<16xi32> -> vector<16xf32>
        %add3A_1280 = arith.addf %add3A_1276, %gather3A_1279 : vector<16xf32>
        %mul3A_1281 = arith.constant 2.500000e-01 : f32
        %mul3A_1282 = vector.broadcast %mul3A_1281 : f32 to vector<16xf32>
        %mul3A_1283 = arith.mulf %add3A_1280, %mul3A_1282 : vector<16xf32>
        %exp3A_1284 = math.exp %mul3A_1283 : vector<16xf32>
        %get3A_1285 = arith.index_cast %scan3A_1189 : i32 to index
        %get3A_1286 = arith.constant 160 : index
        %get3A_1287 = tpu.vector_load %arg12[%get3A_1285, %get3A_1286] {strides = array<i32>} : memref<40x256xf32, #tpu.memory_space<vmem>>, vector<16xf32>,
        %mul3A_1288 = arith.mulf %exp3A_1284, %get3A_1287 : vector<16xf32>
        %swap3A_1289 = arith.index_cast %scan3A_1189 : i32 to index
        %swap3A_1290 = arith.constant 32 : index
        %swap3A_1291 = tpu.vector_load %arg13[%swap3A_1289, %swap3A_1290] {strides = array<i32>} : memref<40x128xf32, #tpu.memory_space<vmem>>, vector<16xf32>,
        tpu.vector_store %arg13[%swap3A_1289, %swap3A_1290], %mul3A_1288 {strides = array<i32>} : memref<40x128xf32, #tpu.memory_space<vmem>>, vector<16xf32>,
        %get3A_1292 = arith.index_cast %scan3A_1189 : i32 to index
        %get3A_1293 = arith.constant 48 : index
        %get3A_1294 = tpu.vector_load %arg11[%get3A_1292, %get3A_1293] {strides = array<i32>} : memref<40x128xf32, #tpu.memory_space<vmem>>, vector<16xf32>,
        %get3A_1295 = arith.index_cast %scan3A_1189 : i32 to index
        %get3A_1296 = arith.constant 48 : index
        %get3A_1297 = tpu.vector_load %arg12[%get3A_1295, %get3A_1296] {strides = array<i32>} : memref<40x256xf32, #tpu.memory_space<vmem>>, vector<16xf32>,
        %mul3A_1298 = arith.mulf %get3A_1294, %get3A_1297 : vector<16xf32>
        %broadcast_in_dim3A_1299 = vector.shape_cast %xor3A_25 : vector<16xi32> to vector<16x1xi32>
        %gather3A_1300 = vector.shape_cast %broadcast_in_dim3A_1299 : vector<16x1xi32> to vector<16xi32>
        %gather3A_1301 = tpu.dynamic_gather %mul3A_1298[%gather3A_1300] in [0] : vector<16xf32>, vector<16xi32> -> vector<16xf32>
        %add3A_1302 = arith.addf %mul3A_1298, %gather3A_1301 : vector<16xf32>
        %broadcast_in_dim3A_1303 = vector.shape_cast %xor3A_28 : vector<16xi32> to vector<16x1xi32>
        %gather3A_1304 = vector.shape_cast %broadcast_in_dim3A_1303 : vector<16x1xi32> to vector<16xi32>
        %gather3A_1305 = tpu.dynamic_gather %add3A_1302[%gather3A_1304] in [0] : vector<16xf32>, vector<16xi32> -> vector<16xf32>
        %add3A_1306 = arith.addf %add3A_1302, %gather3A_1305 : vector<16xf32>
        %broadcast_in_dim3A_1307 = vector.shape_cast %xor3A_31 : vector<16xi32> to vector<16x1xi32>
        %gather3A_1308 = vector.shape_cast %broadcast_in_dim3A_1307 : vector<16x1xi32> to vector<16xi32>
        %gather3A_1309 = tpu.dynamic_gather %add3A_1306[%gather3A_1308] in [0] : vector<16xf32>, vector<16xi32> -> vector<16xf32>
        %add3A_1310 = arith.addf %add3A_1306, %gather3A_1309 : vector<16xf32>
        %broadcast_in_dim3A_1311 = vector.shape_cast %xor3A_34 : vector<16xi32> to vector<16x1xi32>
        %gather3A_1312 = vector.shape_cast %broadcast_in_dim3A_1311 : vector<16x1xi32> to vector<16xi32>
        %gather3A_1313 = tpu.dynamic_gather %add3A_1310[%gather3A_1312] in [0] : vector<16xf32>, vector<16xi32> -> vector<16xf32>
        %add3A_1314 = arith.addf %add3A_1310, %gather3A_1313 : vector<16xf32>
        %mul3A_1315 = arith.constant 2.500000e-01 : f32
        %mul3A_1316 = vector.broadcast %mul3A_1315 : f32 to vector<16xf32>
        %mul3A_1317 = arith.mulf %add3A_1314, %mul3A_1316 : vector<16xf32>
        %exp3A_1318 = math.exp %mul3A_1317 : vector<16xf32>
        %get3A_1319 = arith.index_cast %scan3A_1189 : i32 to index
        %get3A_1320 = arith.constant 176 : index
        %get3A_1321 = tpu.vector_load %arg12[%get3A_1319, %get3A_1320] {strides = array<i32>} : memref<40x256xf32, #tpu.memory_space<vmem>>, vector<16xf32>,
        %mul3A_1322 = arith.mulf %exp3A_1318, %get3A_1321 : vector<16xf32>
        %swap3A_1323 = arith.index_cast %scan3A_1189 : i32 to index
        %swap3A_1324 = arith.constant 48 : index
        %swap3A_1325 = tpu.vector_load %arg13[%swap3A_1323, %swap3A_1324] {strides = array<i32>} : memref<40x128xf32, #tpu.memory_space<vmem>>, vector<16xf32>,
        tpu.vector_store %arg13[%swap3A_1323, %swap3A_1324], %mul3A_1322 {strides = array<i32>} : memref<40x128xf32, #tpu.memory_space<vmem>>, vector<16xf32>,
        %get3A_1326 = arith.index_cast %scan3A_1189 : i32 to index
        %get3A_1327 = arith.constant 64 : index
        %get3A_1328 = tpu.vector_load %arg11[%get3A_1326, %get3A_1327] {strides = array<i32>} : memref<40x128xf32, #tpu.memory_space<vmem>>, vector<16xf32>,
        %get3A_1329 = arith.index_cast %scan3A_1189 : i32 to index
        %get3A_1330 = arith.constant 64 : index
        %get3A_1331 = tpu.vector_load %arg12[%get3A_1329, %get3A_1330] {strides = array<i32>} : memref<40x256xf32, #tpu.memory_space<vmem>>, vector<16xf32>,
        %mul3A_1332 = arith.mulf %get3A_1328, %get3A_1331 : vector<16xf32>
        %broadcast_in_dim3A_1333 = vector.shape_cast %xor3A_25 : vector<16xi32> to vector<16x1xi32>
        %gather3A_1334 = vector.shape_cast %broadcast_in_dim3A_1333 : vector<16x1xi32> to vector<16xi32>
        %gather3A_1335 = tpu.dynamic_gather %mul3A_1332[%gather3A_1334] in [0] : vector<16xf32>, vector<16xi32> -> vector<16xf32>
        %add3A_1336 = arith.addf %mul3A_1332, %gather3A_1335 : vector<16xf32>
        %broadcast_in_dim3A_1337 = vector.shape_cast %xor3A_28 : vector<16xi32> to vector<16x1xi32>
        %gather3A_1338 = vector.shape_cast %broadcast_in_dim3A_1337 : vector<16x1xi32> to vector<16xi32>
        %gather3A_1339 = tpu.dynamic_gather %add3A_1336[%gather3A_1338] in [0] : vector<16xf32>, vector<16xi32> -> vector<16xf32>
        %add3A_1340 = arith.addf %add3A_1336, %gather3A_1339 : vector<16xf32>
        %broadcast_in_dim3A_1341 = vector.shape_cast %xor3A_31 : vector<16xi32> to vector<16x1xi32>
        %gather3A_1342 = vector.shape_cast %broadcast_in_dim3A_1341 : vector<16x1xi32> to vector<16xi32>
        %gather3A_1343 = tpu.dynamic_gather %add3A_1340[%gather3A_1342] in [0] : vector<16xf32>, vector<16xi32> -> vector<16xf32>
        %add3A_1344 = arith.addf %add3A_1340, %gather3A_1343 : vector<16xf32>
        %broadcast_in_dim3A_1345 = vector.shape_cast %xor3A_34 : vector<16xi32> to vector<16x1xi32>
        %gather3A_1346 = vector.shape_cast %broadcast_in_dim3A_1345 : vector<16x1xi32> to vector<16xi32>
        %gather3A_1347 = tpu.dynamic_gather %add3A_1344[%gather3A_1346] in [0] : vector<16xf32>, vector<16xi32> -> vector<16xf32>
        %add3A_1348 = arith.addf %add3A_1344, %gather3A_1347 : vector<16xf32>
        %mul3A_1349 = arith.constant 2.500000e-01 : f32
        %mul3A_1350 = vector.broadcast %mul3A_1349 : f32 to vector<16xf32>
        %mul3A_1351 = arith.mulf %add3A_1348, %mul3A_1350 : vector<16xf32>
        %exp3A_1352 = math.exp %mul3A_1351 : vector<16xf32>
        %get3A_1353 = arith.index_cast %scan3A_1189 : i32 to index
        %get3A_1354 = arith.constant 192 : index
        %get3A_1355 = tpu.vector_load %arg12[%get3A_1353, %get3A_1354] {strides = array<i32>} : memref<40x256xf32, #tpu.memory_space<vmem>>, vector<16xf32>,
        %mul3A_1356 = arith.mulf %exp3A_1352, %get3A_1355 : vector<16xf32>
        %swap3A_1357 = arith.index_cast %scan3A_1189 : i32 to index
        %swap3A_1358 = arith.constant 64 : index
        %swap3A_1359 = tpu.vector_load %arg13[%swap3A_1357, %swap3A_1358] {strides = array<i32>} : memref<40x128xf32, #tpu.memory_space<vmem>>, vector<16xf32>,
        tpu.vector_store %arg13[%swap3A_1357, %swap3A_1358], %mul3A_1356 {strides = array<i32>} : memref<40x128xf32, #tpu.memory_space<vmem>>, vector<16xf32>,
        %get3A_1360 = arith.index_cast %scan3A_1189 : i32 to index
        %get3A_1361 = arith.constant 80 : index
        %get3A_1362 = tpu.vector_load %arg11[%get3A_1360, %get3A_1361] {strides = array<i32>} : memref<40x128xf32, #tpu.memory_space<vmem>>, vector<16xf32>,
        %get3A_1363 = arith.index_cast %scan3A_1189 : i32 to index
        %get3A_1364 = arith.constant 80 : index
        %get3A_1365 = tpu.vector_load %arg12[%get3A_1363, %get3A_1364] {strides = array<i32>} : memref<40x256xf32, #tpu.memory_space<vmem>>, vector<16xf32>,
        %mul3A_1366 = arith.mulf %get3A_1362, %get3A_1365 : vector<16xf32>
        %broadcast_in_dim3A_1367 = vector.shape_cast %xor3A_25 : vector<16xi32> to vector<16x1xi32>
        %gather3A_1368 = vector.shape_cast %broadcast_in_dim3A_1367 : vector<16x1xi32> to vector<16xi32>
        %gather3A_1369 = tpu.dynamic_gather %mul3A_1366[%gather3A_1368] in [0] : vector<16xf32>, vector<16xi32> -> vector<16xf32>
        %add3A_1370 = arith.addf %mul3A_1366, %gather3A_1369 : vector<16xf32>
        %broadcast_in_dim3A_1371 = vector.shape_cast %xor3A_28 : vector<16xi32> to vector<16x1xi32>
        %gather3A_1372 = vector.shape_cast %broadcast_in_dim3A_1371 : vector<16x1xi32> to vector<16xi32>
        %gather3A_1373 = tpu.dynamic_gather %add3A_1370[%gather3A_1372] in [0] : vector<16xf32>, vector<16xi32> -> vector<16xf32>
        %add3A_1374 = arith.addf %add3A_1370, %gather3A_1373 : vector<16xf32>
        %broadcast_in_dim3A_1375 = vector.shape_cast %xor3A_31 : vector<16xi32> to vector<16x1xi32>
        %gather3A_1376 = vector.shape_cast %broadcast_in_dim3A_1375 : vector<16x1xi32> to vector<16xi32>
        %gather3A_1377 = tpu.dynamic_gather %add3A_1374[%gather3A_1376] in [0] : vector<16xf32>, vector<16xi32> -> vector<16xf32>
        %add3A_1378 = arith.addf %add3A_1374, %gather3A_1377 : vector<16xf32>
        %broadcast_in_dim3A_1379 = vector.shape_cast %xor3A_34 : vector<16xi32> to vector<16x1xi32>
        %gather3A_1380 = vector.shape_cast %broadcast_in_dim3A_1379 : vector<16x1xi32> to vector<16xi32>
        %gather3A_1381 = tpu.dynamic_gather %add3A_1378[%gather3A_1380] in [0] : vector<16xf32>, vector<16xi32> -> vector<16xf32>
        %add3A_1382 = arith.addf %add3A_1378, %gather3A_1381 : vector<16xf32>
        %mul3A_1383 = arith.constant 2.500000e-01 : f32
        %mul3A_1384 = vector.broadcast %mul3A_1383 : f32 to vector<16xf32>
        %mul3A_1385 = arith.mulf %add3A_1382, %mul3A_1384 : vector<16xf32>
        %exp3A_1386 = math.exp %mul3A_1385 : vector<16xf32>
        %get3A_1387 = arith.index_cast %scan3A_1189 : i32 to index
        %get3A_1388 = arith.constant 208 : index
        %get3A_1389 = tpu.vector_load %arg12[%get3A_1387, %get3A_1388] {strides = array<i32>} : memref<40x256xf32, #tpu.memory_space<vmem>>, vector<16xf32>,
        %mul3A_1390 = arith.mulf %exp3A_1386, %get3A_1389 : vector<16xf32>
        %swap3A_1391 = arith.index_cast %scan3A_1189 : i32 to index
        %swap3A_1392 = arith.constant 80 : index
        %swap3A_1393 = tpu.vector_load %arg13[%swap3A_1391, %swap3A_1392] {strides = array<i32>} : memref<40x128xf32, #tpu.memory_space<vmem>>, vector<16xf32>,
        tpu.vector_store %arg13[%swap3A_1391, %swap3A_1392], %mul3A_1390 {strides = array<i32>} : memref<40x128xf32, #tpu.memory_space<vmem>>, vector<16xf32>,
        %get3A_1394 = arith.index_cast %scan3A_1189 : i32 to index
        %get3A_1395 = arith.constant 96 : index
        %get3A_1396 = tpu.vector_load %arg11[%get3A_1394, %get3A_1395] {strides = array<i32>} : memref<40x128xf32, #tpu.memory_space<vmem>>, vector<16xf32>,
        %get3A_1397 = arith.index_cast %scan3A_1189 : i32 to index
        %get3A_1398 = arith.constant 96 : index
        %get3A_1399 = tpu.vector_load %arg12[%get3A_1397, %get3A_1398] {strides = array<i32>} : memref<40x256xf32, #tpu.memory_space<vmem>>, vector<16xf32>,
        %mul3A_1400 = arith.mulf %get3A_1396, %get3A_1399 : vector<16xf32>
        %broadcast_in_dim3A_1401 = vector.shape_cast %xor3A_25 : vector<16xi32> to vector<16x1xi32>
        %gather3A_1402 = vector.shape_cast %broadcast_in_dim3A_1401 : vector<16x1xi32> to vector<16xi32>
        %gather3A_1403 = tpu.dynamic_gather %mul3A_1400[%gather3A_1402] in [0] : vector<16xf32>, vector<16xi32> -> vector<16xf32>
        %add3A_1404 = arith.addf %mul3A_1400, %gather3A_1403 : vector<16xf32>
        %broadcast_in_dim3A_1405 = vector.shape_cast %xor3A_28 : vector<16xi32> to vector<16x1xi32>
        %gather3A_1406 = vector.shape_cast %broadcast_in_dim3A_1405 : vector<16x1xi32> to vector<16xi32>
        %gather3A_1407 = tpu.dynamic_gather %add3A_1404[%gather3A_1406] in [0] : vector<16xf32>, vector<16xi32> -> vector<16xf32>
        %add3A_1408 = arith.addf %add3A_1404, %gather3A_1407 : vector<16xf32>
        %broadcast_in_dim3A_1409 = vector.shape_cast %xor3A_31 : vector<16xi32> to vector<16x1xi32>
        %gather3A_1410 = vector.shape_cast %broadcast_in_dim3A_1409 : vector<16x1xi32> to vector<16xi32>
        %gather3A_1411 = tpu.dynamic_gather %add3A_1408[%gather3A_1410] in [0] : vector<16xf32>, vector<16xi32> -> vector<16xf32>
        %add3A_1412 = arith.addf %add3A_1408, %gather3A_1411 : vector<16xf32>
        %broadcast_in_dim3A_1413 = vector.shape_cast %xor3A_34 : vector<16xi32> to vector<16x1xi32>
        %gather3A_1414 = vector.shape_cast %broadcast_in_dim3A_1413 : vector<16x1xi32> to vector<16xi32>
        %gather3A_1415 = tpu.dynamic_gather %add3A_1412[%gather3A_1414] in [0] : vector<16xf32>, vector<16xi32> -> vector<16xf32>
        %add3A_1416 = arith.addf %add3A_1412, %gather3A_1415 : vector<16xf32>
        %mul3A_1417 = arith.constant 2.500000e-01 : f32
        %mul3A_1418 = vector.broadcast %mul3A_1417 : f32 to vector<16xf32>
        %mul3A_1419 = arith.mulf %add3A_1416, %mul3A_1418 : vector<16xf32>
        %exp3A_1420 = math.exp %mul3A_1419 : vector<16xf32>
        %get3A_1421 = arith.index_cast %scan3A_1189 : i32 to index
        %get3A_1422 = arith.constant 224 : index
        %get3A_1423 = tpu.vector_load %arg12[%get3A_1421, %get3A_1422] {strides = array<i32>} : memref<40x256xf32, #tpu.memory_space<vmem>>, vector<16xf32>,
        %mul3A_1424 = arith.mulf %exp3A_1420, %get3A_1423 : vector<16xf32>
        %swap3A_1425 = arith.index_cast %scan3A_1189 : i32 to index
        %swap3A_1426 = arith.constant 96 : index
        %swap3A_1427 = tpu.vector_load %arg13[%swap3A_1425, %swap3A_1426] {strides = array<i32>} : memref<40x128xf32, #tpu.memory_space<vmem>>, vector<16xf32>,
        tpu.vector_store %arg13[%swap3A_1425, %swap3A_1426], %mul3A_1424 {strides = array<i32>} : memref<40x128xf32, #tpu.memory_space<vmem>>, vector<16xf32>,
        %get3A_1428 = arith.index_cast %scan3A_1189 : i32 to index
        %get3A_1429 = arith.constant 112 : index
        %get3A_1430 = tpu.vector_load %arg11[%get3A_1428, %get3A_1429] {strides = array<i32>} : memref<40x128xf32, #tpu.memory_space<vmem>>, vector<16xf32>,
        %get3A_1431 = arith.index_cast %scan3A_1189 : i32 to index
        %get3A_1432 = arith.constant 112 : index
        %get3A_1433 = tpu.vector_load %arg12[%get3A_1431, %get3A_1432] {strides = array<i32>} : memref<40x256xf32, #tpu.memory_space<vmem>>, vector<16xf32>,
        %mul3A_1434 = arith.mulf %get3A_1430, %get3A_1433 : vector<16xf32>
        %broadcast_in_dim3A_1435 = vector.shape_cast %xor3A_25 : vector<16xi32> to vector<16x1xi32>
        %gather3A_1436 = vector.shape_cast %broadcast_in_dim3A_1435 : vector<16x1xi32> to vector<16xi32>
        %gather3A_1437 = tpu.dynamic_gather %mul3A_1434[%gather3A_1436] in [0] : vector<16xf32>, vector<16xi32> -> vector<16xf32>
        %add3A_1438 = arith.addf %mul3A_1434, %gather3A_1437 : vector<16xf32>
        %broadcast_in_dim3A_1439 = vector.shape_cast %xor3A_28 : vector<16xi32> to vector<16x1xi32>
        %gather3A_1440 = vector.shape_cast %broadcast_in_dim3A_1439 : vector<16x1xi32> to vector<16xi32>
        %gather3A_1441 = tpu.dynamic_gather %add3A_1438[%gather3A_1440] in [0] : vector<16xf32>, vector<16xi32> -> vector<16xf32>
        %add3A_1442 = arith.addf %add3A_1438, %gather3A_1441 : vector<16xf32>
        %broadcast_in_dim3A_1443 = vector.shape_cast %xor3A_31 : vector<16xi32> to vector<16x1xi32>
        %gather3A_1444 = vector.shape_cast %broadcast_in_dim3A_1443 : vector<16x1xi32> to vector<16xi32>
        %gather3A_1445 = tpu.dynamic_gather %add3A_1442[%gather3A_1444] in [0] : vector<16xf32>, vector<16xi32> -> vector<16xf32>
        %add3A_1446 = arith.addf %add3A_1442, %gather3A_1445 : vector<16xf32>
        %broadcast_in_dim3A_1447 = vector.shape_cast %xor3A_34 : vector<16xi32> to vector<16x1xi32>
        %gather3A_1448 = vector.shape_cast %broadcast_in_dim3A_1447 : vector<16x1xi32> to vector<16xi32>
        %gather3A_1449 = tpu.dynamic_gather %add3A_1446[%gather3A_1448] in [0] : vector<16xf32>, vector<16xi32> -> vector<16xf32>
        %add3A_1450 = arith.addf %add3A_1446, %gather3A_1449 : vector<16xf32>
        %mul3A_1451 = arith.constant 2.500000e-01 : f32
        %mul3A_1452 = vector.broadcast %mul3A_1451 : f32 to vector<16xf32>
        %mul3A_1453 = arith.mulf %add3A_1450, %mul3A_1452 : vector<16xf32>
        %exp3A_1454 = math.exp %mul3A_1453 : vector<16xf32>
        %get3A_1455 = arith.index_cast %scan3A_1189 : i32 to index
        %get3A_1456 = arith.constant 240 : index
        %get3A_1457 = tpu.vector_load %arg12[%get3A_1455, %get3A_1456] {strides = array<i32>} : memref<40x256xf32, #tpu.memory_space<vmem>>, vector<16xf32>,
        %mul3A_1458 = arith.mulf %exp3A_1454, %get3A_1457 : vector<16xf32>
        %swap3A_1459 = arith.index_cast %scan3A_1189 : i32 to index
        %swap3A_1460 = arith.constant 112 : index
        %swap3A_1461 = tpu.vector_load %arg13[%swap3A_1459, %swap3A_1460] {strides = array<i32>} : memref<40x128xf32, #tpu.memory_space<vmem>>, vector<16xf32>,
        tpu.vector_store %arg13[%swap3A_1459, %swap3A_1460], %mul3A_1458 {strides = array<i32>} : memref<40x128xf32, #tpu.memory_space<vmem>>, vector<16xf32>,
        %broadcast_in_dim3A_1462 = arith.constant 0.000000e+00 : f32
        %broadcast_in_dim3A_1463 = vector.broadcast %broadcast_in_dim3A_1462 : f32 to vector<16xf32>
        %eq3A_1464 = arith.constant 0 : i32
        %eq3A_1465 = vector.broadcast %eq3A_1464 : i32 to vector<16xi32>
        %eq3A_1466 = arith.cmpi eq, %iota3A, %eq3A_1465 : vector<16xi32>
        %select_n3A_1467 = arith.select %eq3A_1466, %exp3A_1216, %broadcast_in_dim3A_1463 : vector<16xi1>, vector<16xf32>
        %eq3A_1468 = arith.constant 1 : i32
        %eq3A_1469 = vector.broadcast %eq3A_1468 : i32 to vector<16xi32>
        %eq3A_1470 = arith.cmpi eq, %iota3A, %eq3A_1469 : vector<16xi32>
        %select_n3A_1471 = arith.select %eq3A_1470, %exp3A_1250, %select_n3A_1467 : vector<16xi1>, vector<16xf32>
        %eq3A_1472 = arith.constant 2 : i32
        %eq3A_1473 = vector.broadcast %eq3A_1472 : i32 to vector<16xi32>
        %eq3A_1474 = arith.cmpi eq, %iota3A, %eq3A_1473 : vector<16xi32>
        %select_n3A_1475 = arith.select %eq3A_1474, %exp3A_1284, %select_n3A_1471 : vector<16xi1>, vector<16xf32>
        %eq3A_1476 = arith.constant 3 : i32
        %eq3A_1477 = vector.broadcast %eq3A_1476 : i32 to vector<16xi32>
        %eq3A_1478 = arith.cmpi eq, %iota3A, %eq3A_1477 : vector<16xi32>
        %select_n3A_1479 = arith.select %eq3A_1478, %exp3A_1318, %select_n3A_1475 : vector<16xi1>, vector<16xf32>
        %eq3A_1480 = arith.constant 4 : i32
        %eq3A_1481 = vector.broadcast %eq3A_1480 : i32 to vector<16xi32>
        %eq3A_1482 = arith.cmpi eq, %iota3A, %eq3A_1481 : vector<16xi32>
        %select_n3A_1483 = arith.select %eq3A_1482, %exp3A_1352, %select_n3A_1479 : vector<16xi1>, vector<16xf32>
        %eq3A_1484 = arith.constant 5 : i32
        %eq3A_1485 = vector.broadcast %eq3A_1484 : i32 to vector<16xi32>
        %eq3A_1486 = arith.cmpi eq, %iota3A, %eq3A_1485 : vector<16xi32>
        %select_n3A_1487 = arith.select %eq3A_1486, %exp3A_1386, %select_n3A_1483 : vector<16xi1>, vector<16xf32>
        %eq3A_1488 = arith.constant 6 : i32
        %eq3A_1489 = vector.broadcast %eq3A_1488 : i32 to vector<16xi32>
        %eq3A_1490 = arith.cmpi eq, %iota3A, %eq3A_1489 : vector<16xi32>
        %select_n3A_1491 = arith.select %eq3A_1490, %exp3A_1420, %select_n3A_1487 : vector<16xi1>, vector<16xf32>
        %eq3A_1492 = arith.constant 7 : i32
        %eq3A_1493 = vector.broadcast %eq3A_1492 : i32 to vector<16xi32>
        %eq3A_1494 = arith.cmpi eq, %iota3A, %eq3A_1493 : vector<16xi32>
        %select_n3A_1495 = arith.select %eq3A_1494, %exp3A_1454, %select_n3A_1491 : vector<16xi1>, vector<16xf32>
        %broadcast_in_dim3A_1496 = vector.broadcast %scan3A_1189 : i32 to vector<16xi32>
        %gather3A_1497 = tpu.vector_load_idx %arg9[%broadcast_in_dim3A_1496] : memref<40xi32, #tpu.memory_space<vmem>>[vector<16xi32>], vector<16xi32>,
        %and3A_1498 = arith.constant 7 : i32
        %and3A_1499 = vector.broadcast %and3A_1498 : i32 to vector<16xi32>
        %and3A_1500 = arith.andi %gather3A_1497, %and3A_1499 : vector<16xi32>
        %eq3A_1501 = arith.constant 0 : i32
        %eq3A_1502 = vector.broadcast %eq3A_1501 : i32 to vector<16xi32>
        %eq3A_1503 = arith.cmpi eq, %and3A_1500, %eq3A_1502 : vector<16xi32>
        %select_n3A_1504 = arith.select %eq3A_1503, %select_n3A_1495, %broadcast_in_dim3A_1 : vector<16xi1>, vector<16xf32>
        %swap3A_1505 = arith.index_cast %scan3A_1189 : i32 to index
        %swap3A_1506 = arith.constant 0 : index
        %swap3A_1507 = tpu.vector_load %arg14[%swap3A_1505, %swap3A_1506] {strides = array<i32>} : memref<48x128xf32, #tpu.memory_space<vmem>>, vector<16xf32>,
        tpu.vector_store %arg14[%swap3A_1505, %swap3A_1506], %select_n3A_1504 {strides = array<i32>} : memref<48x128xf32, #tpu.memory_space<vmem>>, vector<16xf32>,
        %eq3A_1508 = arith.constant 1 : i32
        %eq3A_1509 = vector.broadcast %eq3A_1508 : i32 to vector<16xi32>
        %eq3A_1510 = arith.cmpi eq, %and3A_1500, %eq3A_1509 : vector<16xi32>
        %select_n3A_1511 = arith.select %eq3A_1510, %select_n3A_1495, %broadcast_in_dim3A_1 : vector<16xi1>, vector<16xf32>
        %swap3A_1512 = arith.index_cast %scan3A_1189 : i32 to index
        %swap3A_1513 = arith.constant 16 : index
        %swap3A_1514 = tpu.vector_load %arg14[%swap3A_1512, %swap3A_1513] {strides = array<i32>} : memref<48x128xf32, #tpu.memory_space<vmem>>, vector<16xf32>,
        tpu.vector_store %arg14[%swap3A_1512, %swap3A_1513], %select_n3A_1511 {strides = array<i32>} : memref<48x128xf32, #tpu.memory_space<vmem>>, vector<16xf32>,
        %eq3A_1515 = arith.constant 2 : i32
        %eq3A_1516 = vector.broadcast %eq3A_1515 : i32 to vector<16xi32>
        %eq3A_1517 = arith.cmpi eq, %and3A_1500, %eq3A_1516 : vector<16xi32>
        %select_n3A_1518 = arith.select %eq3A_1517, %select_n3A_1495, %broadcast_in_dim3A_1 : vector<16xi1>, vector<16xf32>
        %swap3A_1519 = arith.index_cast %scan3A_1189 : i32 to index
        %swap3A_1520 = arith.constant 32 : index
        %swap3A_1521 = tpu.vector_load %arg14[%swap3A_1519, %swap3A_1520] {strides = array<i32>} : memref<48x128xf32, #tpu.memory_space<vmem>>, vector<16xf32>,
        tpu.vector_store %arg14[%swap3A_1519, %swap3A_1520], %select_n3A_1518 {strides = array<i32>} : memref<48x128xf32, #tpu.memory_space<vmem>>, vector<16xf32>,
        %eq3A_1522 = arith.constant 3 : i32
        %eq3A_1523 = vector.broadcast %eq3A_1522 : i32 to vector<16xi32>
        %eq3A_1524 = arith.cmpi eq, %and3A_1500, %eq3A_1523 : vector<16xi32>
        %select_n3A_1525 = arith.select %eq3A_1524, %select_n3A_1495, %broadcast_in_dim3A_1 : vector<16xi1>, vector<16xf32>
        %swap3A_1526 = arith.index_cast %scan3A_1189 : i32 to index
        %swap3A_1527 = arith.constant 48 : index
        %swap3A_1528 = tpu.vector_load %arg14[%swap3A_1526, %swap3A_1527] {strides = array<i32>} : memref<48x128xf32, #tpu.memory_space<vmem>>, vector<16xf32>,
        tpu.vector_store %arg14[%swap3A_1526, %swap3A_1527], %select_n3A_1525 {strides = array<i32>} : memref<48x128xf32, #tpu.memory_space<vmem>>, vector<16xf32>,
        %eq3A_1529 = arith.constant 4 : i32
        %eq3A_1530 = vector.broadcast %eq3A_1529 : i32 to vector<16xi32>
        %eq3A_1531 = arith.cmpi eq, %and3A_1500, %eq3A_1530 : vector<16xi32>
        %select_n3A_1532 = arith.select %eq3A_1531, %select_n3A_1495, %broadcast_in_dim3A_1 : vector<16xi1>, vector<16xf32>
        %swap3A_1533 = arith.index_cast %scan3A_1189 : i32 to index
        %swap3A_1534 = arith.constant 64 : index
        %swap3A_1535 = tpu.vector_load %arg14[%swap3A_1533, %swap3A_1534] {strides = array<i32>} : memref<48x128xf32, #tpu.memory_space<vmem>>, vector<16xf32>,
        tpu.vector_store %arg14[%swap3A_1533, %swap3A_1534], %select_n3A_1532 {strides = array<i32>} : memref<48x128xf32, #tpu.memory_space<vmem>>, vector<16xf32>,
        %eq3A_1536 = arith.constant 5 : i32
        %eq3A_1537 = vector.broadcast %eq3A_1536 : i32 to vector<16xi32>
        %eq3A_1538 = arith.cmpi eq, %and3A_1500, %eq3A_1537 : vector<16xi32>
        %select_n3A_1539 = arith.select %eq3A_1538, %select_n3A_1495, %broadcast_in_dim3A_1 : vector<16xi1>, vector<16xf32>
        %swap3A_1540 = arith.index_cast %scan3A_1189 : i32 to index
        %swap3A_1541 = arith.constant 80 : index
        %swap3A_1542 = tpu.vector_load %arg14[%swap3A_1540, %swap3A_1541] {strides = array<i32>} : memref<48x128xf32, #tpu.memory_space<vmem>>, vector<16xf32>,
        tpu.vector_store %arg14[%swap3A_1540, %swap3A_1541], %select_n3A_1539 {strides = array<i32>} : memref<48x128xf32, #tpu.memory_space<vmem>>, vector<16xf32>,
        %eq3A_1543 = arith.constant 6 : i32
        %eq3A_1544 = vector.broadcast %eq3A_1543 : i32 to vector<16xi32>
        %eq3A_1545 = arith.cmpi eq, %and3A_1500, %eq3A_1544 : vector<16xi32>
        %select_n3A_1546 = arith.select %eq3A_1545, %select_n3A_1495, %broadcast_in_dim3A_1 : vector<16xi1>, vector<16xf32>
        %swap3A_1547 = arith.index_cast %scan3A_1189 : i32 to index
        %swap3A_1548 = arith.constant 96 : index
        %swap3A_1549 = tpu.vector_load %arg14[%swap3A_1547, %swap3A_1548] {strides = array<i32>} : memref<48x128xf32, #tpu.memory_space<vmem>>, vector<16xf32>,
        tpu.vector_store %arg14[%swap3A_1547, %swap3A_1548], %select_n3A_1546 {strides = array<i32>} : memref<48x128xf32, #tpu.memory_space<vmem>>, vector<16xf32>,
        %eq3A_1550 = arith.constant 7 : i32
        %eq3A_1551 = vector.broadcast %eq3A_1550 : i32 to vector<16xi32>
        %eq3A_1552 = arith.cmpi eq, %and3A_1500, %eq3A_1551 : vector<16xi32>
        %select_n3A_1553 = arith.select %eq3A_1552, %select_n3A_1495, %broadcast_in_dim3A_1 : vector<16xi1>, vector<16xf32>
        %swap3A_1554 = arith.index_cast %scan3A_1189 : i32 to index
        %swap3A_1555 = arith.constant 112 : index
        %swap3A_1556 = tpu.vector_load %arg14[%swap3A_1554, %swap3A_1555] {strides = array<i32>} : memref<48x128xf32, #tpu.memory_space<vmem>>, vector<16xf32>,
        tpu.vector_store %arg14[%swap3A_1554, %swap3A_1555], %select_n3A_1553 {strides = array<i32>} : memref<48x128xf32, #tpu.memory_space<vmem>>, vector<16xf32>,
      }
      %scan3A_86 = arith.constant 40 : i32
      "tpu.region"() ({
        %run_scoped3A = tpu.sem_alloc : memref<!tpu.dma_semaphore, #tpu.memory_space<semaphore_mem>>
        %dma_start3A_87 = arith.constant 0 : i32
        %dma_start3A_88 = arith.constant 0 : i32
        %dma_start3A_89 = tpu.memref_slice %arg17[%dma_start3A_87, %dma_start3A_88] : memref<10000x128xf32, #tpu.memory_space<vmem_shared>> -> memref<10000x128xf32, #tpu.memory_space<vmem_shared>>
        tpu.enqueue_indirect_dma source(%arg13 : memref<40x128xf32, #tpu.memory_space<vmem>>) target(%dma_start3A_89 : memref<10000x128xf32, #tpu.memory_space<vmem_shared>>) offsets(%arg9 : memref<40xi32, #tpu.memory_space<vmem>>) semaphore(%run_scoped3A : memref<!tpu.dma_semaphore, #tpu.memory_space<semaphore_mem>>) {add = true}
        %dma_wait3A_90 = arith.constant 0 : i32
        %dma_wait3A_91 = arith.constant 0 : i32
        %dma_wait3A_92 = tpu.memref_slice %arg17[%dma_wait3A_90, %dma_wait3A_91] : memref<10000x128xf32, #tpu.memory_space<vmem_shared>> -> memref<10000x128xf32, #tpu.memory_space<vmem_shared>>
        tpu.wait_indirect_dma semaphore(%run_scoped3A : memref<!tpu.dma_semaphore, #tpu.memory_space<semaphore_mem>>) src(%arg13 : memref<40x128xf32, #tpu.memory_space<vmem>>) dst(%dma_wait3A_92 : memref<10000x128xf32, #tpu.memory_space<vmem_shared>>)
        tpu.yield
      }) : () -> ()
      "tpu.region"() ({
        %run_scoped3A = tpu.sem_alloc : memref<!tpu.dma_semaphore, #tpu.memory_space<semaphore_mem>>
        %dma_start3A_87 = arith.constant 0 : i32
        %dma_start3A_88 = arith.constant 0 : i32
        %dma_start3A_89 = tpu.memref_slice %arg18[%dma_start3A_87, %dma_start3A_88] : memref<1280x128xf32, #tpu.memory_space<vmem_shared>> -> memref<1280x128xf32, #tpu.memory_space<vmem_shared>>
        tpu.enqueue_indirect_dma source(%arg14 : memref<48x128xf32, #tpu.memory_space<vmem>>) target(%dma_start3A_89 : memref<1280x128xf32, #tpu.memory_space<vmem_shared>>) offsets(%arg10 : memref<48xi32, #tpu.memory_space<vmem>>) semaphore(%run_scoped3A : memref<!tpu.dma_semaphore, #tpu.memory_space<semaphore_mem>>) {add = true}
        %dma_wait3A_90 = arith.constant 0 : i32
        %dma_wait3A_91 = arith.constant 0 : i32
        %dma_wait3A_92 = tpu.memref_slice %arg18[%dma_wait3A_90, %dma_wait3A_91] : memref<1280x128xf32, #tpu.memory_space<vmem_shared>> -> memref<1280x128xf32, #tpu.memory_space<vmem_shared>>
        tpu.wait_indirect_dma semaphore(%run_scoped3A : memref<!tpu.dma_semaphore, #tpu.memory_space<semaphore_mem>>) src(%arg14 : memref<48x128xf32, #tpu.memory_space<vmem>>) dst(%dma_wait3A_92 : memref<1280x128xf32, #tpu.memory_space<vmem_shared>>)
        tpu.yield
      }) : () -> ()
    }
    %scan3A_40 = arith.constant 250 : i32
    %barrier3A_41 = arith.constant 0 : index
    tpu.barrier barrier_id(%barrier3A_41)
    %scan3A_42 = arith.constant 0 : i32
    %scan3A_43 = arith.constant 0 : i32
    %scan3A_44 = arith.constant 16 : i32
    %scan3A_45 = arith.addi %scan3A_43, %scan3A_44 : i32
    %scan3A_46 = arith.constant 1 : i32
    scf.for %scan3A_48 = %scan3A_43 to %scan3A_45 step %scan3A_46  : i32 {
      %mul3A_49 = arith.constant 16 : i32
      %mul3A_50 = arith.muli %scan3A_48, %mul3A_49 : i32
      %add3A_51 = arith.addi %mul3A_50, %arg1 : i32
      %lt3A = arith.constant 250 : i32
      %lt3A_52 = arith.cmpi slt, %add3A_51, %lt3A : i32
      %convert_element_type3A = arith.extui %lt3A_52 : i1 to i32
      %cond3A = arith.constant 0 : i32
      %cond3A_53 = arith.cmpi ne, %convert_element_type3A, %cond3A : i32
      scf.if %cond3A_53 {
        %mul3A_59 = arith.constant 40 : i32
        %mul3A_60 = arith.muli %add3A_51, %mul3A_59 : i32
        "tpu.region"() ({
          %run_scoped3A = tpu.sem_alloc : memref<!tpu.dma_semaphore, #tpu.memory_space<semaphore_mem>>
          %dma_start3A = arith.constant 0 : i32
          %dma_start3A_66 = tpu.memref_slice %arg17[%mul3A_60, %dma_start3A] : memref<10000x128xf32, #tpu.memory_space<vmem_shared>> -> memref<40x128xf32, #tpu.memory_space<vmem_shared>>
          %dma_start3A_67 = arith.constant 0 : i32
          %dma_start3A_68 = tpu.memref_slice %arg17[%mul3A_60, %dma_start3A_67] : memref<10000x128xf32, #tpu.memory_space<vmem_shared>> -> memref<40x128xf32, #tpu.memory_space<vmem_shared>>
          tpu.enqueue_dma source(%dma_start3A_68 : memref<40x128xf32, #tpu.memory_space<vmem_shared>>) target(%arg13 : memref<40x128xf32, #tpu.memory_space<vmem>>) target_semaphore(%run_scoped3A : memref<!tpu.dma_semaphore, #tpu.memory_space<semaphore_mem>>)
          %dma_wait3A = arith.constant 0 : i32
          %dma_wait3A_69 = tpu.memref_slice %arg17[%mul3A_60, %dma_wait3A] : memref<10000x128xf32, #tpu.memory_space<vmem_shared>> -> memref<40x128xf32, #tpu.memory_space<vmem_shared>>
          %dma_wait3A_70 = arith.constant 0 : i32
          %dma_wait3A_71 = tpu.memref_slice %arg17[%mul3A_60, %dma_wait3A_70] : memref<10000x128xf32, #tpu.memory_space<vmem_shared>> -> memref<40x128xf32, #tpu.memory_space<vmem_shared>>
          tpu.wait_dma2 semaphore(%run_scoped3A : memref<!tpu.dma_semaphore, #tpu.memory_space<semaphore_mem>>) src(%dma_wait3A_71 : memref<40x128xf32, #tpu.memory_space<vmem_shared>>) dst(%arg13 : memref<40x128xf32, #tpu.memory_space<vmem>>)
          tpu.yield
        }) : () -> ()
        %mul3A_61 = arith.constant 10000 : i32
        %mul3A_62 = arith.muli %arg0, %mul3A_61 : i32
        %mul3A_63 = arith.constant 40 : i32
        %mul3A_64 = arith.muli %add3A_51, %mul3A_63 : i32
        %add3A_65 = arith.addi %mul3A_62, %mul3A_64 : i32
        "tpu.region"() ({
          %run_scoped3A = tpu.sem_alloc : memref<!tpu.dma_semaphore, #tpu.memory_space<semaphore_mem>>
          %dma_start3A = arith.constant 0 : i32
          %dma_start3A_66 = tpu.memref_slice %arg6[%add3A_65, %dma_start3A] : memref<20000x128xf32, #tpu.memory_space<hbm>> -> memref<40x128xf32, #tpu.memory_space<hbm>>
          %dma_start3A_67 = arith.constant 0 : i32
          %dma_start3A_68 = tpu.memref_slice %arg6[%add3A_65, %dma_start3A_67] : memref<20000x128xf32, #tpu.memory_space<hbm>> -> memref<40x128xf32, #tpu.memory_space<hbm>>
          tpu.enqueue_dma source(%arg13 : memref<40x128xf32, #tpu.memory_space<vmem>>) target(%dma_start3A_68 : memref<40x128xf32, #tpu.memory_space<hbm>>) target_semaphore(%run_scoped3A : memref<!tpu.dma_semaphore, #tpu.memory_space<semaphore_mem>>)
          %dma_wait3A = arith.constant 0 : i32
          %dma_wait3A_69 = tpu.memref_slice %arg6[%add3A_65, %dma_wait3A] : memref<20000x128xf32, #tpu.memory_space<hbm>> -> memref<40x128xf32, #tpu.memory_space<hbm>>
          %dma_wait3A_70 = arith.constant 0 : i32
          %dma_wait3A_71 = tpu.memref_slice %arg6[%add3A_65, %dma_wait3A_70] : memref<20000x128xf32, #tpu.memory_space<hbm>> -> memref<40x128xf32, #tpu.memory_space<hbm>>
          tpu.wait_dma2 semaphore(%run_scoped3A : memref<!tpu.dma_semaphore, #tpu.memory_space<semaphore_mem>>) src(%arg13 : memref<40x128xf32, #tpu.memory_space<vmem>>) dst(%dma_wait3A_71 : memref<40x128xf32, #tpu.memory_space<hbm>>)
          tpu.yield
        }) : () -> ()
      } else {
      }
      %lt3A_54 = arith.constant 32 : i32
      %lt3A_55 = arith.cmpi slt, %add3A_51, %lt3A_54 : i32
      %convert_element_type3A_56 = arith.extui %lt3A_55 : i1 to i32
      %cond3A_57 = arith.constant 0 : i32
      %cond3A_58 = arith.cmpi ne, %convert_element_type3A_56, %cond3A_57 : i32
      scf.if %cond3A_58 {
        %mul3A_59 = arith.constant 40 : i32
        %mul3A_60 = arith.muli %add3A_51, %mul3A_59 : i32
        "tpu.region"() ({
          %run_scoped3A = tpu.sem_alloc : memref<!tpu.dma_semaphore, #tpu.memory_space<semaphore_mem>>
          %dma_start3A = arith.constant 0 : i32
          %dma_start3A_66 = tpu.memref_slice %arg18[%mul3A_60, %dma_start3A] : memref<1280x128xf32, #tpu.memory_space<vmem_shared>> -> memref<40x128xf32, #tpu.memory_space<vmem_shared>>
          %dma_start3A_67 = arith.constant 0 : i32
          %dma_start3A_68 = tpu.memref_slice %arg18[%mul3A_60, %dma_start3A_67] : memref<1280x128xf32, #tpu.memory_space<vmem_shared>> -> memref<40x128xf32, #tpu.memory_space<vmem_shared>>
          tpu.enqueue_dma source(%dma_start3A_68 : memref<40x128xf32, #tpu.memory_space<vmem_shared>>) target(%arg13 : memref<40x128xf32, #tpu.memory_space<vmem>>) target_semaphore(%run_scoped3A : memref<!tpu.dma_semaphore, #tpu.memory_space<semaphore_mem>>)
          %dma_wait3A = arith.constant 0 : i32
          %dma_wait3A_69 = tpu.memref_slice %arg18[%mul3A_60, %dma_wait3A] : memref<1280x128xf32, #tpu.memory_space<vmem_shared>> -> memref<40x128xf32, #tpu.memory_space<vmem_shared>>
          %dma_wait3A_70 = arith.constant 0 : i32
          %dma_wait3A_71 = tpu.memref_slice %arg18[%mul3A_60, %dma_wait3A_70] : memref<1280x128xf32, #tpu.memory_space<vmem_shared>> -> memref<40x128xf32, #tpu.memory_space<vmem_shared>>
          tpu.wait_dma2 semaphore(%run_scoped3A : memref<!tpu.dma_semaphore, #tpu.memory_space<semaphore_mem>>) src(%dma_wait3A_71 : memref<40x128xf32, #tpu.memory_space<vmem_shared>>) dst(%arg13 : memref<40x128xf32, #tpu.memory_space<vmem>>)
          tpu.yield
        }) : () -> ()
        %mul3A_61 = arith.constant 1280 : i32
        %mul3A_62 = arith.muli %arg0, %mul3A_61 : i32
        %mul3A_63 = arith.constant 40 : i32
        %mul3A_64 = arith.muli %add3A_51, %mul3A_63 : i32
        %add3A_65 = arith.addi %mul3A_62, %mul3A_64 : i32
        "tpu.region"() ({
          %run_scoped3A = tpu.sem_alloc : memref<!tpu.dma_semaphore, #tpu.memory_space<semaphore_mem>>
          %dma_start3A = arith.constant 0 : i32
          %dma_start3A_66 = tpu.memref_slice %arg7[%add3A_65, %dma_start3A] : memref<2560x128xf32, #tpu.memory_space<hbm>> -> memref<40x128xf32, #tpu.memory_space<hbm>>
          %dma_start3A_67 = arith.constant 0 : i32
          %dma_start3A_68 = tpu.memref_slice %arg7[%add3A_65, %dma_start3A_67] : memref<2560x128xf32, #tpu.memory_space<hbm>> -> memref<40x128xf32, #tpu.memory_space<hbm>>
          tpu.enqueue_dma source(%arg13 : memref<40x128xf32, #tpu.memory_space<vmem>>) target(%dma_start3A_68 : memref<40x128xf32, #tpu.memory_space<hbm>>) target_semaphore(%run_scoped3A : memref<!tpu.dma_semaphore, #tpu.memory_space<semaphore_mem>>)
          %dma_wait3A = arith.constant 0 : i32
          %dma_wait3A_69 = tpu.memref_slice %arg7[%add3A_65, %dma_wait3A] : memref<2560x128xf32, #tpu.memory_space<hbm>> -> memref<40x128xf32, #tpu.memory_space<hbm>>
          %dma_wait3A_70 = arith.constant 0 : i32
          %dma_wait3A_71 = tpu.memref_slice %arg7[%add3A_65, %dma_wait3A_70] : memref<2560x128xf32, #tpu.memory_space<hbm>> -> memref<40x128xf32, #tpu.memory_space<hbm>>
          tpu.wait_dma2 semaphore(%run_scoped3A : memref<!tpu.dma_semaphore, #tpu.memory_space<semaphore_mem>>) src(%arg13 : memref<40x128xf32, #tpu.memory_space<vmem>>) dst(%dma_wait3A_71 : memref<40x128xf32, #tpu.memory_space<hbm>>)
          tpu.yield
        }) : () -> ()
      } else {
      }
    }
    %scan3A_47 = arith.constant 16 : i32
    return
  }
}

module attributes {stable_mosaic.version = 14 : i64} {
  func.func @_proj_body(%arg0: i32, %arg1: memref<1000x128xf32, #tpu.memory_space<vmem>>, %arg2: memref<128x128xf32, #tpu.memory_space<vmem>>, %arg3: memref<128x256xf32, #tpu.memory_space<vmem>>, %arg4: memref<128x128xf32, #tpu.memory_space<vmem>>, %arg5: memref<1x128xf32, #tpu.memory_space<vmem>>, %arg6: memref<1x256xf32, #tpu.memory_space<vmem>>, %arg7: memref<1x128xf32, #tpu.memory_space<vmem>>, %arg8: memref<1000x128xf32, #tpu.memory_space<vmem>>, %arg9: memref<1000x256xf32, #tpu.memory_space<vmem>>, %arg10: memref<1000x128xf32, #tpu.memory_space<vmem>>) attributes {dimension_semantics = [#tpu.dimension_semantics<arbitrary>], iteration_bounds = array<i64: 10>, scalar_prefetch = 0 : i64, scratch_operands = 0 : i64, tpu.core_type = #tpu.core_type<tc>, window_params = [{transform_indices = @transform_0, window_bounds = array<i64: 1000, 128>}, {pipeline_mode = #tpu.pipeline_mode<synchronous>, transform_indices = @transform_1, window_bounds = array<i64: 128, 128>}, {pipeline_mode = #tpu.pipeline_mode<synchronous>, transform_indices = @transform_2, window_bounds = array<i64: 128, 256>}, {pipeline_mode = #tpu.pipeline_mode<synchronous>, transform_indices = @transform_3, window_bounds = array<i64: 128, 128>}, {pipeline_mode = #tpu.pipeline_mode<synchronous>, transform_indices = @transform_4, window_bounds = array<i64: 1, 128>}, {pipeline_mode = #tpu.pipeline_mode<synchronous>, transform_indices = @transform_5, window_bounds = array<i64: 1, 256>}, {pipeline_mode = #tpu.pipeline_mode<synchronous>, transform_indices = @transform_6, window_bounds = array<i64: 1, 128>}, {transform_indices = @transform_7, window_bounds = array<i64: 1000, 128>}, {transform_indices = @transform_8, window_bounds = array<i64: 1000, 256>}, {transform_indices = @transform_9, window_bounds = array<i64: 1000, 128>}]} {
    %get3A = arith.constant 0 : index
    %get3A_0 = arith.constant 0 : index
    %get3A_1 = vector.load %arg1[%get3A, %get3A_0] : memref<1000x128xf32, #tpu.memory_space<vmem>>, vector<1000x128xf32>
    %get3A_2 = arith.constant 0 : index
    %get3A_3 = arith.constant 0 : index
    %get3A_4 = vector.load %arg2[%get3A_2, %get3A_3] : memref<128x128xf32, #tpu.memory_space<vmem>>, vector<128x128xf32>
    %dot_general3A = arith.constant dense<0.000000e+00> : vector<1000x128xf32>
    %dot_general3A_5 = tpu.matmul %get3A_1, %get3A_4, %dot_general3A {dimension_numbers = #tpu.dot_dimension_numbers<[1], [0], [0], [1], [0, 0, 1, 1], [], []>, transpose_lhs_hint = false} : vector<1000x128xf32>, vector<128x128xf32>, vector<1000x128xf32> -> vector<1000x128xf32>
    %get3A_6 = arith.constant 0 : index
    %get3A_7 = arith.constant 0 : index
    %get3A_8 = vector.load %arg5[%get3A_6, %get3A_7] : memref<1x128xf32, #tpu.memory_space<vmem>>, vector<1x128xf32>
    %add3A = vector.broadcast %get3A_8 : vector<1x128xf32> to vector<1000x128xf32>
    %add3A_9 = arith.addf %dot_general3A_5, %add3A : vector<1000x128xf32>
    %swap3A = arith.constant 0 : index
    %swap3A_10 = arith.constant 0 : index
    %swap3A_11 = vector.load %arg8[%swap3A, %swap3A_10] : memref<1000x128xf32, #tpu.memory_space<vmem>>, vector<1000x128xf32>
    tpu.vector_store %arg8[%swap3A, %swap3A_10], %add3A_9 {strides = array<i32>} : memref<1000x128xf32, #tpu.memory_space<vmem>>, vector<1000x128xf32>,
    %get3A_12 = arith.constant 0 : index
    %get3A_13 = arith.constant 0 : index
    %get3A_14 = vector.load %arg3[%get3A_12, %get3A_13] : memref<128x256xf32, #tpu.memory_space<vmem>>, vector<128x256xf32>
    %dot_general3A_15 = arith.constant dense<0.000000e+00> : vector<1000x256xf32>
    %dot_general3A_16 = tpu.matmul %get3A_1, %get3A_14, %dot_general3A_15 {dimension_numbers = #tpu.dot_dimension_numbers<[1], [0], [0], [1], [0, 0, 1, 1], [], []>, transpose_lhs_hint = false} : vector<1000x128xf32>, vector<128x256xf32>, vector<1000x256xf32> -> vector<1000x256xf32>
    %get3A_17 = arith.constant 0 : index
    %get3A_18 = arith.constant 0 : index
    %get3A_19 = vector.load %arg6[%get3A_17, %get3A_18] : memref<1x256xf32, #tpu.memory_space<vmem>>, vector<1x256xf32>
    %add3A_20 = vector.broadcast %get3A_19 : vector<1x256xf32> to vector<1000x256xf32>
    %add3A_21 = arith.addf %dot_general3A_16, %add3A_20 : vector<1000x256xf32>
    %swap3A_22 = arith.constant 0 : index
    %swap3A_23 = arith.constant 0 : index
    %swap3A_24 = vector.load %arg9[%swap3A_22, %swap3A_23] : memref<1000x256xf32, #tpu.memory_space<vmem>>, vector<1000x256xf32>
    tpu.vector_store %arg9[%swap3A_22, %swap3A_23], %add3A_21 {strides = array<i32>} : memref<1000x256xf32, #tpu.memory_space<vmem>>, vector<1000x256xf32>,
    %get3A_25 = arith.constant 0 : index
    %get3A_26 = arith.constant 0 : index
    %get3A_27 = vector.load %arg4[%get3A_25, %get3A_26] : memref<128x128xf32, #tpu.memory_space<vmem>>, vector<128x128xf32>
    %dot_general3A_28 = arith.constant dense<0.000000e+00> : vector<1000x128xf32>
    %dot_general3A_29 = tpu.matmul %get3A_1, %get3A_27, %dot_general3A_28 {dimension_numbers = #tpu.dot_dimension_numbers<[1], [0], [0], [1], [0, 0, 1, 1], [], []>, transpose_lhs_hint = false} : vector<1000x128xf32>, vector<128x128xf32>, vector<1000x128xf32> -> vector<1000x128xf32>
    %get3A_30 = arith.constant 0 : index
    %get3A_31 = arith.constant 0 : index
    %get3A_32 = vector.load %arg7[%get3A_30, %get3A_31] : memref<1x128xf32, #tpu.memory_space<vmem>>, vector<1x128xf32>
    %add3A_33 = vector.broadcast %get3A_32 : vector<1x128xf32> to vector<1000x128xf32>
    %add3A_34 = arith.addf %dot_general3A_29, %add3A_33 : vector<1000x128xf32>
    %swap3A_35 = arith.constant 0 : index
    %swap3A_36 = arith.constant 0 : index
    %swap3A_37 = vector.load %arg10[%swap3A_35, %swap3A_36] : memref<1000x128xf32, #tpu.memory_space<vmem>>, vector<1000x128xf32>
    tpu.vector_store %arg10[%swap3A_35, %swap3A_36], %add3A_34 {strides = array<i32>} : memref<1000x128xf32, #tpu.memory_space<vmem>>, vector<1000x128xf32>,
    return
  }
  func.func @transform_0(%arg0: i32) -> (i32, i32) {
    %c0_i32 = arith.constant 0 : i32
    %c0_i32_0 = arith.constant 0 : i32
    return %arg0, %c0_i32 : i32, i32
  }
  func.func @transform_1(%arg0: i32) -> (i32, i32) {
    %c0_i32 = arith.constant 0 : i32
    %c0_i32_0 = arith.constant 0 : i32
    %c0_i32_1 = arith.constant 0 : i32
    return %c0_i32, %c0_i32_0 : i32, i32
  }
  func.func @transform_2(%arg0: i32) -> (i32, i32) {
    %c0_i32 = arith.constant 0 : i32
    %c0_i32_0 = arith.constant 0 : i32
    %c0_i32_1 = arith.constant 0 : i32
    return %c0_i32, %c0_i32_0 : i32, i32
  }
  func.func @transform_3(%arg0: i32) -> (i32, i32) {
    %c0_i32 = arith.constant 0 : i32
    %c0_i32_0 = arith.constant 0 : i32
    %c0_i32_1 = arith.constant 0 : i32
    return %c0_i32, %c0_i32_0 : i32, i32
  }
  func.func @transform_4(%arg0: i32) -> (i32, i32) {
    %c0_i32 = arith.constant 0 : i32
    %c0_i32_0 = arith.constant 0 : i32
    %c0_i32_1 = arith.constant 0 : i32
    return %c0_i32, %c0_i32_0 : i32, i32
  }
  func.func @transform_5(%arg0: i32) -> (i32, i32) {
    %c0_i32 = arith.constant 0 : i32
    %c0_i32_0 = arith.constant 0 : i32
    %c0_i32_1 = arith.constant 0 : i32
    return %c0_i32, %c0_i32_0 : i32, i32
  }
  func.func @transform_6(%arg0: i32) -> (i32, i32) {
    %c0_i32 = arith.constant 0 : i32
    %c0_i32_0 = arith.constant 0 : i32
    %c0_i32_1 = arith.constant 0 : i32
    return %c0_i32, %c0_i32_0 : i32, i32
  }
  func.func @transform_7(%arg0: i32) -> (i32, i32) {
    %c0_i32 = arith.constant 0 : i32
    %c0_i32_0 = arith.constant 0 : i32
    return %arg0, %c0_i32 : i32, i32
  }
  func.func @transform_8(%arg0: i32) -> (i32, i32) {
    %c0_i32 = arith.constant 0 : i32
    %c0_i32_0 = arith.constant 0 : i32
    return %arg0, %c0_i32 : i32, i32
  }
  func.func @transform_9(%arg0: i32) -> (i32, i32) {
    %c0_i32 = arith.constant 0 : i32
    %c0_i32_0 = arith.constant 0 : i32
    return %arg0, %c0_i32 : i32, i32
  }
}

module attributes {stable_mosaic.version = 14 : i64} {
  func.func @_post_body(%arg0: i32, %arg1: memref<1000x128xf32, #tpu.memory_space<vmem>>, %arg2: memref<1000x128xf32, #tpu.memory_space<vmem>>, %arg3: memref<2x1000x128xf32, #tpu.memory_space<vmem>>, %arg4: memref<2x1000x16xf32, #tpu.memory_space<vmem>>, %arg5: memref<16x128xf32, #tpu.memory_space<vmem>>, %arg6: memref<128x512xf32, #tpu.memory_space<vmem>>, %arg7: memref<1x512xf32, #tpu.memory_space<vmem>>, %arg8: memref<512x128xf32, #tpu.memory_space<vmem>>, %arg9: memref<1x128xf32, #tpu.memory_space<vmem>>, %arg10: memref<1x128xf32, #tpu.memory_space<vmem>>, %arg11: memref<1x128xf32, #tpu.memory_space<vmem>>, %arg12: memref<1x128xf32, #tpu.memory_space<vmem>>, %arg13: memref<1x128xf32, #tpu.memory_space<vmem>>, %arg14: memref<1000x128xf32, #tpu.memory_space<vmem>>) attributes {dimension_semantics = [#tpu.dimension_semantics<arbitrary>], iteration_bounds = array<i64: 10>, scalar_prefetch = 0 : i64, scratch_operands = 0 : i64, tpu.core_type = #tpu.core_type<tc>, window_params = [{transform_indices = @transform_0, window_bounds = array<i64: 1000, 128>}, {transform_indices = @transform_1, window_bounds = array<i64: 1000, 128>}, {transform_indices = @transform_2, window_bounds = array<i64: 2, 1000, 128>}, {transform_indices = @transform_3, window_bounds = array<i64: 2, 1000, 16>}, {pipeline_mode = #tpu.pipeline_mode<synchronous>, transform_indices = @transform_4, window_bounds = array<i64: 16, 128>}, {pipeline_mode = #tpu.pipeline_mode<synchronous>, transform_indices = @transform_5, window_bounds = array<i64: 128, 512>}, {pipeline_mode = #tpu.pipeline_mode<synchronous>, transform_indices = @transform_6, window_bounds = array<i64: 1, 512>}, {pipeline_mode = #tpu.pipeline_mode<synchronous>, transform_indices = @transform_7, window_bounds = array<i64: 512, 128>}, {pipeline_mode = #tpu.pipeline_mode<synchronous>, transform_indices = @transform_8, window_bounds = array<i64: 1, 128>}, {pipeline_mode = #tpu.pipeline_mode<synchronous>, transform_indices = @transform_9, window_bounds = array<i64: 1, 128>}, {pipeline_mode = #tpu.pipeline_mode<synchronous>, transform_indices = @transform_10, window_bounds = array<i64: 1, 128>}, {pipeline_mode = #tpu.pipeline_mode<synchronous>, transform_indices = @transform_11, window_bounds = array<i64: 1, 128>}, {pipeline_mode = #tpu.pipeline_mode<synchronous>, transform_indices = @transform_12, window_bounds = array<i64: 1, 128>}, {transform_indices = @transform_13, window_bounds = array<i64: 1000, 128>}]} {
    %get3A = arith.constant 0 : index
    %get3A_0 = arith.constant 0 : index
    %get3A_1 = arith.constant 0 : index
    %get3A_2 = vector.load %arg3[%get3A, %get3A_0, %get3A_1] : memref<2x1000x128xf32, #tpu.memory_space<vmem>>, vector<1x1000x128xf32>
    %get3A_3 = vector.shape_cast %get3A_2 : vector<1x1000x128xf32> to vector<1000x128xf32>
    %get3A_4 = arith.constant 1 : index
    %get3A_5 = arith.constant 0 : index
    %get3A_6 = arith.constant 0 : index
    %get3A_7 = vector.load %arg3[%get3A_4, %get3A_5, %get3A_6] : memref<2x1000x128xf32, #tpu.memory_space<vmem>>, vector<1x1000x128xf32>
    %get3A_8 = vector.shape_cast %get3A_7 : vector<1x1000x128xf32> to vector<1000x128xf32>
    %add3A = arith.addf %get3A_3, %get3A_8 : vector<1000x128xf32>
    %get3A_9 = arith.constant 0 : index
    %get3A_10 = arith.constant 0 : index
    %get3A_11 = arith.constant 0 : index
    %get3A_12 = vector.load %arg4[%get3A_9, %get3A_10, %get3A_11] : memref<2x1000x16xf32, #tpu.memory_space<vmem>>, vector<1x1000x16xf32>
    %get3A_13 = vector.shape_cast %get3A_12 : vector<1x1000x16xf32> to vector<1000x16xf32>
    %get3A_14 = arith.constant 1 : index
    %get3A_15 = arith.constant 0 : index
    %get3A_16 = arith.constant 0 : index
    %get3A_17 = vector.load %arg4[%get3A_14, %get3A_15, %get3A_16] : memref<2x1000x16xf32, #tpu.memory_space<vmem>>, vector<1x1000x16xf32>
    %get3A_18 = vector.shape_cast %get3A_17 : vector<1x1000x16xf32> to vector<1000x16xf32>
    %add3A_19 = arith.addf %get3A_13, %get3A_18 : vector<1000x16xf32>
    %get3A_20 = arith.constant 0 : index
    %get3A_21 = arith.constant 0 : index
    %get3A_22 = vector.load %arg5[%get3A_20, %get3A_21] : memref<16x128xf32, #tpu.memory_space<vmem>>, vector<16x128xf32>
    %dot_general3A = arith.constant dense<0.000000e+00> : vector<1000x128xf32>
    %dot_general3A_23 = tpu.matmul %add3A_19, %get3A_22, %dot_general3A {dimension_numbers = #tpu.dot_dimension_numbers<[1], [0], [0], [1], [0, 0, 1, 1], [], []>, transpose_lhs_hint = false} : vector<1000x16xf32>, vector<16x128xf32>, vector<1000x128xf32> -> vector<1000x128xf32>
    %add3A_24 = arith.constant 1.000000e-16 : f32
    %add3A_25 = vector.broadcast %add3A_24 : f32 to vector<1000x128xf32>
    %add3A_26 = arith.addf %dot_general3A_23, %add3A_25 : vector<1000x128xf32>
    %div3A = arith.divf %add3A, %add3A_26 : vector<1000x128xf32>
    %get3A_27 = arith.constant 0 : index
    %get3A_28 = arith.constant 0 : index
    %get3A_29 = vector.load %arg1[%get3A_27, %get3A_28] : memref<1000x128xf32, #tpu.memory_space<vmem>>, vector<1000x128xf32>
    %add3A_30 = arith.addf %get3A_29, %div3A : vector<1000x128xf32>
    %get3A_31 = arith.constant 0 : index
    %get3A_32 = arith.constant 0 : index
    %get3A_33 = vector.load %arg2[%get3A_31, %get3A_32] : memref<1000x128xf32, #tpu.memory_space<vmem>>, vector<1000x128xf32>
    %add3A_34 = arith.addf %add3A_30, %get3A_33 : vector<1000x128xf32>
    %reduce_sum3A = arith.constant dense<0.000000e+00> : vector<1000xf32>
    %reduce_sum3A_35 = vector.multi_reduction <add>, %add3A_34, %reduce_sum3A [1] : vector<1000x128xf32> to vector<1000xf32>
    %broadcast_in_dim3A = vector.shape_cast %reduce_sum3A_35 : vector<1000xf32> to vector<1000x1xf32>
    %div3A_36 = arith.constant 1.280000e+02 : f32
    %div3A_37 = vector.broadcast %div3A_36 : f32 to vector<1000x1xf32>
    %div3A_38 = arith.divf %broadcast_in_dim3A, %div3A_37 : vector<1000x1xf32>
    %sub3A = vector.broadcast %div3A_38 : vector<1000x1xf32> to vector<1000x128xf32>
    %sub3A_39 = arith.subf %add3A_34, %sub3A : vector<1000x128xf32>
    %integer_pow3A = arith.mulf %sub3A_39, %sub3A_39 : vector<1000x128xf32>
    %reduce_sum3A_40 = arith.constant dense<0.000000e+00> : vector<1000xf32>
    %reduce_sum3A_41 = vector.multi_reduction <add>, %integer_pow3A, %reduce_sum3A_40 [1] : vector<1000x128xf32> to vector<1000xf32>
    %broadcast_in_dim3A_42 = vector.shape_cast %reduce_sum3A_41 : vector<1000xf32> to vector<1000x1xf32>
    %div3A_43 = arith.constant 1.280000e+02 : f32
    %div3A_44 = vector.broadcast %div3A_43 : f32 to vector<1000x1xf32>
    %div3A_45 = arith.divf %broadcast_in_dim3A_42, %div3A_44 : vector<1000x1xf32>
    %sub3A_46 = vector.broadcast %div3A_38 : vector<1000x1xf32> to vector<1000x128xf32>
    %sub3A_47 = arith.subf %add3A_34, %sub3A_46 : vector<1000x128xf32>
    %add3A_48 = arith.constant 9.99999974E-6 : f32
    %add3A_49 = vector.broadcast %add3A_48 : f32 to vector<1000x1xf32>
    %add3A_50 = arith.addf %div3A_45, %add3A_49 : vector<1000x1xf32>
    %sqrt3A = math.sqrt %add3A_50 : vector<1000x1xf32>
    %div3A_51 = vector.broadcast %sqrt3A : vector<1000x1xf32> to vector<1000x128xf32>
    %div3A_52 = arith.divf %sub3A_47, %div3A_51 : vector<1000x128xf32>
    %get3A_53 = arith.constant 0 : index
    %get3A_54 = arith.constant 0 : index
    %get3A_55 = vector.load %arg10[%get3A_53, %get3A_54] : memref<1x128xf32, #tpu.memory_space<vmem>>, vector<1x128xf32>
    %mul3A = vector.broadcast %get3A_55 : vector<1x128xf32> to vector<1000x128xf32>
    %mul3A_56 = arith.mulf %div3A_52, %mul3A : vector<1000x128xf32>
    %get3A_57 = arith.constant 0 : index
    %get3A_58 = arith.constant 0 : index
    %get3A_59 = vector.load %arg11[%get3A_57, %get3A_58] : memref<1x128xf32, #tpu.memory_space<vmem>>, vector<1x128xf32>
    %add3A_60 = vector.broadcast %get3A_59 : vector<1x128xf32> to vector<1000x128xf32>
    %add3A_61 = arith.addf %mul3A_56, %add3A_60 : vector<1000x128xf32>
    %get3A_62 = arith.constant 0 : index
    %get3A_63 = arith.constant 0 : index
    %get3A_64 = vector.load %arg6[%get3A_62, %get3A_63] : memref<128x512xf32, #tpu.memory_space<vmem>>, vector<128x512xf32>
    %dot_general3A_65 = arith.constant dense<0.000000e+00> : vector<1000x512xf32>
    %dot_general3A_66 = tpu.matmul %add3A_61, %get3A_64, %dot_general3A_65 {dimension_numbers = #tpu.dot_dimension_numbers<[1], [0], [0], [1], [0, 0, 1, 1], [], []>, transpose_lhs_hint = false} : vector<1000x128xf32>, vector<128x512xf32>, vector<1000x512xf32> -> vector<1000x512xf32>
    %get3A_67 = arith.constant 0 : index
    %get3A_68 = arith.constant 0 : index
    %get3A_69 = vector.load %arg7[%get3A_67, %get3A_68] : memref<1x512xf32, #tpu.memory_space<vmem>>, vector<1x512xf32>
    %add3A_70 = vector.broadcast %get3A_69 : vector<1x512xf32> to vector<1000x512xf32>
    %add3A_71 = arith.addf %dot_general3A_66, %add3A_70 : vector<1000x512xf32>
    %max3A = arith.constant 0.000000e+00 : f32
    %max3A_72 = vector.broadcast %max3A : f32 to vector<1000x512xf32>
    %max3A_73 = arith.maximumf %add3A_71, %max3A_72 : vector<1000x512xf32>
    %get3A_74 = arith.constant 0 : index
    %get3A_75 = arith.constant 0 : index
    %get3A_76 = vector.load %arg8[%get3A_74, %get3A_75] : memref<512x128xf32, #tpu.memory_space<vmem>>, vector<512x128xf32>
    %dot_general3A_77 = arith.constant dense<0.000000e+00> : vector<1000x128xf32>
    %dot_general3A_78 = tpu.matmul %max3A_73, %get3A_76, %dot_general3A_77 {dimension_numbers = #tpu.dot_dimension_numbers<[1], [0], [0], [1], [0, 0, 1, 1], [], []>, transpose_lhs_hint = false} : vector<1000x512xf32>, vector<512x128xf32>, vector<1000x128xf32> -> vector<1000x128xf32>
    %get3A_79 = arith.constant 0 : index
    %get3A_80 = arith.constant 0 : index
    %get3A_81 = vector.load %arg9[%get3A_79, %get3A_80] : memref<1x128xf32, #tpu.memory_space<vmem>>, vector<1x128xf32>
    %add3A_82 = vector.broadcast %get3A_81 : vector<1x128xf32> to vector<1000x128xf32>
    %add3A_83 = arith.addf %dot_general3A_78, %add3A_82 : vector<1000x128xf32>
    %add3A_84 = arith.addf %add3A_61, %add3A_83 : vector<1000x128xf32>
    %reduce_sum3A_85 = arith.constant dense<0.000000e+00> : vector<1000xf32>
    %reduce_sum3A_86 = vector.multi_reduction <add>, %add3A_84, %reduce_sum3A_85 [1] : vector<1000x128xf32> to vector<1000xf32>
    %broadcast_in_dim3A_87 = vector.shape_cast %reduce_sum3A_86 : vector<1000xf32> to vector<1000x1xf32>
    %div3A_88 = arith.constant 1.280000e+02 : f32
    %div3A_89 = vector.broadcast %div3A_88 : f32 to vector<1000x1xf32>
    %div3A_90 = arith.divf %broadcast_in_dim3A_87, %div3A_89 : vector<1000x1xf32>
    %sub3A_91 = vector.broadcast %div3A_90 : vector<1000x1xf32> to vector<1000x128xf32>
    %sub3A_92 = arith.subf %add3A_84, %sub3A_91 : vector<1000x128xf32>
    %integer_pow3A_93 = arith.mulf %sub3A_92, %sub3A_92 : vector<1000x128xf32>
    %reduce_sum3A_94 = arith.constant dense<0.000000e+00> : vector<1000xf32>
    %reduce_sum3A_95 = vector.multi_reduction <add>, %integer_pow3A_93, %reduce_sum3A_94 [1] : vector<1000x128xf32> to vector<1000xf32>
    %broadcast_in_dim3A_96 = vector.shape_cast %reduce_sum3A_95 : vector<1000xf32> to vector<1000x1xf32>
    %div3A_97 = arith.constant 1.280000e+02 : f32
    %div3A_98 = vector.broadcast %div3A_97 : f32 to vector<1000x1xf32>
    %div3A_99 = arith.divf %broadcast_in_dim3A_96, %div3A_98 : vector<1000x1xf32>
    %sub3A_100 = vector.broadcast %div3A_90 : vector<1000x1xf32> to vector<1000x128xf32>
    %sub3A_101 = arith.subf %add3A_84, %sub3A_100 : vector<1000x128xf32>
    %add3A_102 = arith.constant 9.99999974E-6 : f32
    %add3A_103 = vector.broadcast %add3A_102 : f32 to vector<1000x1xf32>
    %add3A_104 = arith.addf %div3A_99, %add3A_103 : vector<1000x1xf32>
    %sqrt3A_105 = math.sqrt %add3A_104 : vector<1000x1xf32>
    %div3A_106 = vector.broadcast %sqrt3A_105 : vector<1000x1xf32> to vector<1000x128xf32>
    %div3A_107 = arith.divf %sub3A_101, %div3A_106 : vector<1000x128xf32>
    %get3A_108 = arith.constant 0 : index
    %get3A_109 = arith.constant 0 : index
    %get3A_110 = vector.load %arg12[%get3A_108, %get3A_109] : memref<1x128xf32, #tpu.memory_space<vmem>>, vector<1x128xf32>
    %mul3A_111 = vector.broadcast %get3A_110 : vector<1x128xf32> to vector<1000x128xf32>
    %mul3A_112 = arith.mulf %div3A_107, %mul3A_111 : vector<1000x128xf32>
    %get3A_113 = arith.constant 0 : index
    %get3A_114 = arith.constant 0 : index
    %get3A_115 = vector.load %arg13[%get3A_113, %get3A_114] : memref<1x128xf32, #tpu.memory_space<vmem>>, vector<1x128xf32>
    %add3A_116 = vector.broadcast %get3A_115 : vector<1x128xf32> to vector<1000x128xf32>
    %add3A_117 = arith.addf %mul3A_112, %add3A_116 : vector<1000x128xf32>
    %swap3A = arith.constant 0 : index
    %swap3A_118 = arith.constant 0 : index
    %swap3A_119 = vector.load %arg14[%swap3A, %swap3A_118] : memref<1000x128xf32, #tpu.memory_space<vmem>>, vector<1000x128xf32>
    tpu.vector_store %arg14[%swap3A, %swap3A_118], %add3A_117 {strides = array<i32>} : memref<1000x128xf32, #tpu.memory_space<vmem>>, vector<1000x128xf32>,
    return
  }
  func.func @transform_0(%arg0: i32) -> (i32, i32) {
    %c0_i32 = arith.constant 0 : i32
    %c0_i32_0 = arith.constant 0 : i32
    return %arg0, %c0_i32 : i32, i32
  }
  func.func @transform_1(%arg0: i32) -> (i32, i32) {
    %c0_i32 = arith.constant 0 : i32
    %c0_i32_0 = arith.constant 0 : i32
    return %arg0, %c0_i32 : i32, i32
  }
  func.func @transform_2(%arg0: i32) -> (i32, i32, i32) {
    %c0_i32 = arith.constant 0 : i32
    %c0_i32_0 = arith.constant 0 : i32
    %c0_i32_1 = arith.constant 0 : i32
    return %c0_i32, %arg0, %c0_i32_0 : i32, i32, i32
  }
  func.func @transform_3(%arg0: i32) -> (i32, i32, i32) {
    %c0_i32 = arith.constant 0 : i32
    %c0_i32_0 = arith.constant 0 : i32
    %c0_i32_1 = arith.constant 0 : i32
    return %c0_i32, %arg0, %c0_i32_0 : i32, i32, i32
  }
  func.func @transform_4(%arg0: i32) -> (i32, i32) {
    %c0_i32 = arith.constant 0 : i32
    %c0_i32_0 = arith.constant 0 : i32
    %c0_i32_1 = arith.constant 0 : i32
    return %c0_i32, %c0_i32_0 : i32, i32
  }
  func.func @transform_5(%arg0: i32) -> (i32, i32) {
    %c0_i32 = arith.constant 0 : i32
    %c0_i32_0 = arith.constant 0 : i32
    %c0_i32_1 = arith.constant 0 : i32
    return %c0_i32, %c0_i32_0 : i32, i32
  }
  func.func @transform_6(%arg0: i32) -> (i32, i32) {
    %c0_i32 = arith.constant 0 : i32
    %c0_i32_0 = arith.constant 0 : i32
    %c0_i32_1 = arith.constant 0 : i32
    return %c0_i32, %c0_i32_0 : i32, i32
  }
  func.func @transform_7(%arg0: i32) -> (i32, i32) {
    %c0_i32 = arith.constant 0 : i32
    %c0_i32_0 = arith.constant 0 : i32
    %c0_i32_1 = arith.constant 0 : i32
    return %c0_i32, %c0_i32_0 : i32, i32
  }
  func.func @transform_8(%arg0: i32) -> (i32, i32) {
    %c0_i32 = arith.constant 0 : i32
    %c0_i32_0 = arith.constant 0 : i32
    %c0_i32_1 = arith.constant 0 : i32
    return %c0_i32, %c0_i32_0 : i32, i32
  }
  func.func @transform_9(%arg0: i32) -> (i32, i32) {
    %c0_i32 = arith.constant 0 : i32
    %c0_i32_0 = arith.constant 0 : i32
    %c0_i32_1 = arith.constant 0 : i32
    return %c0_i32, %c0_i32_0 : i32, i32
  }
  func.func @transform_10(%arg0: i32) -> (i32, i32) {
    %c0_i32 = arith.constant 0 : i32
    %c0_i32_0 = arith.constant 0 : i32
    %c0_i32_1 = arith.constant 0 : i32
    return %c0_i32, %c0_i32_0 : i32, i32
  }
  func.func @transform_11(%arg0: i32) -> (i32, i32) {
    %c0_i32 = arith.constant 0 : i32
    %c0_i32_0 = arith.constant 0 : i32
    %c0_i32_1 = arith.constant 0 : i32
    return %c0_i32, %c0_i32_0 : i32, i32
  }
  func.func @transform_12(%arg0: i32) -> (i32, i32) {
    %c0_i32 = arith.constant 0 : i32
    %c0_i32_0 = arith.constant 0 : i32
    %c0_i32_1 = arith.constant 0 : i32
    return %c0_i32, %c0_i32_0 : i32, i32
  }
  func.func @transform_13(%arg0: i32) -> (i32, i32) {
    %c0_i32 = arith.constant 0 : i32
    %c0_i32_0 = arith.constant 0 : i32
    return %arg0, %c0_i32 : i32, i32
  }
}

</mosaic_0001>

<sc_bundles>
// kernel: kernel.5.cloned.1.call-start
scs
__scs_entry_jumppad:
0x0: {  	(pc) =	sbr.rel $0x88, $3  }
0x1: {  	(tag) =	ssettag $0x0;
	lr =	simm.s32 $0x1  }
0x2: {  	[smem:$0x3F8F] =	sst lr;
	_ =	strace $0xD0000000  }
0x3: {  	_ = 	snop  }
0x4: {  	_ = 	snop  }
0x5: {  	_ = 	snop  }
0x6: {  	_ = 	snop  }
0x7: {  	_ = 	snop  }
__scs_overlays_trampoline_lowered:
0x8: {  	[smem:$0x3F9E] =	sst s0  }
0x9: {  	[smem:$0x3F9F] =	sst s1  }
0xa: {  	[smem:$0x3FA0] =	sst s2  }
0xb: {  	[smem:$0x3FA1] =	sst s3  }
0xc: {  	[smem:$0x3FA2] =	sst s4  }
0xd: {  	[smem:$0x3FA3] =	sst s5  }
0xe: {  	[smem:$0x3FA4] =	sst s6  }
0xf: {  	[smem:$0x3FA5] =	sst s7  }
0x10: {  	[smem:$0x3FA6] =	sst s8  }
0x11: {  	[smem:$0x3FA7] =	sst s9;
	s0 =	simm.s32 @!p0 $0x0  }
0x12: {  	s1 =	sld [smem:$0x3F8D];
	s0 =	simm.s32 @p0 $0x1  }
0x13: {  	[smem:$0x3FA8] =	sst s0;
	s0 =	simm.s32 @!p1 $0x0  }
0x14: {  	s2 =	sld [smem:$0x3F8C];
	s0 =	simm.s32 @p1 $0x1  }
0x15: {  	[smem:$0x3FA9] =	sst s0;
	s0 =	simm.s32 @!p2 $0x0  }
0x16: {  	s3 =	sld [smem:$0x3FDB];
	s0 =	simm.s32 @p2 $0x1  }
0x17: {  	s4 =	simm.s32 $0x1BF5;
	[smem:$0x3FAB] =	sst s0  }
0x18: {  	s0 =	sld [smem:$0x3F8E];
	_ =	swait.ge [sflag:s4], $0x0  }
0x19: {  	s7 =	sld [smem:$0x3F8F]  }
0x1a: {  	s8 =	sadd.s32 $0xFFFFE003, lr  }
0x1b: {  	s9 =	sadd.s32 $0xFFFFFEF7, lr;
	s5 =	simm.s32 $0xFFFFFFFF;
	p2 =	slt.u32 s8, $0xFFFFF086  }
0x1c: {  	p1 =	slt.u32 s9, $0xF7A;
	s5 =	simm.s32 @!p2 $0x0  }
0x1d: {  	s5 =	simm.s32 @p1 $0x1;
	p0 =	seq.s32 s7, s2  }
0x1e: {  	s7 =	smul.u32 @!p0 $0xF7A, s2;
	p2 =	seq.s32 @!p0 s5, $0x0  }
0x1f: {  	s9 =	smul.u32 $0xF7A, s1;
	s8 =	simm.s32 @!p0 $0x1BF5;
	p2 =	por !p2, p0  }
0x20: {  	[sflag:s8] =	ssyncset.s32 @!p0 $0xFFFFF086;
	s6 =	sadd.s32 @!p0 s3, s7;
	s7 =	simm.s32 @!p0 $0x108  }
0x21: {  	s3 =	sadd.s32 s3, s9;
	s6 =	sadd.s32 @!p0 $0x88, s6;
	s7 =	simm.s32 @p2 $0x1082  }
0x22: {  	[simem:s7], [sflag:s8] =	dma.local @!p0 [hbm:s6], $0xF7A  }
0x23: {  	s9 =	sor.u32 $0xD0000000, s2;
	s6 =	simm.s32 $0x108;
	_ =	swait.ge @!p0 [sflag:s8], $0x0  }
0x24: {  	s3 =	sadd.s32 $0x88, s3;
	s6 =	simm.s32 @!p1 $0x1082;
	[sflag:s4] =	ssyncset.s32 $0xFFFFF086  }
0x25: {  	[simem:s6], [sflag:s4] =	dma.local [hbm:s3], $0xF7A  }
0x26: {  	[smem:$0x3F8F] =	sst s1;
	(tag) =	ssettag s2;
	_ =	strace s9  }
0x27: {  	s1 =	sld [smem:$0x3F9F]  }
0x28: {  	s2 =	sld [smem:$0x3FA0]  }
0x29: {  	s4 =	sld [smem:$0x3FA2]  }
0x2a: {  	p0 =	seq.s32 s5, $0x0;
	s5 =	sld [smem:$0x3FA3]  }
0x2b: {  	s6 =	sld [smem:$0x3FA4]  }
0x2c: {  	s7 =	sld [smem:$0x3FA5]  }
0x2d: {  	s3 =	simm.s32 $0x108;
	s8 =	sld [smem:$0x3FA6]  }
0x2e: {  	s3 =	simm.s32 @!p0 $0x1082;
	s9 =	sld [smem:$0x3FA7]  }
0x2f: {  	lr =	sadd.s32 s0, s3;
	s0 =	sld [smem:$0x3F9E]  }
0x30: {  	s3 =	sld [smem:$0x3FA1]  }
0x31: {  	[smem:$0x3FAA] =	sst s10  }
0x32: {  	s10 =	sld [smem:$0x3FA8];
	_ =	sdelay $0x3  }
0x33: {  	p0 =	seq.s32 s10, $0x1;
	s10 =	sld [smem:$0x3FAA];
	_ =	sdelay $0x3  }
0x34: {  	[smem:$0x3FAA] =	sst s10  }
0x35: {  	s10 =	sld [smem:$0x3FA9];
	_ =	sdelay $0x3  }
0x36: {  	p1 =	seq.s32 s10, $0x1;
	s10 =	sld [smem:$0x3FAA];
	_ =	sdelay $0x3  }
0x37: {  	[smem:$0x3FAA] =	sst s10  }
0x38: {  	s10 =	sld [smem:$0x3FAB]  }
0x39: {  	_ = 	snop;
	(pc) =	sbr.ind lr, $3  }
0x3a: {  	_ = 	snop  }
0x3b: {  	_ = 	snop  }
0x3c: {  	p2 =	seq.s32 s10, $0x1;
	s10 =	sld [smem:$0x3FAA]  }
0x3d: {  	_ =	shalt  }
0x3e: {  	_ =	shalt  }
0x3f: {  	_ =	shalt  }
0x40: {  	_ =	shalt  }
0x41: {  	_ =	shalt  }
0x42: {  	_ =	shalt  }
0x43: {  	_ =	shalt  }
0x44: {  	_ =	shalt  }
0x45: {  	_ =	shalt  }
0x46: {  	_ =	shalt  }
0x47: {  	_ =	shalt  }
0x48: {  	_ =	shalt  }
0x49: {  	_ =	shalt  }
0x4a: {  	_ =	shalt  }
0x4b: {  	_ =	shalt  }
0x4c: {  	_ =	shalt  }
0x4d: {  	_ =	shalt  }
0x4e: {  	_ =	shalt  }
0x4f: {  	_ =	shalt  }
0x50: {  	_ =	shalt  }
0x51: {  	_ =	shalt  }
0x52: {  	_ =	shalt  }
0x53: {  	_ =	shalt  }
0x54: {  	_ =	shalt  }
0x55: {  	_ =	shalt  }
0x56: {  	_ =	shalt  }
0x57: {  	_ =	shalt  }
0x58: {  	_ =	shalt  }
0x59: {  	_ =	shalt  }
0x5a: {  	_ =	shalt  }
0x5b: {  	_ =	shalt  }
0x5c: {  	_ =	shalt  }
0x5d: {  	_ =	shalt  }
0x5e: {  	_ =	shalt  }
0x5f: {  	_ =	shalt  }
0x60: {  	_ =	shalt  }
0x61: {  	_ =	shalt  }
0x62: {  	_ =	shalt  }
0x63: {  	_ =	shalt  }
0x64: {  	_ =	shalt  }
0x65: {  	_ =	shalt  }
0x66: {  	_ =	shalt  }
0x67: {  	_ =	shalt  }
0x68: {  	_ =	shalt  }
0x69: {  	_ =	shalt  }
0x6a: {  	_ =	shalt  }
0x6b: {  	_ =	shalt  }
0x6c: {  	_ =	shalt  }
0x6d: {  	_ =	shalt  }
0x6e: {  	_ =	shalt  }
0x6f: {  	_ =	shalt  }
0x70: {  	_ =	shalt  }
0x71: {  	_ =	shalt  }
0x72: {  	_ =	shalt  }
0x73: {  	_ =	shalt  }
0x74: {  	_ =	shalt  }
0x75: {  	_ =	shalt  }
0x76: {  	_ =	shalt  }
0x77: {  	_ =	shalt  }
0x78: {  	_ =	shalt  }
0x79: {  	_ =	shalt  }
0x7a: {  	_ =	shalt  }
0x7b: {  	_ =	shalt  }
0x7c: {  	_ =	shalt  }
0x7d: {  	_ =	shalt  }
0x7e: {  	_ =	shalt  }
0x7f: {  	_ =	shalt  }
0x80: {  	_ =	shalt  }
0x81: {  	_ =	shalt  }
0x82: {  	_ =	shalt  }
0x83: {  	_ =	shalt  }
0x84: {  	_ =	shalt  }
0x85: {  	_ =	shalt  }
0x86: {  	_ =	shalt  }
0x87: {  	_ =	shalt  }
.Lfunc_end0:
.L_simem_size_0:
called_computation_lowered:
.L_overlay_start_0:
0x88: {  	s2 =	sld [smem:$0x3FD9]  }
0x89: {  	s3 =	sld [smem:$0x3FFE];
	_ =	sdelay $0x1  }
0x8a: {  	s1 =	srdreg.scid  }
0x8b: {  	s0 =	sand.u32 $0x1, s1  }
0x8c: {  	s17 =	sshll.u32 s0, $0xA;
	s2 =	sadd.s32 s3, s2  }
0x8d: {  	s2 =	sadd.s32 s2, s17  }
0x8e: {  	[smem:$0x3FB6] =	sst s2  }
0x8f: {  	_ = 	snop  }
0x90: {  	s2 =	sld [smem:$0x3FD0];
	(tm) =	ssettm $0x1  }
0x91: {  	s18 =	sld [smem:$0x3FFB];
	_ =	sdelay $0x3  }
0x92: {  	_ =	strace s18  }
0x93: {  	s3 =	sld [smem:$0x3FFC];
	_ =	sdelay $0x3  }
0x94: {  	_ =	strace s3  }
0x95: {  	s3 =	sld [smem:$0x3FFD];
	_ =	sdelay $0x3  }
0x96: {  	_ =	strace s3  }
0x97: {  	_ =	strace $0x8FFFFFFF  }
0x98: {  	s19 =	sld [smem:$0x3FDB];
	_ =	sdelay $0x1  }
0x99: {  	s4 =	simm.s32 $_scs_section_size  }
0x9a: {  	s5 =	simm.s32 $_size__tile_overlayer_lowered;
	s6 =	simm.s32 $_tile_overlayer_lowered  }
0x9b: {  	s22 =	simm.s32 $0x1BFF;
	s21 =	sshll.u32 s6, $0x1;
	s3 =	sadd.s32 s4, s19  }
0x9c: {  	s7 =	simm.s32 $0x0;
	s20 =	sshll.u32 s5, $0x1;
	s5 =	sadd.s32 s21, s3  }
0x9d: {  	[timem:s7], [sflag:s22] =	dma.local [hbm:s5], s20  }
0x9e: {  	_ =	swait.ge [sflag:s22], s20  }
0x9f: {  	s4 =	ssub.s32 $0x0, s20;
	[sflag:s22] =	ssyncset.done $0x0  }
0xa0: {  	[sflag:s22] =	ssyncadd.s32 s4;
	_ =	sdelay $0x1  }
0xa1: {  	s23 =	simm.s32 $0x1B8B  }
0xa2: {  	_ =	swait.ge [sflag:s23], $0x1  }
0xa3: {  	[sflag:s23] =	ssyncset.done $0x0  }
0xa4: {  	s25 =	simm.s32 $0x1B8E;
	s24 =	sld [smem:$0x3FFE];
	[sflag:s23] =	ssyncadd.s32 $0xFFFFFFFF  }
0xa5: {  	s26 =	simm.s32 $execute0_lowered;
	[smem:$0x3FD2] =	sst s25  }
0xa6: {  	s5 =	sshll.u32 s26, $0x1;
	_ =	strace $0x80000046;
	[dreg:$0x1] =	wrdreg $0xFFFFFFFF  }
0xa7: {  	s28 =	simm.s32 $_size_execute0_lowered;
	s3 =	sadd.s32 s3, s5;
	[dreg:$0x0] =	wrdreg $0x0  }
0xa8: {  	s5 =	sshll.u32 s28, $0x1;
	[dreg:$0x2] =	wrdreg s3  }
0xa9: {  	[dreg:$0x3] =	wrdreg s5  }
0xaa: {  	[dreg:$0x4] =	wrdreg $0xC0  }
0xab: {  	_ =	task [dreg:s7], $0x5FFFF  }
0xac: {  	[dreg:$0x1] =	wrdreg $0xFFFFFFFF  }
0xad: {  	[dreg:$0x0] =	wrdreg $0x60  }
0xae: {  	[dreg:$0x2] =	wrdreg s2  }
0xaf: {  	[dreg:$0x3] =	wrdreg s24  }
0xb0: {  	[dreg:$0x4] =	wrdreg $0x69800  }
0xb1: {  	[dreg:$0x5] =	wrdreg $0x1A2000  }
0xb2: {  	[dreg:$0x6] =	wrdreg $0x9  }
0xb3: {  	_ =	task.clear_ibuf [dreg:s7], $0x7FFFF;
	_ =	strace $0x90000046  }
0xb4: {  	s29 =	simm.s32 $0x9;
	_ =	strace $0x80000048  }
0xb5: {  	_ =	swait.ge [sflag:s29], $0x1  }
0xb6: {  	[sflag:s29] =	ssyncadd.s32 $0xFFFFFFFF  }
0xb7: {  	_ =	strace $0x90000048  }
0xb8: {  	_ =	sfence  }
0xb9: {  	s30 =	sld [smem:$0x0];
	_ =	sdelay $0x2  }
0xba: {  	s31 =	sshll.u32 s1, $0xD;
	s1 =	sshrl.u32 s1, $0x2  }
0xbb: {  	s3 =	sand.u32 $0x4000, s31;
	s1 =	sadd.s32 s1, s30  }
0xbc: {  	s0 =	sor.u32 s3, s0;
	s1 =	sshll.u32 s1, $0x11  }
0xbd: {  	s0 =	sor.u32 s1, s0  }
0xbe: {  	s0 =	sadd.s32 $0x8F2B, s0  }
0xbf: {  	[sflag:s0] =	ssyncadd.remote.s32 $0x1  }
0xc0: {  	_ =	sfence.sel $0xFFFF  }
0xc1: {  	[dreg:$0x0] =	wrdreg $0xFFFFFFFF;
	(pc) =	sbr.abs _section_cstart, $3  }
0xc2: {  	[dreg:$0x1] =	wrdreg $0xFFFFFFFF  }
0xc3: {  	_ =	task.clear_ibuf [dreg:s7], $0x2FFFF;
	_ =	strace $0x9FFFFFFF  }
0xc4: {  	(tm) =	ssettm $0x7FFFFFFF  }
0xc5: {  	_ =	shalt  }
tec
execute0_lowered:
.L_overlay_start_1:
0x0: {  	(tag) =	ssettag $0x1  }
0x1: {  	s0 =	rddreg [dreg:$0x1]  }
0x2: {  	s11 =	rddreg [dreg:$0x2]  }
0x3: {  	s12 =	rddreg [dreg:$0x3]  }
0x4: {  	s2 =	simm.s32 $0x0;
	s1 =	srdreg.scid;
	s8 =	stileid.u32  }
0x5: {  	s30 =	simm.s32 $0x2D80;
	s31 =	simm.s32 $0x3580;
	s16 =	simm.s32 $0x30  }
0x6: {  	s17 =	simm.s32 $0x100;
	s18 =	simm.s32 $0x5180;
	[smem:$0x7FF] =	sst s2  }
0x7: {  	v1 =	vimm.s32 $0xBA98FEDC;
	v3 =	vimm.s32 $0x76543210;
	s1 =	sand.u32 $0x1, s1;
	s5 =	sadd.s32 $0x16A00, s0;
	s22 =	smul.u32 $0x5000, s8  }
0x8: {  	v4 =	vimm.s32 $0xFEDCBA98;
	s6 =	sadd.s32 $0xCC00, s0;
	s7 =	sadd.s32 $0x2E00, s0;
	s25 =	smul.u32 $0x280, s8  }
0x9: {  	v5 =	vimm.s32 $0x32107654;
	v6 =	vimm.s32 $0xDCFE98BA;
	s9 =	sshll.u32 s8, $0x1;
	s24 =	sor.u32 $0x10, s8;
	s20 =	smul.u32 $0x27100, s1  }
0xa: {  	v7 =	vimm.s32 $0x54761032;
	_ =	strace $0x80000047;
	s3 =	smul.u32 $0x5000, s1;
	s4 =	ssub.s32 $0x2, s1  }
0xb: {  	v0 =	vimm.f32 $0.0e+00;
	v8 =	vimm.s32 $0xEFCDAB89;
	v9 =	vimm.s32 $0x67452301;
	s1 =	sor.u32 s1, s9;
	s10 =	smul.u32 $0x5000, s24;
	s21 =	sshrl.u32 s4, $0x1  }
0xc: {  	vm0 =	vmmov $0xffff;
	vm1 =	vmmov $0x1;
	vm2 =	vcmask $0x320;
	s2 =	sadd.s32 s20, s0;
	s0 =	sadd.s32 s3, s0;
	s3 =	ssub.s32 s4, s21  }
0xd: {  	vm3 =	vcmask $0x720;
	vm4 =	vcmask $0xB20;
	vm5 =	vcmask $0xF20;
	s9 =	smul.u32 $0x2710, s1;
	s4 =	sshrl.u32 s22, $0x2;
	s3 =	smax.u32 s3, $0x1  }
0xe: {  	vm6 =	vcmask $0x1320;
	vm7 =	vcmask $0x1720;
	vm8 =	vcmask $0x1B20;
	s26 =	sshrl.u32 s10, $0x2;
	s14 =	sadd.s32 s4, s11;
	[dreg:$0x5] =	wrdreg s3  }
0xf: {  	v2 =	vunpack.c.l.s4.s8 v1;
	v1 =	vimm.s32 $0x0;
	v5 =	vunpack.c.l.s4.s8 v5;
	s21 =	simm.s32 $0x3D80;
	s15 =	sadd.s32 s4, s12;
	[dreg:$0x6] =	wrdreg s14  }
0x10: {  	v6 =	vunpack.c.l.s4.s8 v6;
	v7 =	vunpack.c.l.s4.s8 v7;
	v8 =	vunpack.c.l.s4.s8 v8;
	s10 =	simm.s32 $0x2;
	s19 =	sadd.s32 s26, s11;
	[dreg:$0x7] =	wrdreg s15  }
0x11: {  	v9 =	vunpack.c.l.s4.s8 v9;
	v2 =	vunpack.c.0.s8.s32 v2;
	v5 =	vunpack.c.0.s8.s32 v5;
	s0 =	sadd.s32 $0x64C00, s0;
	s20 =	sadd.s32 s26, s12;
	[dreg:$0x8] =	wrdreg s19  }
0x12: {  	v4 =	vunpack.c.l.s4.s8 v4;
	v6 =	vunpack.c.0.s8.s32 v6;
	v7 =	vunpack.c.0.s8.s32 v7;
	s23 =	sadd.s32 $0x6EC00, s2;
	s3 =	sadd.s32 s0, s25;
	[dreg:$0x9] =	wrdreg s20  }
0x13: {  	s2 =	smul.u32 $0x280, s24;
	v10 =	vcombine.low v5, v2;
	v2 =	vunpack.c.0.s8.s32 v8;
	v5 =	vunpack.c.0.s8.s32 v9;
	s28 =	sadd.s32 s23, s25;
	[dreg:$0xb] =	wrdreg s3  }
0x14: {  	v8 =	vlaneseq.u32;
	v9 =	vunpack.c.l.s4.s8 v3;
	v7 =	vcombine.low v7, v6;
	s26 =	simm.s32 $0x4;
	s22 =	sadd.s32 $0x28000, s14;
	[dreg:$0xa] =	wrdreg s28  }
0x15: {  	v6 =	vunpack.c.0.s8.s32 v4;
	s24 =	simm.s32 $0x80;
	v3 =	vshrl.u32 v8, $0x3;
	v4 =	vor.u32 $0x8, v8;
	s1 =	sadd.s32 s23, s2;
	[dreg:$0xe] =	wrdreg s22  }
0x16: {  	s25 =	simm.s32 $0x28;
	s0 =	sadd.s32 s0, s2;
	v11 =	vcombine.low v5, v2;
	v2 =	vand.u32 $0x7, v8;
	v5 =	vunpack.c.0.s8.s32 v9;
	[dreg:$0xc] =	wrdreg s1  }
0x17: {  	s29 =	sadd.s32 $0x5000, s28;
	v3 =	vmul.u32 $0x8, v3;
	s23 =	simm.s32 $0x3;
	v6 =	vand.u32 $0xF, v6;
	v7 =	vand.u32 $0xF, v7;
	[dreg:$0xd] =	wrdreg s0  }
0x18: {  	s2 =	simm.s32 $0x0;
	[dreg:$0xf] =	wrdreg s29;
	s0 =	simm.s32 $0x1;
	v5 =	vcombine.low v6, v5;
	v6 =	vand.u32 $0xF, v10;
	v8 =	vand.u32 $0xF, v11  }
.LBB2_1:
0x19: {  	[dreg:$0x10] =	wrdreg s2;
	s1 =	simm.s32 $0x0;
	s2 =	simm.s32 $0x200  }
.LBB2_2:
0x1a: {  	p0 =	sne.s32 s2, $0x4E00;
	[tilespmem:s1+$0x3DF0] =	vst v0  }
0x1b: {  	[tilespmem:s1+$0x3D80] =	vst v0  }
0x1c: {  	[tilespmem:s1+$0x3D90] =	vst v0  }
.Ltmp0:
0x1d: {  	[tilespmem:s1+$0x3DA0] =	vst v0;
	(pc) =	sbr.rel @p0 .LBB2_2-.Ltmp0, $4  }
0x1e: {  	[tilespmem:s1+$0x3DB0] =	vst v0  }
0x1f: {  	[tilespmem:s1+$0x3DC0] =	vst v0  }
0x20: {  	[tilespmem:s1+$0x3DD0] =	vst v0  }
0x21: {  	[tilespmem:s1+$0x3DE0] =	vst v0;
	s1 =	sshra.s32 s2, $0x2;
	s2 =	sadd.s32 $0x200, s2  }
0x22: {  	[tilespmem:s1+$0x3DF0] =	vst v0  }
0x23: {  	[tilespmem:s1+$0x3D80] =	vst v0  }
0x24: {  	[tilespmem:s1+$0x3D90] =	vst v0  }
0x25: {  	[tilespmem:s1+$0x3DA0] =	vst v0  }
0x26: {  	[tilespmem:s1+$0x3DB0] =	vst v0  }
0x27: {  	[tilespmem:s1+$0x3DC0] =	vst v0  }
0x28: {  	[tilespmem:s1+$0x3DD0] =	vst v0  }
0x29: {  	[tilespmem:s1+$0x3DE0] =	vst v0;
	s1 =	simm.s32 $0x0;
	s2 =	simm.s32 $0x200  }
.LBB2_4:
0x2a: {  	p0 =	sne.s32 s2, $0x5E00;
	[tilespmem:s1+$0x51F0] =	vst v0  }
0x2b: {  	[tilespmem:s1+$0x5180] =	vst v0  }
0x2c: {  	[tilespmem:s1+$0x5190] =	vst v0  }
.Ltmp1:
0x2d: {  	[tilespmem:s1+$0x51A0] =	vst v0;
	(pc) =	sbr.rel @p0 .LBB2_4-.Ltmp1, $4  }
0x2e: {  	[tilespmem:s1+$0x51B0] =	vst v0  }
0x2f: {  	[tilespmem:s1+$0x51C0] =	vst v0  }
0x30: {  	[tilespmem:s1+$0x51D0] =	vst v0  }
0x31: {  	[tilespmem:s1+$0x51E0] =	vst v0;
	s1 =	sshra.s32 s2, $0x2;
	s2 =	sadd.s32 $0x200, s2  }
0x32: {  	[tilespmem:s1+$0x51F0] =	vst v0  }
0x33: {  	[tilespmem:s1+$0x5180] =	vst v0  }
0x34: {  	[tilespmem:s1+$0x5190] =	vst v0  }
0x35: {  	[tilespmem:s1+$0x51A0] =	vst v0  }
0x36: {  	[tilespmem:s1+$0x51B0] =	vst v0  }
0x37: {  	[tilespmem:s1+$0x51C0] =	vst v0  }
0x38: {  	[tilespmem:s1+$0x51D0] =	vst v0  }
0x39: {  	[tilespmem:s1+$0x51E0] =	vst v0  }
0x3a: {  	[tilespmem:$0x120] =	vst v1  }
0x3b: {  	[spmem:s14] =	stream.linear.scatter [tilespmem:s21], [sflag:$0x4], $0x1400, $0x38;
	[tilespmem:$0x1CA00] =	vst v63  }
0x3c: {  	_ =	swait.ge [sflag:s26], $0x1400  }
0x3d: {  	[sflag:s26] =	ssyncset.done $0x0  }
0x3e: {  	[sflag:s26] =	ssyncadd.s32 $0xFFFFEC00  }
0x3f: {  	[spmem:s15] =	stream.linear.scatter [tilespmem:s21], [sflag:$0x3], $0x1400, $0x38;
	[tilespmem:$0x1CA00] =	vst v63  }
0x40: {  	_ =	swait.ge [sflag:s23], $0x1400  }
0x41: {  	[sflag:s23] =	ssyncset.done $0x0  }
0x42: {  	[sflag:s23] =	ssyncadd.s32 $0xFFFFEC00  }
0x43: {  	[spmem:s19] =	stream.linear.scatter [tilespmem:s21], [sflag:$0x4], $0x1400, $0x38;
	[tilespmem:$0x1CA00] =	vst v63  }
0x44: {  	_ =	swait.ge [sflag:s26], $0x1400  }
0x45: {  	[sflag:s26] =	ssyncset.done $0x0  }
0x46: {  	[sflag:s26] =	ssyncadd.s32 $0xFFFFEC00  }
0x47: {  	[spmem:s20] =	stream.linear.scatter [tilespmem:s21], [sflag:$0x3], $0x1400, $0x38;
	[tilespmem:$0x1CA00] =	vst v63  }
0x48: {  	s29 =	sadd.s32 $0x20, s8;
	_ =	swait.ge [sflag:s23], $0x1400  }
0x49: {  	p0 =	sgt.u32 s29, $0xF9;
	[sflag:s23] =	ssyncset.done $0x0  }
0x4a: {  	s1 =	simm.s32 @!p0 $0x3D80;
	s4 =	simm.s32 @!p0 $0x4;
	[sflag:s23] =	ssyncadd.s32 $0xFFFFEC00  }
0x4b: {  	[spmem:s22] =	stream.linear.scatter @!p0 [tilespmem:s1], [sflag:$0x4], $0x1400, $0x38;
	[tilespmem:$0x1CA00] =	vst v63  }
0x4c: {  	s2 =	simm.s32 $0x30;
	_ =	swait.ge @!p0 [sflag:s4], $0x1400  }
0x4d: {  	s3 =	simm.s32 $0x40;
	s1 =	sadd.s32 $0x14000, s22;
	[sflag:s4] =	ssyncset.done @!p0 $0x0  }
.LBB2_6:
0x4e: {  	s11 =	sadd.s32 s2, s8;
	s2 =	smov.u32 s3;
	s3 =	sadd.s32 $0x10, s3  }
0x4f: {  	[sflag:s4] =	ssyncadd.s32 @!p0 $0xFFFFEC00;
	p1 =	sne.s32 s3, $0x100  }
.Ltmp2:
0x50: {  	p0 =	sgt.u32 s11, $0xF9;
	(pc) =	sbr.rel @p1 .LBB2_6-.Ltmp2, $4  }
0x51: {  	s11 =	simm.s32 @!p0 $0x3D80;
	s4 =	simm.s32 @!p0 $0x4  }
0x52: {  	[spmem:s1] =	stream.linear.scatter @!p0 [tilespmem:s11], [sflag:$0x4], $0x1400, $0x38;
	[tilespmem:$0x1CA00] =	vst v63  }
0x53: {  	_ =	swait.ge @!p0 [sflag:s4], $0x1400  }
0x54: {  	s1 =	sadd.s32 $0x14000, s1;
	[sflag:s4] =	ssyncset.done @!p0 $0x0  }
0x55: {  	s2 =	sadd.s32 s2, s8  }
0x56: {  	p1 =	sgt.u32 s2, $0xF9  }
0x57: {  	[sflag:s4] =	ssyncadd.s32 @!p0 $0xFFFFEC00;
	s2 =	simm.s32 @!p1 $0x3D80;
	s3 =	simm.s32 @!p1 $0x4  }
0x58: {  	[spmem:s1] =	stream.linear.scatter @!p1 [tilespmem:s2], [sflag:$0x4], $0x1400, $0x38;
	[tilespmem:$0x1CA00] =	vst v63  }
0x59: {  	_ =	swait.ge @!p1 [sflag:s3], $0x1400  }
0x5a: {  	[sflag:s3] =	ssyncset.done @!p1 $0x0  }
0x5b: {  	[sflag:s3] =	ssyncadd.s32 @!p1 $0xFFFFEC00  }
0x5c: {  	s4 =	simm.s32 $0x0;
	s12 =	simm.s32 $0x0;
	[bflag:$0x0] =	sbarrier.arrive $0xFFFF  }
.LBB2_8:
0x5d: {  	s1 =	smul.u32 $0x28, s12;
	_ =	sdelay $0x1  }
0x5e: {  	s1 =	sadd.s32 s9, s1  }
0x5f: {  	s1 =	sshrl.u32 s1, $0x3  }
0x60: {  	s2 =	sadd.s32 s6, s1  }
0x61: {  	[tilespmem:s4], [sflag:$0x3] =	stream.linear.gather [hbm4b:s2+s4], $0x28, $0x38;
	[tilespmem:$0x1CA00] =	vst v63  }
0x62: {  	_ =	swait.ge [sflag:s23], $0x28  }
0x63: {  	[sflag:s23] =	ssyncset.done $0x0  }
0x64: {  	s1 =	sadd.s32 s7, s1;
	[sflag:s23] =	ssyncadd.s32 $0xFFFFFFD8  }
0x65: {  	[tilespmem:s24], [sflag:$0x3] =	stream.linear.gather [hbm4b:s1+s4], $0x28, $0x38;
	[tilespmem:$0x1CA00] =	vst v63  }
0x66: {  	_ =	swait.ge [sflag:s23], $0x28  }
0x67: {  	[sflag:s23] =	ssyncset.done $0x0  }
0x68: {  	[sflag:s23] =	ssyncadd.s32 $0xFFFFFFD8  }
0x69: {  	s13 =	simm.s32 $0x180;
	s22 =	rddreg [dreg:$0x0]  }
0x6a: {  	[tilespmem:s13], [sflag:$0x1] =	stream.indirect.gather [hbm4b:s22+s25], $0x80, s24, s25, $0xb8;
	[tilespmem:$0x1CA00] =	vst v63  }
0x6b: {  	v9 =	vld [tilespmem:$0x0];
	_ =	sdelay $0x4  }
0x6c: {  	v10 =	vshll.u32 v9, $0x1  }
0x6d: {  	v9 =	vand.u32 $0x7, v9;
	v10 =	vand.u32 $0xFFFFFFF0, v10  }
0x6e: {  	v9 =	vor.u32 v9, v10  }
0x6f: {  	v10 =	vperm.xlane v9, v2;
	_ =	sdelay $0x1  }
0x70: {  	v9 =	vperm.xlane v9, v4;
	v10 =	vadd.s32 v3, v10;
	_ =	sdelay $0x1  }
0x71: {  	v9 =	vadd.s32 v3, v9;
	_ =	sdelay $0x1  }
0x72: {  	s26 =	simm.s32 $0x1580  }
0x73: {  	[tilespmem:s26], [sflag:$0x2] =	stream.indirect_vreg.gather [hbm4b:s5+s4], $0x80, v10, vm0, $0xb8;
	[tilespmem:$0x1CA00] =	vst v63  }
0x74: {  	s28 =	simm.s32 $0x1D80  }
0x75: {  	[tilespmem:s28], [sflag:$0x2] =	stream.indirect_vreg.gather [hbm4b:s5+s4], $0x80, v9, vm0, $0xb8;
	[tilespmem:$0x1CA00] =	vst v63  }
0x76: {  	v9 =	vld [tilespmem:$0x10];
	_ =	sdelay $0x4  }
0x77: {  	v10 =	vshll.u32 v9, $0x1  }
0x78: {  	v9 =	vand.u32 $0x7, v9;
	v10 =	vand.u32 $0xFFFFFFF0, v10  }
0x79: {  	v9 =	vor.u32 v9, v10  }
0x7a: {  	v10 =	vperm.xlane v9, v2;
	_ =	sdelay $0x1  }
0x7b: {  	v9 =	vperm.xlane v9, v4;
	v10 =	vadd.s32 v3, v10;
	_ =	sdelay $0x1  }
0x7c: {  	v9 =	vadd.s32 v3, v9;
	_ =	sdelay $0x1  }
0x7d: {  	s29 =	simm.s32 $0x2580  }
0x7e: {  	[tilespmem:s29], [sflag:$0x2] =	stream.indirect_vreg.gather [hbm4b:s5+s4], $0x80, v10, vm0, $0xb8;
	[tilespmem:$0x1CA00] =	vst v63  }
0x7f: {  	_ = 	snop  }
0x80: {  	[tilespmem:s30], [sflag:$0x2] =	stream.indirect_vreg.gather [hbm4b:s5+s4], $0x80, v9, vm0, $0xb8;
	[tilespmem:$0x1CA00] =	vst v63  }
0x81: {  	v9 =	vld.msk [tilespmem:$0x20], $0xff;
	_ =	sdelay $0x4  }
0x82: {  	v10 =	vshll.u32 v9, $0x1  }
0x83: {  	v9 =	vand.u32 $0x7, v9;
	v10 =	vand.u32 $0xFFFFFFF0, v10  }
0x84: {  	v9 =	vor.u32 v9, v10  }
0x85: {  	v9 =	vperm.xlane v9, v2;
	_ =	sdelay $0x1  }
0x86: {  	v9 =	vadd.s32 v3, v9;
	_ =	sdelay $0x4  }
0x87: {  	[tilespmem:s31], [sflag:$0x2] =	stream.indirect_vreg.gather [hbm4b:s5+s4], $0x80, v9, vm0, $0xb8;
	[tilespmem:$0x1CA00] =	vst v63  }
0x88: {  	_ =	swait.ge [sflag:s0], $0x1400  }
0x89: {  	[sflag:s0] =	ssyncset.done $0x0  }
0x8a: {  	[sflag:s0] =	ssyncadd.s32 $0xFFFFEC00  }
0x8b: {  	_ =	swait.ge [sflag:s10], $0x2800  }
0x8c: {  	[sflag:s10] =	ssyncset.done $0x0  }
0x8d: {  	[sflag:s10] =	ssyncadd.s32 $0xFFFFD800  }
0x8e: {  	v9 =	vld [tilespmem:$0x80]  }
0x8f: {  	v10 =	vld [tilespmem:$0x90]  }
0x90: {  	v11 =	vld [tilespmem:$0x98];
	_ =	sdelay $0x2  }
0x91: {  	v9 =	vshrl.u32 v9, $0x3  }
0x92: {  	p0 =	por $0x0, $0x0;
	s14 =	simm.s32 $0x5280;
	[tilespmem:$0x100] =	vst v9;
	v9 =	vshrl.u32 v10, $0x3  }
0x93: {  	s11 =	simm.s32 $0x3E80;
	s20 =	simm.s32 $0x280;
	s19 =	simm.s32 $0x0;
	[tilespmem:$0x110] =	vst v9;
	v9 =	vshrl.u32 v11, $0x3  }
0x94: {  	s15 =	simm.s32 $0x0;
	s1 =	simm.s32 $0x0;
	s22 =	simm.s32 $0x0;
	[tilespmem:$0x118] =	vst v9  }
.LBB2_9:
0x95: {  	s2 =	sadd.s32 $0xFFFFFE80, s13;
	s3 =	sand.u32 $0x3800, s22  }
0x96: {  	s26 =	sand.u32 $0x200, s2;
	s2 =	sadd.s32 $0x1580, s3  }
0x97: {  	v9 =	vld [tilespmem:s20+$0xFFFFFF00];
	s3 =	sor.u32 s26, s2  }
0x98: {  	v10 =	vld [tilespmem:s3+$0x0];
	_ =	sdelay $0x4  }
0x99: {  	v9 =	vmul.f32 v10, v9;
	_ =	sdelay $0x1  }
0x9a: {  	v10 =	vperm.xlane v9, v5;
	_ =	sdelay $0x1  }
0x9b: {  	v9 =	vadd.f32 v10, v9;
	_ =	sdelay $0x1  }
0x9c: {  	v10 =	vperm.xlane v9, v6;
	_ =	sdelay $0x1  }
0x9d: {  	v9 =	vadd.f32 v10, v9;
	_ =	sdelay $0x1  }
0x9e: {  	v10 =	vperm.xlane v9, v7;
	_ =	sdelay $0x1  }
0x9f: {  	v9 =	vadd.f32 v10, v9;
	_ =	sdelay $0x1  }
0xa0: {  	v10 =	vperm.xlane v9, v8;
	_ =	sdelay $0x1  }
0xa1: {  	v9 =	vadd.f32 v10, v9;
	_ =	sdelay $0x1  }
0xa2: {  	v9 =	vmul.f32 $2.500000000e-01, v9;
	_ =	sdelay $0x1  }
0xa3: {  	v9 =	vmul.f32 $1.442695020e+00, v9;
	_ =	sdelay $0x1  }
0xa4: {  	s26 =	simm.s32 $0x1;
	(erf) = vpow2.f32 v9  }
0xa5: {  	s26 =	simm.s32 @!p0 $0x0  }
0xa6: {  	s26 =	sshll.u32 s26, $0x9  }
0xa7: {  	s26 =	sadd.s32 s26, s22  }
0xa8: {  	s28 =	sor.u32 $0x400, s26  }
0xa9: {  	v10 =	vld [tilespmem:s28+$0x1580];
	_ =	sdelay $0x3  }
0xaa: {  	v9 =	vpop (erf)  }
0xab: {  	v10 =	vmul.f32 v9, v10;
	_ =	sdelay $0x1  }
0xac: {  	[tilespmem:s11+$0xFFFFFF00] =	vst v10  }
0xad: {  	v10 =	vld [tilespmem:s20+$0xFFFFFF10]  }
0xae: {  	v11 =	vld [tilespmem:s3+$0x10];
	_ =	sdelay $0x4  }
0xaf: {  	v10 =	vmul.f32 v11, v10;
	_ =	sdelay $0x1  }
0xb0: {  	v11 =	vperm.xlane v10, v5;
	_ =	sdelay $0x1  }
0xb1: {  	v10 =	vadd.f32 v11, v10;
	_ =	sdelay $0x1  }
0xb2: {  	v11 =	vperm.xlane v10, v6;
	_ =	sdelay $0x1  }
0xb3: {  	v10 =	vadd.f32 v11, v10;
	_ =	sdelay $0x1  }
0xb4: {  	v11 =	vperm.xlane v10, v7;
	_ =	sdelay $0x1  }
0xb5: {  	v10 =	vadd.f32 v11, v10;
	_ =	sdelay $0x1  }
0xb6: {  	v11 =	vperm.xlane v10, v8;
	_ =	sdelay $0x1  }
0xb7: {  	v10 =	vadd.f32 v11, v10;
	_ =	sdelay $0x1  }
0xb8: {  	v10 =	vmul.f32 $2.500000000e-01, v10;
	_ =	sdelay $0x1  }
0xb9: {  	v10 =	vmul.f32 $1.442695020e+00, v10;
	_ =	sdelay $0x1  }
0xba: {  	(erf) = vpow2.f32 v10;
	_ =	sdelay $0x3  }
0xbb: {  	s29 =	sor.u32 $0x410, s26  }
0xbc: {  	v10 =	vld [tilespmem:s29+$0x1580];
	_ =	sdelay $0x3  }
0xbd: {  	v11 =	vpop (erf)  }
0xbe: {  	v10 =	vmul.f32 v11, v10;
	_ =	sdelay $0x1  }
0xbf: {  	[tilespmem:s11+$0xFFFFFF10] =	vst v10  }
0xc0: {  	v10 =	vld [tilespmem:s20+$0xFFFFFF20]  }
0xc1: {  	v12 =	vld [tilespmem:s3+$0x20];
	_ =	sdelay $0x4  }
0xc2: {  	v10 =	vmul.f32 v12, v10;
	_ =	sdelay $0x1  }
0xc3: {  	v12 =	vperm.xlane v10, v5;
	_ =	sdelay $0x1  }
0xc4: {  	v10 =	vadd.f32 v12, v10;
	_ =	sdelay $0x1  }
0xc5: {  	v12 =	vperm.xlane v10, v6;
	_ =	sdelay $0x1  }
0xc6: {  	v10 =	vadd.f32 v12, v10;
	_ =	sdelay $0x1  }
0xc7: {  	v12 =	vperm.xlane v10, v7;
	_ =	sdelay $0x1  }
0xc8: {  	v10 =	vadd.f32 v12, v10;
	_ =	sdelay $0x1  }
0xc9: {  	v12 =	vperm.xlane v10, v8;
	_ =	sdelay $0x1  }
0xca: {  	v10 =	vadd.f32 v12, v10;
	_ =	sdelay $0x1  }
0xcb: {  	v10 =	vmul.f32 $2.500000000e-01, v10;
	_ =	sdelay $0x1  }
0xcc: {  	v10 =	vmul.f32 $1.442695020e+00, v10;
	_ =	sdelay $0x1  }
0xcd: {  	(erf) = vpow2.f32 v10;
	_ =	sdelay $0x3  }
0xce: {  	s29 =	sor.u32 $0x420, s26  }
0xcf: {  	v10 =	vld [tilespmem:s29+$0x1580];
	_ =	sdelay $0x3  }
0xd0: {  	v62 =	vpop (erf)  }
0xd1: {  	v10 =	vmul.f32 v62, v10;
	_ =	sdelay $0x1  }
0xd2: {  	[tilespmem:s11+$0xFFFFFF20] =	vst v10  }
0xd3: {  	v10 =	vld [tilespmem:s20+$0xFFFFFF30]  }
0xd4: {  	v13 =	vld [tilespmem:s3+$0x30];
	_ =	sdelay $0x4  }
0xd5: {  	v10 =	vmul.f32 v13, v10;
	_ =	sdelay $0x1  }
0xd6: {  	v13 =	vperm.xlane v10, v5;
	_ =	sdelay $0x1  }
0xd7: {  	v10 =	vadd.f32 v13, v10;
	_ =	sdelay $0x1  }
0xd8: {  	v13 =	vperm.xlane v10, v6;
	_ =	sdelay $0x1  }
0xd9: {  	v10 =	vadd.f32 v13, v10;
	_ =	sdelay $0x1  }
0xda: {  	v13 =	vperm.xlane v10, v7;
	_ =	sdelay $0x1  }
0xdb: {  	v10 =	vadd.f32 v13, v10;
	_ =	sdelay $0x1  }
0xdc: {  	v13 =	vperm.xlane v10, v8;
	_ =	sdelay $0x1  }
0xdd: {  	v10 =	vadd.f32 v13, v10;
	_ =	sdelay $0x1  }
0xde: {  	v10 =	vmul.f32 $2.500000000e-01, v10;
	_ =	sdelay $0x1  }
0xdf: {  	v10 =	vmul.f32 $1.442695020e+00, v10;
	_ =	sdelay $0x1  }
0xe0: {  	(erf) = vpow2.f32 v10;
	_ =	sdelay $0x3  }
0xe1: {  	s29 =	sor.u32 $0x430, s26  }
0xe2: {  	v10 =	vld [tilespmem:s29+$0x1580];
	_ =	sdelay $0x3  }
0xe3: {  	v63 =	vpop (erf)  }
0xe4: {  	v10 =	vmul.f32 v63, v10;
	_ =	sdelay $0x1  }
0xe5: {  	[tilespmem:s11+$0xFFFFFF30] =	vst v10  }
0xe6: {  	v10 =	vld [tilespmem:s20+$0xFFFFFF40]  }
0xe7: {  	v14 =	vld [tilespmem:s3+$0x40];
	_ =	sdelay $0x4  }
0xe8: {  	v10 =	vmul.f32 v14, v10;
	_ =	sdelay $0x1  }
0xe9: {  	v14 =	vperm.xlane v10, v5;
	_ =	sdelay $0x1  }
0xea: {  	v10 =	vadd.f32 v14, v10;
	_ =	sdelay $0x1  }
0xeb: {  	v14 =	vperm.xlane v10, v6;
	_ =	sdelay $0x1  }
0xec: {  	v10 =	vadd.f32 v14, v10;
	_ =	sdelay $0x1  }
0xed: {  	v14 =	vperm.xlane v10, v7;
	_ =	sdelay $0x1  }
0xee: {  	v10 =	vadd.f32 v14, v10;
	_ =	sdelay $0x1  }
0xef: {  	v14 =	vperm.xlane v10, v8;
	_ =	sdelay $0x1  }
0xf0: {  	v10 =	vadd.f32 v14, v10;
	_ =	sdelay $0x1  }
0xf1: {  	v10 =	vmul.f32 $2.500000000e-01, v10;
	_ =	sdelay $0x1  }
0xf2: {  	v10 =	vmul.f32 $1.442695020e+00, v10;
	_ =	sdelay $0x1  }
0xf3: {  	(erf) = vpow2.f32 v10;
	_ =	sdelay $0x3  }
0xf4: {  	s29 =	sor.u32 $0x440, s26  }
0xf5: {  	v10 =	vld [tilespmem:s29+$0x1580];
	_ =	sdelay $0x3  }
0xf6: {  	v21 =	vpop (erf)  }
0xf7: {  	v10 =	vmul.f32 v21, v10;
	_ =	sdelay $0x1  }
0xf8: {  	[tilespmem:s11+$0xFFFFFF40] =	vst v10  }
0xf9: {  	v10 =	vld [tilespmem:s20+$0xFFFFFF50]  }
0xfa: {  	v15 =	vld [tilespmem:s3+$0x50];
	_ =	sdelay $0x4  }
0xfb: {  	v10 =	vmul.f32 v15, v10;
	_ =	sdelay $0x1  }
0xfc: {  	v15 =	vperm.xlane v10, v5;
	_ =	sdelay $0x1  }
0xfd: {  	v10 =	vadd.f32 v15, v10;
	_ =	sdelay $0x1  }
0xfe: {  	v15 =	vperm.xlane v10, v6;
	_ =	sdelay $0x1  }
0xff: {  	v10 =	vadd.f32 v15, v10;
	_ =	sdelay $0x1  }
0x100: {  	v15 =	vperm.xlane v10, v7;
	_ =	sdelay $0x1  }
0x101: {  	v10 =	vadd.f32 v15, v10;
	_ =	sdelay $0x1  }
0x102: {  	v15 =	vperm.xlane v10, v8;
	_ =	sdelay $0x1  }
0x103: {  	v10 =	vadd.f32 v15, v10;
	_ =	sdelay $0x1  }
0x104: {  	v10 =	vmul.f32 $2.500000000e-01, v10;
	_ =	sdelay $0x1  }
0x105: {  	v10 =	vmul.f32 $1.442695020e+00, v10;
	_ =	sdelay $0x1  }
0x106: {  	(erf) = vpow2.f32 v10;
	_ =	sdelay $0x3  }
0x107: {  	s29 =	sor.u32 $0x450, s26  }
0x108: {  	v10 =	vld [tilespmem:s29+$0x1580];
	_ =	sdelay $0x3  }
0x109: {  	v22 =	vpop (erf)  }
0x10a: {  	v10 =	vmul.f32 v22, v10;
	_ =	sdelay $0x1  }
0x10b: {  	[tilespmem:s11+$0xFFFFFF50] =	vst v10  }
0x10c: {  	v10 =	vld [tilespmem:s20+$0xFFFFFF60]  }
0x10d: {  	v16 =	vld [tilespmem:s3+$0x60];
	_ =	sdelay $0x4  }
0x10e: {  	v10 =	vmul.f32 v16, v10;
	_ =	sdelay $0x1  }
0x10f: {  	v16 =	vperm.xlane v10, v5;
	_ =	sdelay $0x1  }
0x110: {  	v10 =	vadd.f32 v16, v10;
	_ =	sdelay $0x1  }
0x111: {  	v16 =	vperm.xlane v10, v6;
	_ =	sdelay $0x1  }
0x112: {  	v10 =	vadd.f32 v16, v10;
	_ =	sdelay $0x1  }
0x113: {  	v16 =	vperm.xlane v10, v7;
	_ =	sdelay $0x1  }
0x114: {  	v10 =	vadd.f32 v16, v10;
	_ =	sdelay $0x1  }
0x115: {  	v16 =	vperm.xlane v10, v8;
	_ =	sdelay $0x1  }
0x116: {  	v10 =	vadd.f32 v16, v10;
	_ =	sdelay $0x1  }
0x117: {  	v10 =	vmul.f32 $2.500000000e-01, v10;
	_ =	sdelay $0x1  }
0x118: {  	v10 =	vmul.f32 $1.442695020e+00, v10;
	_ =	sdelay $0x1  }
0x119: {  	(erf) = vpow2.f32 v10;
	_ =	sdelay $0x3  }
0x11a: {  	s29 =	sor.u32 $0x460, s26  }
0x11b: {  	v10 =	vld [tilespmem:s29+$0x1580];
	_ =	sdelay $0x3  }
0x11c: {  	v23 =	vpop (erf)  }
0x11d: {  	v10 =	vmul.f32 v23, v10;
	_ =	sdelay $0x1  }
0x11e: {  	[tilespmem:s11+$0xFFFFFF60] =	vst v10  }
0x11f: {  	v10 =	vld [tilespmem:s20+$0xFFFFFF70]  }
0x120: {  	v17 =	vld [tilespmem:s3+$0x70];
	_ =	sdelay $0x4  }
0x121: {  	v10 =	vmul.f32 v17, v10;
	_ =	sdelay $0x1  }
0x122: {  	v17 =	vperm.xlane v10, v5;
	_ =	sdelay $0x1  }
0x123: {  	v10 =	vadd.f32 v17, v10;
	_ =	sdelay $0x1  }
0x124: {  	v17 =	vperm.xlane v10, v6;
	_ =	sdelay $0x1  }
0x125: {  	v10 =	vadd.f32 v17, v10;
	_ =	sdelay $0x1  }
0x126: {  	v17 =	vperm.xlane v10, v7;
	_ =	sdelay $0x1  }
0x127: {  	v10 =	vadd.f32 v17, v10;
	_ =	sdelay $0x1  }
0x128: {  	v17 =	vperm.xlane v10, v8;
	_ =	sdelay $0x1  }
0x129: {  	v10 =	vadd.f32 v17, v10;
	_ =	sdelay $0x1  }
0x12a: {  	v10 =	vmul.f32 $2.500000000e-01, v10;
	_ =	sdelay $0x1  }
0x12b: {  	v10 =	vmul.f32 $1.442695020e+00, v10;
	_ =	sdelay $0x1  }
0x12c: {  	(erf) = vpow2.f32 v10;
	_ =	sdelay $0x3  }
0x12d: {  	s29 =	sor.u32 $0x470, s26  }
0x12e: {  	v24 =	vmov s1;
	v10 =	vld [tilespmem:s29+$0x1580]  }
0x12f: {  	v17 =	vand.u32 $0xFFFFFFFC, v24  }
0x130: {  	v17 =	vbroadcast v17, $0x0;
	_ =	sdelay $0x1  }
0x131: {  	v18 =	vpop (erf)  }
0x132: {  	v10 =	vmul.f32 v18, v10;
	_ =	sdelay $0x1  }
0x133: {  	v9 =	vnsel vm1, $0x0, v9;
	[tilespmem:s11+$0xFFFFFF70] =	vst v10  }
0x134: {  	v9 =	vsel vm2, v9, v11;
	v10 =	vld.idx.msk [tilespmem:v17+s24+$0x0], $0xffff  }
0x135: {  	v9 =	vsel vm3, v9, v62  }
0x136: {  	v9 =	vsel vm4, v9, v63  }
0x137: {  	v9 =	vsel vm5, v9, v21  }
0x138: {  	v9 =	vsel vm6, v9, v22  }
0x139: {  	v9 =	vsel vm7, v9, v23;
	v10 =	vand.u32 $0x7, v10  }
0x13a: {  	v9 =	vsel vm8, v9, v18;
	vm9 =	veq.s32 v10, $0x0  }
0x13b: {  	v11 =	vnsel vm9, $0x0, v9;
	vm9 =	veq.s32 v10, $0x1  }
0x13c: {  	[tilespmem:s14+$0xFFFFFF00] =	vst v11;
	v11 =	vnsel vm9, $0x0, v9;
	vm9 =	veq.s32 v10, $0x2  }
0x13d: {  	[tilespmem:s14+$0xFFFFFF10] =	vst v11;
	v11 =	vnsel vm9, $0x0, v9;
	vm9 =	veq.s32 v10, $0x3  }
0x13e: {  	[tilespmem:s14+$0xFFFFFF20] =	vst v11;
	v11 =	vnsel vm9, $0x0, v9;
	vm9 =	veq.s32 v10, $0x4  }
0x13f: {  	[tilespmem:s14+$0xFFFFFF30] =	vst v11;
	v11 =	vnsel vm9, $0x0, v9;
	vm9 =	veq.s32 v10, $0x5  }
0x140: {  	[tilespmem:s14+$0xFFFFFF40] =	vst v11;
	v11 =	vnsel vm9, $0x0, v9;
	vm9 =	veq.s32 v10, $0x6  }
0x141: {  	[tilespmem:s14+$0xFFFFFF50] =	vst v11;
	v11 =	vnsel vm9, $0x0, v9;
	vm9 =	veq.s32 v10, $0x7  }
0x142: {  	s26 =	sadd.s32 $0xFFFFFF00, s13;
	[tilespmem:s14+$0xFFFFFF60] =	vst v11;
	v9 =	vnsel vm9, $0x0, v9  }
0x143: {  	s3 =	sand.u32 $0x280, s26;
	[tilespmem:s14+$0xFFFFFF70] =	vst v9  }
0x144: {  	s26 =	sadd.s32 s3, s2;
	v9 =	vld [tilespmem:s20+$0xFFFFFF80]  }
0x145: {  	v10 =	vld [tilespmem:s26+$0x0];
	_ =	sdelay $0x4  }
0x146: {  	v9 =	vmul.f32 v10, v9;
	_ =	sdelay $0x1  }
0x147: {  	v10 =	vperm.xlane v9, v5;
	_ =	sdelay $0x1  }
0x148: {  	v9 =	vadd.f32 v10, v9;
	_ =	sdelay $0x1  }
0x149: {  	v10 =	vperm.xlane v9, v6;
	_ =	sdelay $0x1  }
0x14a: {  	v9 =	vadd.f32 v10, v9;
	_ =	sdelay $0x1  }
0x14b: {  	v10 =	vperm.xlane v9, v7;
	_ =	sdelay $0x1  }
0x14c: {  	v9 =	vadd.f32 v10, v9;
	_ =	sdelay $0x1  }
0x14d: {  	v10 =	vperm.xlane v9, v8;
	_ =	sdelay $0x1  }
0x14e: {  	v9 =	vadd.f32 v10, v9;
	_ =	sdelay $0x1  }
0x14f: {  	v9 =	vmul.f32 $2.500000000e-01, v9;
	_ =	sdelay $0x1  }
0x150: {  	v9 =	vmul.f32 $1.442695020e+00, v9;
	_ =	sdelay $0x1  }
0x151: {  	s28 =	sand.u32 $0x7, s15;
	(erf) = vpow2.f32 v9  }
0x152: {  	s3 =	sshll.u32 s28, $0x7  }
0x153: {  	s3 =	sadd.s32 s3, s22  }
0x154: {  	s28 =	sadd.s32 $0x80, s3  }
0x155: {  	s29 =	sor.u32 $0x400, s28  }
0x156: {  	v10 =	vld [tilespmem:s29+$0x1580];
	_ =	sdelay $0x3  }
0x157: {  	v9 =	vpop (erf)  }
0x158: {  	v10 =	vmul.f32 v9, v10;
	_ =	sdelay $0x1  }
0x159: {  	[tilespmem:s11+$0xFFFFFF80] =	vst v10  }
0x15a: {  	v10 =	vld [tilespmem:s20+$0xFFFFFF90]  }
0x15b: {  	v11 =	vld [tilespmem:s26+$0x10];
	_ =	sdelay $0x4  }
0x15c: {  	v10 =	vmul.f32 v11, v10;
	_ =	sdelay $0x1  }
0x15d: {  	v11 =	vperm.xlane v10, v5;
	_ =	sdelay $0x1  }
0x15e: {  	v10 =	vadd.f32 v11, v10;
	_ =	sdelay $0x1  }
0x15f: {  	v11 =	vperm.xlane v10, v6;
	_ =	sdelay $0x1  }
0x160: {  	v10 =	vadd.f32 v11, v10;
	_ =	sdelay $0x1  }
0x161: {  	v11 =	vperm.xlane v10, v7;
	_ =	sdelay $0x1  }
0x162: {  	v10 =	vadd.f32 v11, v10;
	_ =	sdelay $0x1  }
0x163: {  	v11 =	vperm.xlane v10, v8;
	_ =	sdelay $0x1  }
0x164: {  	v10 =	vadd.f32 v11, v10;
	_ =	sdelay $0x1  }
0x165: {  	v10 =	vmul.f32 $2.500000000e-01, v10;
	_ =	sdelay $0x1  }
0x166: {  	v10 =	vmul.f32 $1.442695020e+00, v10;
	_ =	sdelay $0x1  }
0x167: {  	(erf) = vpow2.f32 v10;
	_ =	sdelay $0x3  }
0x168: {  	s29 =	sor.u32 $0x410, s28  }
0x169: {  	v10 =	vld [tilespmem:s29+$0x1580];
	_ =	sdelay $0x3  }
0x16a: {  	v11 =	vpop (erf)  }
0x16b: {  	v10 =	vmul.f32 v11, v10;
	_ =	sdelay $0x1  }
0x16c: {  	[tilespmem:s11+$0xFFFFFF90] =	vst v10  }
0x16d: {  	v10 =	vld [tilespmem:s20+$0xFFFFFFA0]  }
0x16e: {  	v25 =	vld [tilespmem:s26+$0x20];
	_ =	sdelay $0x4  }
0x16f: {  	v10 =	vmul.f32 v25, v10;
	_ =	sdelay $0x1  }
0x170: {  	v12 =	vperm.xlane v10, v5;
	_ =	sdelay $0x1  }
0x171: {  	v10 =	vadd.f32 v12, v10;
	_ =	sdelay $0x1  }
0x172: {  	v12 =	vperm.xlane v10, v6;
	_ =	sdelay $0x1  }
0x173: {  	v10 =	vadd.f32 v12, v10;
	_ =	sdelay $0x1  }
0x174: {  	v12 =	vperm.xlane v10, v7;
	_ =	sdelay $0x1  }
0x175: {  	v10 =	vadd.f32 v12, v10;
	_ =	sdelay $0x1  }
0x176: {  	v12 =	vperm.xlane v10, v8;
	_ =	sdelay $0x1  }
0x177: {  	v10 =	vadd.f32 v12, v10;
	_ =	sdelay $0x1  }
0x178: {  	v10 =	vmul.f32 $2.500000000e-01, v10;
	_ =	sdelay $0x1  }
0x179: {  	v10 =	vmul.f32 $1.442695020e+00, v10;
	_ =	sdelay $0x1  }
0x17a: {  	(erf) = vpow2.f32 v10;
	_ =	sdelay $0x3  }
0x17b: {  	s29 =	sor.u32 $0x420, s28  }
0x17c: {  	v10 =	vld [tilespmem:s29+$0x1580];
	_ =	sdelay $0x3  }
0x17d: {  	v26 =	vpop (erf)  }
0x17e: {  	v10 =	vmul.f32 v26, v10;
	_ =	sdelay $0x1  }
0x17f: {  	[tilespmem:s11+$0xFFFFFFA0] =	vst v10  }
0x180: {  	v10 =	vld [tilespmem:s20+$0xFFFFFFB0]  }
0x181: {  	v27 =	vld [tilespmem:s26+$0x30];
	_ =	sdelay $0x4  }
0x182: {  	v10 =	vmul.f32 v27, v10;
	_ =	sdelay $0x1  }
0x183: {  	v13 =	vperm.xlane v10, v5;
	_ =	sdelay $0x1  }
0x184: {  	v10 =	vadd.f32 v13, v10;
	_ =	sdelay $0x1  }
0x185: {  	v13 =	vperm.xlane v10, v6;
	_ =	sdelay $0x1  }
0x186: {  	v10 =	vadd.f32 v13, v10;
	_ =	sdelay $0x1  }
0x187: {  	v13 =	vperm.xlane v10, v7;
	_ =	sdelay $0x1  }
0x188: {  	v10 =	vadd.f32 v13, v10;
	_ =	sdelay $0x1  }
0x189: {  	v13 =	vperm.xlane v10, v8;
	_ =	sdelay $0x1  }
0x18a: {  	v10 =	vadd.f32 v13, v10;
	_ =	sdelay $0x1  }
0x18b: {  	v10 =	vmul.f32 $2.500000000e-01, v10;
	_ =	sdelay $0x1  }
0x18c: {  	v10 =	vmul.f32 $1.442695020e+00, v10;
	_ =	sdelay $0x1  }
0x18d: {  	(erf) = vpow2.f32 v10;
	_ =	sdelay $0x3  }
0x18e: {  	s29 =	sor.u32 $0x430, s28  }
0x18f: {  	v10 =	vld [tilespmem:s29+$0x1580];
	_ =	sdelay $0x3  }
0x190: {  	v28 =	vpop (erf)  }
0x191: {  	v10 =	vmul.f32 v28, v10;
	_ =	sdelay $0x1  }
0x192: {  	[tilespmem:s11+$0xFFFFFFB0] =	vst v10  }
0x193: {  	v10 =	vld [tilespmem:s20+$0xFFFFFFC0]  }
0x194: {  	v29 =	vld [tilespmem:s26+$0x40];
	_ =	sdelay $0x4  }
0x195: {  	v10 =	vmul.f32 v29, v10;
	_ =	sdelay $0x1  }
0x196: {  	v14 =	vperm.xlane v10, v5;
	_ =	sdelay $0x1  }
0x197: {  	v10 =	vadd.f32 v14, v10;
	_ =	sdelay $0x1  }
0x198: {  	v14 =	vperm.xlane v10, v6;
	_ =	sdelay $0x1  }
0x199: {  	v10 =	vadd.f32 v14, v10;
	_ =	sdelay $0x1  }
0x19a: {  	v14 =	vperm.xlane v10, v7;
	_ =	sdelay $0x1  }
0x19b: {  	v10 =	vadd.f32 v14, v10;
	_ =	sdelay $0x1  }
0x19c: {  	v14 =	vperm.xlane v10, v8;
	_ =	sdelay $0x1  }
0x19d: {  	v10 =	vadd.f32 v14, v10;
	_ =	sdelay $0x1  }
0x19e: {  	v10 =	vmul.f32 $2.500000000e-01, v10;
	_ =	sdelay $0x1  }
0x19f: {  	v10 =	vmul.f32 $1.442695020e+00, v10;
	_ =	sdelay $0x1  }
0x1a0: {  	(erf) = vpow2.f32 v10;
	_ =	sdelay $0x3  }
0x1a1: {  	s29 =	sor.u32 $0x440, s28  }
0x1a2: {  	v10 =	vld [tilespmem:s29+$0x1580];
	_ =	sdelay $0x3  }
0x1a3: {  	v30 =	vpop (erf)  }
0x1a4: {  	v10 =	vmul.f32 v30, v10;
	_ =	sdelay $0x1  }
0x1a5: {  	[tilespmem:s11+$0xFFFFFFC0] =	vst v10  }
0x1a6: {  	v10 =	vld [tilespmem:s20+$0xFFFFFFD0]  }
0x1a7: {  	v31 =	vld [tilespmem:s26+$0x50];
	_ =	sdelay $0x4  }
0x1a8: {  	v10 =	vmul.f32 v31, v10;
	_ =	sdelay $0x1  }
0x1a9: {  	v15 =	vperm.xlane v10, v5;
	_ =	sdelay $0x1  }
0x1aa: {  	v10 =	vadd.f32 v15, v10;
	_ =	sdelay $0x1  }
0x1ab: {  	v15 =	vperm.xlane v10, v6;
	_ =	sdelay $0x1  }
0x1ac: {  	v10 =	vadd.f32 v15, v10;
	_ =	sdelay $0x1  }
0x1ad: {  	v15 =	vperm.xlane v10, v7;
	_ =	sdelay $0x1  }
0x1ae: {  	v10 =	vadd.f32 v15, v10;
	_ =	sdelay $0x1  }
0x1af: {  	v15 =	vperm.xlane v10, v8;
	_ =	sdelay $0x1  }
0x1b0: {  	v10 =	vadd.f32 v15, v10;
	_ =	sdelay $0x1  }
0x1b1: {  	v10 =	vmul.f32 $2.500000000e-01, v10;
	_ =	sdelay $0x1  }
0x1b2: {  	v10 =	vmul.f32 $1.442695020e+00, v10;
	_ =	sdelay $0x1  }
0x1b3: {  	(erf) = vpow2.f32 v10;
	_ =	sdelay $0x3  }
0x1b4: {  	s29 =	sor.u32 $0x450, s28  }
0x1b5: {  	v10 =	vld [tilespmem:s29+$0x1580];
	_ =	sdelay $0x3  }
0x1b6: {  	v32 =	vpop (erf)  }
0x1b7: {  	v10 =	vmul.f32 v32, v10;
	_ =	sdelay $0x1  }
0x1b8: {  	[tilespmem:s11+$0xFFFFFFD0] =	vst v10  }
0x1b9: {  	v10 =	vld [tilespmem:s20+$0xFFFFFFE0]  }
0x1ba: {  	v33 =	vld [tilespmem:s26+$0x60];
	_ =	sdelay $0x4  }
0x1bb: {  	v10 =	vmul.f32 v33, v10;
	_ =	sdelay $0x1  }
0x1bc: {  	v16 =	vperm.xlane v10, v5;
	_ =	sdelay $0x1  }
0x1bd: {  	v10 =	vadd.f32 v16, v10;
	_ =	sdelay $0x1  }
0x1be: {  	v16 =	vperm.xlane v10, v6;
	_ =	sdelay $0x1  }
0x1bf: {  	v10 =	vadd.f32 v16, v10;
	_ =	sdelay $0x1  }
0x1c0: {  	v16 =	vperm.xlane v10, v7;
	_ =	sdelay $0x1  }
0x1c1: {  	v10 =	vadd.f32 v16, v10;
	_ =	sdelay $0x1  }
0x1c2: {  	v16 =	vperm.xlane v10, v8;
	_ =	sdelay $0x1  }
0x1c3: {  	v10 =	vadd.f32 v16, v10;
	_ =	sdelay $0x1  }
0x1c4: {  	v10 =	vmul.f32 $2.500000000e-01, v10;
	_ =	sdelay $0x1  }
0x1c5: {  	v10 =	vmul.f32 $1.442695020e+00, v10;
	_ =	sdelay $0x1  }
0x1c6: {  	(erf) = vpow2.f32 v10;
	_ =	sdelay $0x3  }
0x1c7: {  	s29 =	sor.u32 $0x460, s28  }
0x1c8: {  	v10 =	vld [tilespmem:s29+$0x1580];
	_ =	sdelay $0x3  }
0x1c9: {  	v34 =	vpop (erf)  }
0x1ca: {  	v10 =	vmul.f32 v34, v10;
	_ =	sdelay $0x1  }
0x1cb: {  	[tilespmem:s11+$0xFFFFFFE0] =	vst v10  }
0x1cc: {  	v10 =	vld [tilespmem:s20+$0xFFFFFFF0]  }
0x1cd: {  	v35 =	vld [tilespmem:s26+$0x70];
	_ =	sdelay $0x4  }
0x1ce: {  	v10 =	vmul.f32 v35, v10;
	_ =	sdelay $0x1  }
0x1cf: {  	v17 =	vperm.xlane v10, v5;
	_ =	sdelay $0x1  }
0x1d0: {  	v10 =	vadd.f32 v17, v10;
	_ =	sdelay $0x1  }
0x1d1: {  	v17 =	vperm.xlane v10, v6;
	_ =	sdelay $0x1  }
0x1d2: {  	v10 =	vadd.f32 v17, v10;
	_ =	sdelay $0x1  }
0x1d3: {  	v17 =	vperm.xlane v10, v7;
	_ =	sdelay $0x1  }
0x1d4: {  	v10 =	vadd.f32 v17, v10;
	_ =	sdelay $0x1  }
0x1d5: {  	v17 =	vperm.xlane v10, v8;
	_ =	sdelay $0x1  }
0x1d6: {  	v10 =	vadd.f32 v17, v10;
	_ =	sdelay $0x1  }
0x1d7: {  	v10 =	vmul.f32 $2.500000000e-01, v10;
	_ =	sdelay $0x1  }
0x1d8: {  	v10 =	vmul.f32 $1.442695020e+00, v10;
	_ =	sdelay $0x1  }
0x1d9: {  	(erf) = vpow2.f32 v10;
	_ =	sdelay $0x3  }
0x1da: {  	s29 =	sadd.s32 $0x1, s1;
	s26 =	sor.u32 $0x470, s28  }
0x1db: {  	v36 =	vmov s29;
	v10 =	vld [tilespmem:s26+$0x1580]  }
0x1dc: {  	v17 =	vand.u32 $0xFFFFFFFD, v36  }
0x1dd: {  	v17 =	vbroadcast v17, $0x0;
	_ =	sdelay $0x1  }
0x1de: {  	v37 =	vpop (erf)  }
0x1df: {  	v10 =	vmul.f32 v37, v10;
	_ =	sdelay $0x1  }
0x1e0: {  	v9 =	vnsel vm1, $0x0, v9;
	[tilespmem:s11+$0xFFFFFFF0] =	vst v10  }
0x1e1: {  	v9 =	vsel vm2, v9, v11;
	v10 =	vld.idx.msk [tilespmem:v17+s24+$0x0], $0xffff  }
0x1e2: {  	v9 =	vsel vm3, v9, v26  }
0x1e3: {  	v9 =	vsel vm4, v9, v28  }
0x1e4: {  	v9 =	vsel vm5, v9, v30  }
0x1e5: {  	v9 =	vsel vm6, v9, v32  }
0x1e6: {  	v9 =	vsel vm7, v9, v34;
	v10 =	vand.u32 $0x7, v10  }
0x1e7: {  	v9 =	vsel vm8, v9, v37;
	vm9 =	veq.s32 v10, $0x0  }
0x1e8: {  	v11 =	vnsel vm9, $0x0, v9;
	vm9 =	veq.s32 v10, $0x1  }
0x1e9: {  	[tilespmem:s14+$0xFFFFFF80] =	vst v11;
	v11 =	vnsel vm9, $0x0, v9;
	vm9 =	veq.s32 v10, $0x2  }
0x1ea: {  	[tilespmem:s14+$0xFFFFFF90] =	vst v11;
	v11 =	vnsel vm9, $0x0, v9;
	vm9 =	veq.s32 v10, $0x3  }
0x1eb: {  	[tilespmem:s14+$0xFFFFFFA0] =	vst v11;
	v11 =	vnsel vm9, $0x0, v9;
	vm9 =	veq.s32 v10, $0x4  }
0x1ec: {  	[tilespmem:s14+$0xFFFFFFB0] =	vst v11;
	v11 =	vnsel vm9, $0x0, v9;
	vm9 =	veq.s32 v10, $0x5  }
0x1ed: {  	[tilespmem:s14+$0xFFFFFFC0] =	vst v11;
	v11 =	vnsel vm9, $0x0, v9;
	vm9 =	veq.s32 v10, $0x6  }
0x1ee: {  	[tilespmem:s14+$0xFFFFFFD0] =	vst v11;
	v11 =	vnsel vm9, $0x0, v9;
	vm9 =	veq.s32 v10, $0x7  }
0x1ef: {  	s28 =	sadd.s32 $0xFFFFFF80, s13;
	[tilespmem:s14+$0xFFFFFFE0] =	vst v11;
	v9 =	vnsel vm9, $0x0, v9  }
0x1f0: {  	s26 =	sand.u32 $0x300, s28;
	[tilespmem:s14+$0xFFFFFFF0] =	vst v9  }
0x1f1: {  	s26 =	sadd.s32 s26, s2;
	v9 =	vld [tilespmem:s20+$0x0]  }
0x1f2: {  	v10 =	vld [tilespmem:s26+$0x0];
	_ =	sdelay $0x4  }
0x1f3: {  	v9 =	vmul.f32 v10, v9;
	_ =	sdelay $0x1  }
0x1f4: {  	v10 =	vperm.xlane v9, v5;
	_ =	sdelay $0x1  }
0x1f5: {  	v9 =	vadd.f32 v10, v9;
	_ =	sdelay $0x1  }
0x1f6: {  	v10 =	vperm.xlane v9, v6;
	_ =	sdelay $0x1  }
0x1f7: {  	v9 =	vadd.f32 v10, v9;
	_ =	sdelay $0x1  }
0x1f8: {  	v10 =	vperm.xlane v9, v7;
	_ =	sdelay $0x1  }
0x1f9: {  	v9 =	vadd.f32 v10, v9;
	_ =	sdelay $0x1  }
0x1fa: {  	v10 =	vperm.xlane v9, v8;
	_ =	sdelay $0x1  }
0x1fb: {  	v9 =	vadd.f32 v10, v9;
	_ =	sdelay $0x1  }
0x1fc: {  	v9 =	vmul.f32 $2.500000000e-01, v9;
	_ =	sdelay $0x1  }
0x1fd: {  	v9 =	vmul.f32 $1.442695020e+00, v9;
	_ =	sdelay $0x1  }
0x1fe: {  	s29 =	sand.u32 $0x3, s19;
	(erf) = vpow2.f32 v9  }
0x1ff: {  	s28 =	sshll.u32 s29, $0x8  }
0x200: {  	s28 =	sadd.s32 s22, s28  }
0x201: {  	s28 =	sadd.s32 $0x100, s28  }
0x202: {  	s29 =	sor.u32 $0x400, s28  }
0x203: {  	v10 =	vld [tilespmem:s29+$0x1580];
	_ =	sdelay $0x3  }
0x204: {  	v9 =	vpop (erf)  }
0x205: {  	v10 =	vmul.f32 v9, v10;
	_ =	sdelay $0x1  }
0x206: {  	[tilespmem:s11+$0x0] =	vst v10  }
0x207: {  	v10 =	vld [tilespmem:s20+$0x10]  }
0x208: {  	v11 =	vld [tilespmem:s26+$0x10];
	_ =	sdelay $0x4  }
0x209: {  	v10 =	vmul.f32 v11, v10;
	_ =	sdelay $0x1  }
0x20a: {  	v11 =	vperm.xlane v10, v5;
	_ =	sdelay $0x1  }
0x20b: {  	v10 =	vadd.f32 v11, v10;
	_ =	sdelay $0x1  }
0x20c: {  	v11 =	vperm.xlane v10, v6;
	_ =	sdelay $0x1  }
0x20d: {  	v10 =	vadd.f32 v11, v10;
	_ =	sdelay $0x1  }
0x20e: {  	v11 =	vperm.xlane v10, v7;
	_ =	sdelay $0x1  }
0x20f: {  	v10 =	vadd.f32 v11, v10;
	_ =	sdelay $0x1  }
0x210: {  	v11 =	vperm.xlane v10, v8;
	_ =	sdelay $0x1  }
0x211: {  	v10 =	vadd.f32 v11, v10;
	_ =	sdelay $0x1  }
0x212: {  	v10 =	vmul.f32 $2.500000000e-01, v10;
	_ =	sdelay $0x1  }
0x213: {  	v10 =	vmul.f32 $1.442695020e+00, v10;
	_ =	sdelay $0x1  }
0x214: {  	(erf) = vpow2.f32 v10;
	_ =	sdelay $0x3  }
0x215: {  	s29 =	sor.u32 $0x410, s28  }
0x216: {  	v10 =	vld [tilespmem:s29+$0x1580];
	_ =	sdelay $0x3  }
0x217: {  	v11 =	vpop (erf)  }
0x218: {  	v10 =	vmul.f32 v11, v10;
	_ =	sdelay $0x1  }
0x219: {  	[tilespmem:s11+$0x10] =	vst v10  }
0x21a: {  	v10 =	vld [tilespmem:s20+$0x20]  }
0x21b: {  	v38 =	vld [tilespmem:s26+$0x20];
	_ =	sdelay $0x4  }
0x21c: {  	v10 =	vmul.f32 v38, v10;
	_ =	sdelay $0x1  }
0x21d: {  	v12 =	vperm.xlane v10, v5;
	_ =	sdelay $0x1  }
0x21e: {  	v10 =	vadd.f32 v12, v10;
	_ =	sdelay $0x1  }
0x21f: {  	v12 =	vperm.xlane v10, v6;
	_ =	sdelay $0x1  }
0x220: {  	v10 =	vadd.f32 v12, v10;
	_ =	sdelay $0x1  }
0x221: {  	v12 =	vperm.xlane v10, v7;
	_ =	sdelay $0x1  }
0x222: {  	v10 =	vadd.f32 v12, v10;
	_ =	sdelay $0x1  }
0x223: {  	v12 =	vperm.xlane v10, v8;
	_ =	sdelay $0x1  }
0x224: {  	v10 =	vadd.f32 v12, v10;
	_ =	sdelay $0x1  }
0x225: {  	v10 =	vmul.f32 $2.500000000e-01, v10;
	_ =	sdelay $0x1  }
0x226: {  	v10 =	vmul.f32 $1.442695020e+00, v10;
	_ =	sdelay $0x1  }
0x227: {  	(erf) = vpow2.f32 v10;
	_ =	sdelay $0x3  }
0x228: {  	s29 =	sor.u32 $0x420, s28  }
0x229: {  	v10 =	vld [tilespmem:s29+$0x1580];
	_ =	sdelay $0x3  }
0x22a: {  	v39 =	vpop (erf)  }
0x22b: {  	v10 =	vmul.f32 v39, v10;
	_ =	sdelay $0x1  }
0x22c: {  	[tilespmem:s11+$0x20] =	vst v10  }
0x22d: {  	v10 =	vld [tilespmem:s20+$0x30]  }
0x22e: {  	v40 =	vld [tilespmem:s26+$0x30];
	_ =	sdelay $0x4  }
0x22f: {  	v10 =	vmul.f32 v40, v10;
	_ =	sdelay $0x1  }
0x230: {  	v13 =	vperm.xlane v10, v5;
	_ =	sdelay $0x1  }
0x231: {  	v10 =	vadd.f32 v13, v10;
	_ =	sdelay $0x1  }
0x232: {  	v13 =	vperm.xlane v10, v6;
	_ =	sdelay $0x1  }
0x233: {  	v10 =	vadd.f32 v13, v10;
	_ =	sdelay $0x1  }
0x234: {  	v13 =	vperm.xlane v10, v7;
	_ =	sdelay $0x1  }
0x235: {  	v10 =	vadd.f32 v13, v10;
	_ =	sdelay $0x1  }
0x236: {  	v13 =	vperm.xlane v10, v8;
	_ =	sdelay $0x1  }
0x237: {  	v10 =	vadd.f32 v13, v10;
	_ =	sdelay $0x1  }
0x238: {  	v10 =	vmul.f32 $2.500000000e-01, v10;
	_ =	sdelay $0x1  }
0x239: {  	v10 =	vmul.f32 $1.442695020e+00, v10;
	_ =	sdelay $0x1  }
0x23a: {  	(erf) = vpow2.f32 v10;
	_ =	sdelay $0x3  }
0x23b: {  	s29 =	sor.u32 $0x430, s28  }
0x23c: {  	v10 =	vld [tilespmem:s29+$0x1580];
	_ =	sdelay $0x3  }
0x23d: {  	v41 =	vpop (erf)  }
0x23e: {  	v10 =	vmul.f32 v41, v10;
	_ =	sdelay $0x1  }
0x23f: {  	[tilespmem:s11+$0x30] =	vst v10  }
0x240: {  	v10 =	vld [tilespmem:s20+$0x40]  }
0x241: {  	v42 =	vld [tilespmem:s26+$0x40];
	_ =	sdelay $0x4  }
0x242: {  	v10 =	vmul.f32 v42, v10;
	_ =	sdelay $0x1  }
0x243: {  	v14 =	vperm.xlane v10, v5;
	_ =	sdelay $0x1  }
0x244: {  	v10 =	vadd.f32 v14, v10;
	_ =	sdelay $0x1  }
0x245: {  	v14 =	vperm.xlane v10, v6;
	_ =	sdelay $0x1  }
0x246: {  	v10 =	vadd.f32 v14, v10;
	_ =	sdelay $0x1  }
0x247: {  	v14 =	vperm.xlane v10, v7;
	_ =	sdelay $0x1  }
0x248: {  	v10 =	vadd.f32 v14, v10;
	_ =	sdelay $0x1  }
0x249: {  	v14 =	vperm.xlane v10, v8;
	_ =	sdelay $0x1  }
0x24a: {  	v10 =	vadd.f32 v14, v10;
	_ =	sdelay $0x1  }
0x24b: {  	v10 =	vmul.f32 $2.500000000e-01, v10;
	_ =	sdelay $0x1  }
0x24c: {  	v10 =	vmul.f32 $1.442695020e+00, v10;
	_ =	sdelay $0x1  }
0x24d: {  	(erf) = vpow2.f32 v10;
	_ =	sdelay $0x3  }
0x24e: {  	s29 =	sor.u32 $0x440, s28  }
0x24f: {  	v10 =	vld [tilespmem:s29+$0x1580];
	_ =	sdelay $0x3  }
0x250: {  	v43 =	vpop (erf)  }
0x251: {  	v10 =	vmul.f32 v43, v10;
	_ =	sdelay $0x1  }
0x252: {  	[tilespmem:s11+$0x40] =	vst v10  }
0x253: {  	v10 =	vld [tilespmem:s20+$0x50]  }
0x254: {  	v44 =	vld [tilespmem:s26+$0x50];
	_ =	sdelay $0x4  }
0x255: {  	v10 =	vmul.f32 v44, v10;
	_ =	sdelay $0x1  }
0x256: {  	v15 =	vperm.xlane v10, v5;
	_ =	sdelay $0x1  }
0x257: {  	v10 =	vadd.f32 v15, v10;
	_ =	sdelay $0x1  }
0x258: {  	v15 =	vperm.xlane v10, v6;
	_ =	sdelay $0x1  }
0x259: {  	v10 =	vadd.f32 v15, v10;
	_ =	sdelay $0x1  }
0x25a: {  	v15 =	vperm.xlane v10, v7;
	_ =	sdelay $0x1  }
0x25b: {  	v10 =	vadd.f32 v15, v10;
	_ =	sdelay $0x1  }
0x25c: {  	v15 =	vperm.xlane v10, v8;
	_ =	sdelay $0x1  }
0x25d: {  	v10 =	vadd.f32 v15, v10;
	_ =	sdelay $0x1  }
0x25e: {  	v10 =	vmul.f32 $2.500000000e-01, v10;
	_ =	sdelay $0x1  }
0x25f: {  	v10 =	vmul.f32 $1.442695020e+00, v10;
	_ =	sdelay $0x1  }
0x260: {  	(erf) = vpow2.f32 v10;
	_ =	sdelay $0x3  }
0x261: {  	s29 =	sor.u32 $0x450, s28  }
0x262: {  	v10 =	vld [tilespmem:s29+$0x1580];
	_ =	sdelay $0x3  }
0x263: {  	v45 =	vpop (erf)  }
0x264: {  	v10 =	vmul.f32 v45, v10;
	_ =	sdelay $0x1  }
0x265: {  	[tilespmem:s11+$0x50] =	vst v10  }
0x266: {  	v10 =	vld [tilespmem:s20+$0x60]  }
0x267: {  	v46 =	vld [tilespmem:s26+$0x60];
	_ =	sdelay $0x4  }
0x268: {  	v10 =	vmul.f32 v46, v10;
	_ =	sdelay $0x1  }
0x269: {  	v16 =	vperm.xlane v10, v5;
	_ =	sdelay $0x1  }
0x26a: {  	v10 =	vadd.f32 v16, v10;
	_ =	sdelay $0x1  }
0x26b: {  	v16 =	vperm.xlane v10, v6;
	_ =	sdelay $0x1  }
0x26c: {  	v10 =	vadd.f32 v16, v10;
	_ =	sdelay $0x1  }
0x26d: {  	v16 =	vperm.xlane v10, v7;
	_ =	sdelay $0x1  }
0x26e: {  	v10 =	vadd.f32 v16, v10;
	_ =	sdelay $0x1  }
0x26f: {  	v16 =	vperm.xlane v10, v8;
	_ =	sdelay $0x1  }
0x270: {  	v10 =	vadd.f32 v16, v10;
	_ =	sdelay $0x1  }
0x271: {  	v10 =	vmul.f32 $2.500000000e-01, v10;
	_ =	sdelay $0x1  }
0x272: {  	v10 =	vmul.f32 $1.442695020e+00, v10;
	_ =	sdelay $0x1  }
0x273: {  	(erf) = vpow2.f32 v10;
	_ =	sdelay $0x3  }
0x274: {  	s29 =	sor.u32 $0x460, s28  }
0x275: {  	v10 =	vld [tilespmem:s29+$0x1580];
	_ =	sdelay $0x3  }
0x276: {  	v47 =	vpop (erf)  }
0x277: {  	v10 =	vmul.f32 v47, v10;
	_ =	sdelay $0x1  }
0x278: {  	[tilespmem:s11+$0x60] =	vst v10  }
0x279: {  	v10 =	vld [tilespmem:s20+$0x70]  }
0x27a: {  	v48 =	vld [tilespmem:s26+$0x70];
	_ =	sdelay $0x4  }
0x27b: {  	v10 =	vmul.f32 v48, v10;
	_ =	sdelay $0x1  }
0x27c: {  	v17 =	vperm.xlane v10, v5;
	_ =	sdelay $0x1  }
0x27d: {  	v10 =	vadd.f32 v17, v10;
	_ =	sdelay $0x1  }
0x27e: {  	v17 =	vperm.xlane v10, v6;
	_ =	sdelay $0x1  }
0x27f: {  	v10 =	vadd.f32 v17, v10;
	_ =	sdelay $0x1  }
0x280: {  	v17 =	vperm.xlane v10, v7;
	_ =	sdelay $0x1  }
0x281: {  	v10 =	vadd.f32 v17, v10;
	_ =	sdelay $0x1  }
0x282: {  	v17 =	vperm.xlane v10, v8;
	_ =	sdelay $0x1  }
0x283: {  	v10 =	vadd.f32 v17, v10;
	_ =	sdelay $0x1  }
0x284: {  	v10 =	vmul.f32 $2.500000000e-01, v10;
	_ =	sdelay $0x1  }
0x285: {  	v10 =	vmul.f32 $1.442695020e+00, v10;
	_ =	sdelay $0x1  }
0x286: {  	(erf) = vpow2.f32 v10;
	_ =	sdelay $0x3  }
0x287: {  	s29 =	sadd.s32 $0x2, s1;
	s26 =	sor.u32 $0x470, s28  }
0x288: {  	v49 =	vmov s29;
	v10 =	vld [tilespmem:s26+$0x1580]  }
0x289: {  	v17 =	vand.u32 $0xFFFFFFFE, v49  }
0x28a: {  	v17 =	vbroadcast v17, $0x0;
	_ =	sdelay $0x1  }
0x28b: {  	v50 =	vpop (erf)  }
0x28c: {  	v10 =	vmul.f32 v50, v10;
	_ =	sdelay $0x1  }
0x28d: {  	v9 =	vnsel vm1, $0x0, v9;
	[tilespmem:s11+$0x70] =	vst v10  }
0x28e: {  	v9 =	vsel vm2, v9, v11;
	v10 =	vld.idx.msk [tilespmem:v17+s24+$0x0], $0xffff  }
0x28f: {  	v9 =	vsel vm3, v9, v39  }
0x290: {  	v9 =	vsel vm4, v9, v41  }
0x291: {  	v9 =	vsel vm5, v9, v43  }
0x292: {  	v9 =	vsel vm6, v9, v45  }
0x293: {  	v9 =	vsel vm7, v9, v47;
	v10 =	vand.u32 $0x7, v10  }
0x294: {  	v9 =	vsel vm8, v9, v50;
	vm9 =	veq.s32 v10, $0x0  }
0x295: {  	v11 =	vnsel vm9, $0x0, v9;
	vm9 =	veq.s32 v10, $0x1  }
0x296: {  	[tilespmem:s14+$0x0] =	vst v11;
	v11 =	vnsel vm9, $0x0, v9;
	vm9 =	veq.s32 v10, $0x2  }
0x297: {  	[tilespmem:s14+$0x10] =	vst v11;
	v11 =	vnsel vm9, $0x0, v9;
	vm9 =	veq.s32 v10, $0x3  }
0x298: {  	[tilespmem:s14+$0x20] =	vst v11;
	v11 =	vnsel vm9, $0x0, v9;
	vm9 =	veq.s32 v10, $0x4  }
0x299: {  	[tilespmem:s14+$0x30] =	vst v11;
	v11 =	vnsel vm9, $0x0, v9;
	vm9 =	veq.s32 v10, $0x5  }
0x29a: {  	[tilespmem:s14+$0x40] =	vst v11;
	v11 =	vnsel vm9, $0x0, v9;
	vm9 =	veq.s32 v10, $0x6  }
0x29b: {  	[tilespmem:s14+$0x50] =	vst v11;
	v11 =	vnsel vm9, $0x0, v9;
	vm9 =	veq.s32 v10, $0x7  }
0x29c: {  	[tilespmem:s14+$0x60] =	vst v11;
	v9 =	vnsel vm9, $0x0, v9  }
0x29d: {  	s28 =	sand.u32 $0x380, s13;
	[tilespmem:s14+$0x70] =	vst v9  }
0x29e: {  	s2 =	sadd.s32 s28, s2;
	v9 =	vld [tilespmem:s20+$0x80]  }
0x29f: {  	v10 =	vld [tilespmem:s2+$0x0];
	_ =	sdelay $0x4  }
0x2a0: {  	v9 =	vmul.f32 v10, v9;
	_ =	sdelay $0x1  }
0x2a1: {  	v10 =	vperm.xlane v9, v5;
	_ =	sdelay $0x1  }
0x2a2: {  	v9 =	vadd.f32 v10, v9;
	_ =	sdelay $0x1  }
0x2a3: {  	v10 =	vperm.xlane v9, v6;
	_ =	sdelay $0x1  }
0x2a4: {  	v9 =	vadd.f32 v10, v9;
	_ =	sdelay $0x1  }
0x2a5: {  	v10 =	vperm.xlane v9, v7;
	_ =	sdelay $0x1  }
0x2a6: {  	v9 =	vadd.f32 v10, v9;
	_ =	sdelay $0x1  }
0x2a7: {  	v10 =	vperm.xlane v9, v8;
	_ =	sdelay $0x1  }
0x2a8: {  	v9 =	vadd.f32 v10, v9;
	_ =	sdelay $0x1  }
0x2a9: {  	v9 =	vmul.f32 $2.500000000e-01, v9;
	_ =	sdelay $0x1  }
0x2aa: {  	v9 =	vmul.f32 $1.442695020e+00, v9;
	_ =	sdelay $0x1  }
0x2ab: {  	(erf) = vpow2.f32 v9;
	_ =	sdelay $0x2  }
0x2ac: {  	s3 =	sadd.s32 $0x180, s3  }
0x2ad: {  	s29 =	sor.u32 $0x400, s3  }
0x2ae: {  	v10 =	vld [tilespmem:s29+$0x1580];
	_ =	sdelay $0x3  }
0x2af: {  	v9 =	vpop (erf)  }
0x2b0: {  	v10 =	vmul.f32 v9, v10;
	_ =	sdelay $0x1  }
0x2b1: {  	[tilespmem:s11+$0x80] =	vst v10  }
0x2b2: {  	v10 =	vld [tilespmem:s20+$0x90]  }
0x2b3: {  	v11 =	vld [tilespmem:s2+$0x10];
	_ =	sdelay $0x4  }
0x2b4: {  	v10 =	vmul.f32 v11, v10;
	_ =	sdelay $0x1  }
0x2b5: {  	v11 =	vperm.xlane v10, v5;
	_ =	sdelay $0x1  }
0x2b6: {  	v10 =	vadd.f32 v11, v10;
	_ =	sdelay $0x1  }
0x2b7: {  	v11 =	vperm.xlane v10, v6;
	_ =	sdelay $0x1  }
0x2b8: {  	v10 =	vadd.f32 v11, v10;
	_ =	sdelay $0x1  }
0x2b9: {  	v11 =	vperm.xlane v10, v7;
	_ =	sdelay $0x1  }
0x2ba: {  	v10 =	vadd.f32 v11, v10;
	_ =	sdelay $0x1  }
0x2bb: {  	v11 =	vperm.xlane v10, v8;
	_ =	sdelay $0x1  }
0x2bc: {  	v10 =	vadd.f32 v11, v10;
	_ =	sdelay $0x1  }
0x2bd: {  	v10 =	vmul.f32 $2.500000000e-01, v10;
	_ =	sdelay $0x1  }
0x2be: {  	v10 =	vmul.f32 $1.442695020e+00, v10;
	_ =	sdelay $0x1  }
0x2bf: {  	(erf) = vpow2.f32 v10;
	_ =	sdelay $0x3  }
0x2c0: {  	s28 =	sor.u32 $0x410, s3  }
0x2c1: {  	v10 =	vld [tilespmem:s28+$0x1580];
	_ =	sdelay $0x3  }
0x2c2: {  	v11 =	vpop (erf)  }
0x2c3: {  	v10 =	vmul.f32 v11, v10;
	_ =	sdelay $0x1  }
0x2c4: {  	[tilespmem:s11+$0x90] =	vst v10  }
0x2c5: {  	v10 =	vld [tilespmem:s20+$0xA0]  }
0x2c6: {  	v51 =	vld [tilespmem:s2+$0x20];
	_ =	sdelay $0x4  }
0x2c7: {  	v10 =	vmul.f32 v51, v10;
	_ =	sdelay $0x1  }
0x2c8: {  	v12 =	vperm.xlane v10, v5;
	_ =	sdelay $0x1  }
0x2c9: {  	v10 =	vadd.f32 v12, v10;
	_ =	sdelay $0x1  }
0x2ca: {  	v12 =	vperm.xlane v10, v6;
	_ =	sdelay $0x1  }
0x2cb: {  	v10 =	vadd.f32 v12, v10;
	_ =	sdelay $0x1  }
0x2cc: {  	v12 =	vperm.xlane v10, v7;
	_ =	sdelay $0x1  }
0x2cd: {  	v10 =	vadd.f32 v12, v10;
	_ =	sdelay $0x1  }
0x2ce: {  	v12 =	vperm.xlane v10, v8;
	_ =	sdelay $0x1  }
0x2cf: {  	v10 =	vadd.f32 v12, v10;
	_ =	sdelay $0x1  }
0x2d0: {  	v10 =	vmul.f32 $2.500000000e-01, v10;
	_ =	sdelay $0x1  }
0x2d1: {  	v10 =	vmul.f32 $1.442695020e+00, v10;
	_ =	sdelay $0x1  }
0x2d2: {  	(erf) = vpow2.f32 v10;
	_ =	sdelay $0x3  }
0x2d3: {  	s29 =	sor.u32 $0x420, s3  }
0x2d4: {  	v10 =	vld [tilespmem:s29+$0x1580];
	_ =	sdelay $0x3  }
0x2d5: {  	v52 =	vpop (erf)  }
0x2d6: {  	v10 =	vmul.f32 v52, v10;
	_ =	sdelay $0x1  }
0x2d7: {  	[tilespmem:s11+$0xA0] =	vst v10  }
0x2d8: {  	v10 =	vld [tilespmem:s20+$0xB0]  }
0x2d9: {  	v53 =	vld [tilespmem:s2+$0x30];
	_ =	sdelay $0x4  }
0x2da: {  	v10 =	vmul.f32 v53, v10;
	_ =	sdelay $0x1  }
0x2db: {  	v13 =	vperm.xlane v10, v5;
	_ =	sdelay $0x1  }
0x2dc: {  	v10 =	vadd.f32 v13, v10;
	_ =	sdelay $0x1  }
0x2dd: {  	v13 =	vperm.xlane v10, v6;
	_ =	sdelay $0x1  }
0x2de: {  	v10 =	vadd.f32 v13, v10;
	_ =	sdelay $0x1  }
0x2df: {  	v13 =	vperm.xlane v10, v7;
	_ =	sdelay $0x1  }
0x2e0: {  	v10 =	vadd.f32 v13, v10;
	_ =	sdelay $0x1  }
0x2e1: {  	v13 =	vperm.xlane v10, v8;
	_ =	sdelay $0x1  }
0x2e2: {  	v10 =	vadd.f32 v13, v10;
	_ =	sdelay $0x1  }
0x2e3: {  	v10 =	vmul.f32 $2.500000000e-01, v10;
	_ =	sdelay $0x1  }
0x2e4: {  	v10 =	vmul.f32 $1.442695020e+00, v10;
	_ =	sdelay $0x1  }
0x2e5: {  	(erf) = vpow2.f32 v10;
	_ =	sdelay $0x3  }
0x2e6: {  	s28 =	sor.u32 $0x430, s3  }
0x2e7: {  	v10 =	vld [tilespmem:s28+$0x1580];
	_ =	sdelay $0x3  }
0x2e8: {  	v54 =	vpop (erf)  }
0x2e9: {  	v10 =	vmul.f32 v54, v10;
	_ =	sdelay $0x1  }
0x2ea: {  	[tilespmem:s11+$0xB0] =	vst v10  }
0x2eb: {  	v10 =	vld [tilespmem:s20+$0xC0]  }
0x2ec: {  	v55 =	vld [tilespmem:s2+$0x40];
	_ =	sdelay $0x4  }
0x2ed: {  	v10 =	vmul.f32 v55, v10;
	_ =	sdelay $0x1  }
0x2ee: {  	v14 =	vperm.xlane v10, v5;
	_ =	sdelay $0x1  }
0x2ef: {  	v10 =	vadd.f32 v14, v10;
	_ =	sdelay $0x1  }
0x2f0: {  	v14 =	vperm.xlane v10, v6;
	_ =	sdelay $0x1  }
0x2f1: {  	v10 =	vadd.f32 v14, v10;
	_ =	sdelay $0x1  }
0x2f2: {  	v14 =	vperm.xlane v10, v7;
	_ =	sdelay $0x1  }
0x2f3: {  	v10 =	vadd.f32 v14, v10;
	_ =	sdelay $0x1  }
0x2f4: {  	v14 =	vperm.xlane v10, v8;
	_ =	sdelay $0x1  }
0x2f5: {  	v10 =	vadd.f32 v14, v10;
	_ =	sdelay $0x1  }
0x2f6: {  	v10 =	vmul.f32 $2.500000000e-01, v10;
	_ =	sdelay $0x1  }
0x2f7: {  	v10 =	vmul.f32 $1.442695020e+00, v10;
	_ =	sdelay $0x1  }
0x2f8: {  	(erf) = vpow2.f32 v10;
	_ =	sdelay $0x3  }
0x2f9: {  	s29 =	sor.u32 $0x440, s3  }
0x2fa: {  	v10 =	vld [tilespmem:s29+$0x1580];
	_ =	sdelay $0x3  }
0x2fb: {  	v56 =	vpop (erf)  }
0x2fc: {  	v10 =	vmul.f32 v56, v10;
	_ =	sdelay $0x1  }
0x2fd: {  	[tilespmem:s11+$0xC0] =	vst v10  }
0x2fe: {  	v10 =	vld [tilespmem:s20+$0xD0]  }
0x2ff: {  	v57 =	vld [tilespmem:s2+$0x50];
	_ =	sdelay $0x4  }
0x300: {  	v10 =	vmul.f32 v57, v10;
	_ =	sdelay $0x1  }
0x301: {  	v15 =	vperm.xlane v10, v5;
	_ =	sdelay $0x1  }
0x302: {  	v10 =	vadd.f32 v15, v10;
	_ =	sdelay $0x1  }
0x303: {  	v15 =	vperm.xlane v10, v6;
	_ =	sdelay $0x1  }
0x304: {  	v10 =	vadd.f32 v15, v10;
	_ =	sdelay $0x1  }
0x305: {  	v15 =	vperm.xlane v10, v7;
	_ =	sdelay $0x1  }
0x306: {  	v10 =	vadd.f32 v15, v10;
	_ =	sdelay $0x1  }
0x307: {  	v15 =	vperm.xlane v10, v8;
	_ =	sdelay $0x1  }
0x308: {  	v10 =	vadd.f32 v15, v10;
	_ =	sdelay $0x1  }
0x309: {  	v10 =	vmul.f32 $2.500000000e-01, v10;
	_ =	sdelay $0x1  }
0x30a: {  	v10 =	vmul.f32 $1.442695020e+00, v10;
	_ =	sdelay $0x1  }
0x30b: {  	(erf) = vpow2.f32 v10;
	_ =	sdelay $0x3  }
0x30c: {  	s28 =	sor.u32 $0x450, s3  }
0x30d: {  	v10 =	vld [tilespmem:s28+$0x1580];
	_ =	sdelay $0x3  }
0x30e: {  	v58 =	vpop (erf)  }
0x30f: {  	v10 =	vmul.f32 v58, v10;
	_ =	sdelay $0x1  }
0x310: {  	[tilespmem:s11+$0xD0] =	vst v10  }
0x311: {  	v10 =	vld [tilespmem:s20+$0xE0]  }
0x312: {  	v59 =	vld [tilespmem:s2+$0x60];
	_ =	sdelay $0x4  }
0x313: {  	v10 =	vmul.f32 v59, v10;
	_ =	sdelay $0x1  }
0x314: {  	v16 =	vperm.xlane v10, v5;
	_ =	sdelay $0x1  }
0x315: {  	v10 =	vadd.f32 v16, v10;
	_ =	sdelay $0x1  }
0x316: {  	v16 =	vperm.xlane v10, v6;
	_ =	sdelay $0x1  }
0x317: {  	v10 =	vadd.f32 v16, v10;
	_ =	sdelay $0x1  }
0x318: {  	v16 =	vperm.xlane v10, v7;
	_ =	sdelay $0x1  }
0x319: {  	v10 =	vadd.f32 v16, v10;
	_ =	sdelay $0x1  }
0x31a: {  	v16 =	vperm.xlane v10, v8;
	_ =	sdelay $0x1  }
0x31b: {  	v10 =	vadd.f32 v16, v10;
	_ =	sdelay $0x1  }
0x31c: {  	v10 =	vmul.f32 $2.500000000e-01, v10;
	_ =	sdelay $0x1  }
0x31d: {  	v10 =	vmul.f32 $1.442695020e+00, v10;
	_ =	sdelay $0x1  }
0x31e: {  	(erf) = vpow2.f32 v10;
	_ =	sdelay $0x3  }
0x31f: {  	s29 =	sor.u32 $0x460, s3  }
0x320: {  	v10 =	vld [tilespmem:s29+$0x1580];
	_ =	sdelay $0x3  }
0x321: {  	v60 =	vpop (erf)  }
0x322: {  	v10 =	vmul.f32 v60, v10;
	_ =	sdelay $0x1  }
0x323: {  	[tilespmem:s11+$0xE0] =	vst v10  }
0x324: {  	v10 =	vld [tilespmem:s20+$0xF0]  }
0x325: {  	v61 =	vld [tilespmem:s2+$0x70];
	_ =	sdelay $0x4  }
0x326: {  	v10 =	vmul.f32 v61, v10;
	_ =	sdelay $0x1  }
0x327: {  	v17 =	vperm.xlane v10, v5;
	_ =	sdelay $0x1  }
0x328: {  	v10 =	vadd.f32 v17, v10;
	_ =	sdelay $0x1  }
0x329: {  	v17 =	vperm.xlane v10, v6;
	_ =	sdelay $0x1  }
0x32a: {  	v10 =	vadd.f32 v17, v10;
	_ =	sdelay $0x1  }
0x32b: {  	v17 =	vperm.xlane v10, v7;
	_ =	sdelay $0x1  }
0x32c: {  	v10 =	vadd.f32 v17, v10;
	_ =	sdelay $0x1  }
0x32d: {  	v17 =	vperm.xlane v10, v8;
	_ =	sdelay $0x1  }
0x32e: {  	v10 =	vadd.f32 v17, v10;
	_ =	sdelay $0x1  }
0x32f: {  	v10 =	vmul.f32 $2.500000000e-01, v10;
	_ =	sdelay $0x1  }
0x330: {  	v10 =	vmul.f32 $1.442695020e+00, v10;
	_ =	sdelay $0x1  }
0x331: {  	(erf) = vpow2.f32 v10;
	_ =	sdelay $0x3  }
0x332: {  	s28 =	sor.u32 $0x470, s3  }
0x333: {  	v10 =	vld [tilespmem:s28+$0x1580];
	_ =	sdelay $0x1  }
0x334: {  	s29 =	sadd.s32 $0x3, s1  }
0x335: {  	v62 =	vmov s29  }
0x336: {  	v63 =	vpop (erf)  }
0x337: {  	v10 =	vmul.f32 v63, v10;
	_ =	sdelay $0x1  }
0x338: {  	v9 =	vnsel vm1, $0x0, v9;
	[tilespmem:s11+$0xF0] =	vst v10  }
0x339: {  	v9 =	vsel vm2, v9, v11;
	v10 =	vld.idx.msk [tilespmem:v62+s24+$0x0], $0xffff  }
0x33a: {  	v9 =	vsel vm3, v9, v52  }
0x33b: {  	v9 =	vsel vm4, v9, v54  }
0x33c: {  	v9 =	vsel vm5, v9, v56  }
0x33d: {  	v9 =	vsel vm6, v9, v58  }
0x33e: {  	v9 =	vsel vm7, v9, v60;
	v10 =	vand.u32 $0x7, v10  }
0x33f: {  	v9 =	vsel vm8, v9, v63;
	vm9 =	veq.s32 v10, $0x0  }
0x340: {  	v11 =	vnsel vm9, $0x0, v9;
	vm9 =	veq.s32 v10, $0x1  }
0x341: {  	[tilespmem:s14+$0x80] =	vst v11;
	v11 =	vnsel vm9, $0x0, v9;
	vm9 =	veq.s32 v10, $0x2  }
0x342: {  	[tilespmem:s14+$0x90] =	vst v11;
	v11 =	vnsel vm9, $0x0, v9;
	vm9 =	veq.s32 v10, $0x3  }
0x343: {  	p1 =	slt.u32 s1, $0x24;
	[tilespmem:s14+$0xA0] =	vst v11;
	v11 =	vnsel vm9, $0x0, v9;
	vm9 =	veq.s32 v10, $0x4  }
.Ltmp3:
0x344: {  	[tilespmem:s14+$0xB0] =	vst v11;
	v11 =	vnsel vm9, $0x0, v9;
	vm9 =	veq.s32 v10, $0x5;
	(pc) =	sbr.rel @p1 .LBB2_9-.Ltmp3, $4  }
0x345: {  	[tilespmem:s14+$0xC0] =	vst v11;
	v11 =	vnsel vm9, $0x0, v9;
	vm9 =	veq.s32 v10, $0x6  }
0x346: {  	p0 =	por !p0, !p0;
	s15 =	sadd.s32 $0x4, s15;
	s19 =	sadd.s32 $0x2, s19;
	[tilespmem:s14+$0xD0] =	vst v11;
	v11 =	vnsel vm9, $0x0, v9;
	vm9 =	veq.s32 v10, $0x7  }
0x347: {  	s22 =	sadd.s32 $0x400, s22;
	s13 =	sadd.s32 $0x200, s13;
	s1 =	sadd.s32 $0x4, s1;
	[tilespmem:s14+$0xE0] =	vst v11;
	v9 =	vnsel vm9, $0x0, v9  }
0x348: {  	s20 =	sadd.s32 $0x200, s20;
	s11 =	sadd.s32 $0x200, s11;
	[tilespmem:s14+$0xF0] =	vst v9;
	s14 =	sadd.s32 $0x200, s14  }
0x349: {  	s1 =	rddreg [dreg:$0x2]  }
0x34a: {  	[spmem:s1] =	stream.indirect.scatter.add.f32 [tilespmem:s21], [sflag:$0x3], $0x80, s24, s25, $0xb8;
	[tilespmem:$0x1CA00] =	vst v63  }
0x34b: {  	_ =	swait.ge [sflag:s23], $0x1400  }
0x34c: {  	s12 =	sadd.s32 $0x1, s12;
	[sflag:s23] =	ssyncset.done $0x0  }
0x34d: {  	p0 =	sne.s32 s12, $0xFA;
	[sflag:s23] =	ssyncadd.s32 $0xFFFFEC00  }
.Ltmp4:
0x34e: {  	s29 =	rddreg [dreg:$0x3];
	(pc) =	sbr.rel @p0 .LBB2_8-.Ltmp4, $4  }
0x34f: {  	[spmem:s29] =	stream.indirect.scatter.add.f32 [tilespmem:s18], [sflag:$0x3], $0x80, s17, s16, $0xb8;
	[tilespmem:$0x1CA00] =	vst v63  }
0x350: {  	_ =	swait.ge [sflag:s23], $0x1800  }
0x351: {  	[sflag:s23] =	ssyncset.done $0x0  }
0x352: {  	[sflag:s23] =	ssyncadd.s32 $0xFFFFE800  }
0x353: {  	[bflag:$0x0] =	sbarrier.arrive $0xFFFF  }
0x354: {  	s26 =	simm.s32 $0x4;
	s14 =	rddreg [dreg:$0x6]  }
0x355: {  	[tilespmem:s21], [sflag:$0x4] =	stream.linear.gather [spmem:s14], $0x1400, $0x38;
	[tilespmem:$0x1CA00] =	vst v63  }
0x356: {  	_ =	swait.ge [sflag:s26], $0x1400  }
0x357: {  	[sflag:s26] =	ssyncset.done $0x0  }
0x358: {  	s1 =	simm.s32 $0x0;
	s2 =	rddreg [dreg:$0xa];
	[sflag:s26] =	ssyncadd.s32 $0xFFFFEC00  }
0x359: {  	[hbm4b:s2+s1] =	stream.linear.scatter [tilespmem:s21], [sflag:$0x4], $0x1400, $0x38;
	[tilespmem:$0x1CA00] =	vst v63  }
0x35a: {  	_ =	swait.ge [sflag:s26], $0x1400  }
0x35b: {  	[sflag:s26] =	ssyncset.done $0x0  }
0x35c: {  	s15 =	rddreg [dreg:$0x7];
	[sflag:s26] =	ssyncadd.s32 $0xFFFFEC00  }
0x35d: {  	[tilespmem:s21], [sflag:$0x4] =	stream.linear.gather [spmem:s15], $0x1400, $0x38;
	[tilespmem:$0x1CA00] =	vst v63  }
0x35e: {  	_ =	swait.ge [sflag:s26], $0x1400  }
0x35f: {  	[sflag:s26] =	ssyncset.done $0x0  }
0x360: {  	s19 =	rddreg [dreg:$0xb];
	[sflag:s26] =	ssyncadd.s32 $0xFFFFEC00  }
0x361: {  	[hbm4b:s19+s1] =	stream.linear.scatter [tilespmem:s21], [sflag:$0x3], $0x1400, $0x38;
	[tilespmem:$0x1CA00] =	vst v63  }
0x362: {  	_ =	swait.ge [sflag:s23], $0x1400  }
0x363: {  	[sflag:s23] =	ssyncset.done $0x0  }
0x364: {  	s19 =	rddreg [dreg:$0x8];
	[sflag:s23] =	ssyncadd.s32 $0xFFFFEC00  }
0x365: {  	[tilespmem:s21], [sflag:$0x4] =	stream.linear.gather [spmem:s19], $0x1400, $0x38;
	[tilespmem:$0x1CA00] =	vst v63  }
0x366: {  	_ =	swait.ge [sflag:s26], $0x1400  }
0x367: {  	[sflag:s26] =	ssyncset.done $0x0  }
0x368: {  	s20 =	rddreg [dreg:$0xc];
	[sflag:s26] =	ssyncadd.s32 $0xFFFFEC00  }
0x369: {  	[hbm4b:s20+s1] =	stream.linear.scatter [tilespmem:s21], [sflag:$0x4], $0x1400, $0x38;
	[tilespmem:$0x1CA00] =	vst v63  }
0x36a: {  	_ =	swait.ge [sflag:s26], $0x1400  }
0x36b: {  	[sflag:s26] =	ssyncset.done $0x0  }
0x36c: {  	s20 =	rddreg [dreg:$0x9];
	[sflag:s26] =	ssyncadd.s32 $0xFFFFEC00  }
0x36d: {  	[tilespmem:s21], [sflag:$0x4] =	stream.linear.gather [spmem:s20], $0x1400, $0x38;
	[tilespmem:$0x1CA00] =	vst v63  }
0x36e: {  	_ =	swait.ge [sflag:s26], $0x1400  }
0x36f: {  	[sflag:s26] =	ssyncset.done $0x0  }
0x370: {  	s28 =	sadd.s32 $0x20, s8;
	s22 =	rddreg [dreg:$0xd];
	[sflag:s26] =	ssyncadd.s32 $0xFFFFEC00  }
0x371: {  	[hbm4b:s22+s1] =	stream.linear.scatter [tilespmem:s21], [sflag:$0x3], $0x1400, $0x38;
	[tilespmem:$0x1CA00] =	vst v63  }
0x372: {  	p0 =	sgt.u32 s28, $0xF9;
	_ =	swait.ge [sflag:s23], $0x1400  }
0x373: {  	s2 =	simm.s32 @!p0 $0x3D80;
	[sflag:s23] =	ssyncset.done $0x0  }
0x374: {  	s1 =	simm.s32 @!p0 $0x4;
	s22 =	rddreg [dreg:$0xe];
	[sflag:s23] =	ssyncadd.s32 $0xFFFFEC00  }
0x375: {  	[tilespmem:s2], [sflag:$0x4] =	stream.linear.gather @!p0 [spmem:s22], $0x1400, $0x38;
	[tilespmem:$0x1CA00] =	vst v63  }
0x376: {  	_ =	swait.ge @!p0 [sflag:s1], $0x1400  }
0x377: {  	s29 =	sadd.s32 $0x30, s8;
	s4 =	simm.s32 @!p0 $0x0;
	[sflag:s1] =	ssyncset.done @!p0 $0x0  }
0x378: {  	p1 =	por p0, p0;
	s11 =	rddreg [dreg:$0xf];
	[sflag:s1] =	ssyncadd.s32 @!p0 $0xFFFFEC00  }
0x379: {  	[hbm4b:s11+s4] =	stream.linear.scatter @!p1 [tilespmem:s2], [sflag:$0x4], $0x1400, $0x38;
	[tilespmem:$0x1CA00] =	vst v63  }
0x37a: {  	s3 =	simm.s32 $0x40;
	p0 =	sgt.u32 s29, $0xF9;
	_ =	swait.ge @!p1 [sflag:s1], $0x1400  }
0x37b: {  	s2 =	sadd.s32 $0x2800, s11;
	s4 =	sadd.s32 $0x14000, s22;
	[sflag:s1] =	ssyncset.done @!p1 $0x0  }
.LBB2_12:
0x37c: {  	s11 =	simm.s32 @!p0 $0x3D80;
	[sflag:s1] =	ssyncadd.s32 @!p1 $0xFFFFEC00  }
0x37d: {  	s1 =	simm.s32 @!p0 $0x4;
	s12 =	smov.u32 s3;
	s3 =	sadd.s32 $0x10, s3  }
0x37e: {  	[tilespmem:s11], [sflag:$0x4] =	stream.linear.gather @!p0 [spmem:s4], $0x1400, $0x38;
	[tilespmem:$0x1CA00] =	vst v63  }
0x37f: {  	p2 =	sne.s32 s3, $0x100;
	_ =	swait.ge @!p0 [sflag:s1], $0x1400  }
.Ltmp5:
0x380: {  	[sflag:s1] =	ssyncset.done @!p0 $0x0;
	(pc) =	sbr.rel @p2 .LBB2_12-.Ltmp5, $4  }
0x381: {  	s13 =	simm.s32 @!p0 $0x0;
	p1 =	por p0, p0;
	[sflag:s1] =	ssyncadd.s32 @!p0 $0xFFFFEC00  }
0x382: {  	[hbm4b:s2+s13] =	stream.linear.scatter @!p1 [tilespmem:s11], [sflag:$0x4], $0x1400, $0x38;
	[tilespmem:$0x1CA00] =	vst v63  }
0x383: {  	s11 =	sadd.s32 s12, s8;
	s2 =	sadd.s32 $0x2800, s2;
	_ =	swait.ge @!p1 [sflag:s1], $0x1400  }
0x384: {  	s4 =	sadd.s32 $0x14000, s4;
	p0 =	sgt.u32 s11, $0xF9;
	[sflag:s1] =	ssyncset.done @!p1 $0x0  }
0x385: {  	s3 =	simm.s32 @!p0 $0x3D80;
	s11 =	simm.s32 @!p0 $0x4;
	[sflag:s1] =	ssyncadd.s32 @!p1 $0xFFFFEC00  }
0x386: {  	[tilespmem:s3], [sflag:$0x4] =	stream.linear.gather @!p0 [spmem:s4], $0x1400, $0x38;
	[tilespmem:$0x1CA00] =	vst v63  }
0x387: {  	_ =	swait.ge @!p0 [sflag:s11], $0x1400  }
0x388: {  	[sflag:s11] =	ssyncset.done @!p0 $0x0  }
0x389: {  	s1 =	simm.s32 @!p0 $0x0;
	[sflag:s11] =	ssyncadd.s32 @!p0 $0xFFFFEC00;
	p0 =	por p0, p0  }
0x38a: {  	[hbm4b:s2+s1] =	stream.linear.scatter @!p0 [tilespmem:s3], [sflag:$0x4], $0x1400, $0x38;
	[tilespmem:$0x1CA00] =	vst v63  }
0x38b: {  	_ =	swait.ge @!p0 [sflag:s11], $0x1400  }
0x38c: {  	s28 =	rddreg [dreg:$0x10]  }
0x38d: {  	s29 =	rddreg [dreg:$0x5];
	s2 =	sadd.s32 $0x1, s28  }
0x38e: {  	p1 =	sne.s32 s2, s29  }
.Ltmp6:
0x38f: {  	_ = 	snop;
	(pc) =	sbr.rel @p1 .LBB2_1-.Ltmp6, $3  }
0x390: {  	_ =	sdelay $0x1  }
0x391: {  	[sflag:s11] =	ssyncset.done @!p0 $0x0  }
0x392: {  	[sflag:s11] =	ssyncadd.s32 @!p0 $0xFFFFEC00  }
0x393: {  	_ =	sfence.sel $0x180000  }
0x394: {  	[bflag:$0x0] =	sbarrier.arrive $0xFFFF  }
0x395: {  	_ =	strace $0x90000047  }
0x396: {  	[bflag:$0x2] =	sbarrier.arrive $0xFFFF  }
0x397: {  	p0 =	sne.s32 s8, $0x0;
	s0 =	rddreg [dreg:$0x4]  }
0x398: {  	s0 =	sadd.s32 @!p0 $0x100000, s0  }
0x399: {  	[sflag:s0] =	ssyncadd.tile.s32 @!p0 $0x1;
	_ =	shalt  }
.Lfunc_end2:
_tile_overlayer_lowered:
.L_overlay_start_2:
0x39a: {  	(tag) =	ssettag $0x2  }
0x39b: {  	s0 =	rddreg [dreg:$0x0];
	s2 =	stileid.u32  }
0x39c: {  	s1 =	rddreg [dreg:$0x1];
	p0 =	sne.s32 s2, $0x0  }
0x39d: {  	s3 =	rddreg [dreg:$0x2];
	[bflag:$0x3] =	sbarrier.arrive $0xFFFF;
	s2 =	simm.s32 @!p0 $0x1C03  }
0x39e: {  	[timem:s3], [sflag:s2] =	dma.local @!p0 [hbm:s0], s1  }
0x39f: {  	s0 =	simm.s32 @!p0 $0x3  }
0x3a0: {  	_ =	swait.ge @!p0 [sflag:s0], s1  }
0x3a1: {  	s1 =	ssub.s32 @!p0 $0x0, s1;
	[sflag:s0] =	ssyncset.done @!p0 $0x0  }
0x3a2: {  	[sflag:s0] =	ssyncadd.s32 @!p0 s1  }
0x3a3: {  	[bflag:$0x3] =	sbarrier.arrive $0xFFFF  }
0x3a4: {  	_ =	shalt  }

</sc_bundles>
